<compile_context>
chip_gen: v7x
topology: tpu7x:2x2x1
jax: 0.10.2.dev20260603
libtpu: 0.0.44.dev20260713+nightly
codegen_flags: <defaults>
</compile_context>

<pallas_src>
import functools

import jax
import jax.numpy as jnp
from jax import lax
from jax.experimental import pallas as pl
from jax.experimental.pallas import tpu as pltpu
from jax.experimental.pallas import tpu_sc as plsc

NC = 2
NS = 16
L = 16
NW = NC * NS

E = 320000
D = 128
PER_W = E // NW
CHUNK = 80
N_ITERS = PER_W // CHUNK
N_SLOTS = 5
OUT_W = 5 * N_SLOTS * CHUNK


def _sc_body(z_hbm, src_hbm, dst_hbm, out_hbm, sidx_v, didx_v,
             srows, drows, out_v, sem_i0, sem_i1, sem_s, sem_d):
    wid = lax.axis_index("s") * NC + lax.axis_index("c")
    lane = lax.iota(jnp.int32, L)
    base_w = wid * PER_W

    ci0 = pltpu.async_copy(src_hbm.at[pl.ds(base_w, PER_W)], sidx_v, sem_i0)
    ci1 = pltpu.async_copy(dst_hbm.at[pl.ds(base_w, PER_W)], didx_v, sem_i1)
    ci0.wait()
    ci1.wait()

    def issue(b, chunk):
        off = chunk * CHUNK
        pltpu.async_copy(
            z_hbm.at[sidx_v.at[pl.ds(off, CHUNK)]], srows[b], sem_s[b])
        pltpu.async_copy(
            z_hbm.at[didx_v.at[pl.ds(off, CHUNK)]], drows[b], sem_d[b])

    for b in range(N_SLOTS):
        issue(b, b)

    def compute(b, o, chunk):
        cbase = ((o % 5) * N_SLOTS + (chunk - o * N_SLOTS)) * CHUNK

        def group_body(g, carry):
            eids = g * L + lane

            def d_blk(j, accs):
                a0, a1, a2, a3 = accs
                prods = []
                for u in range(16):
                    dv = (lane + (j * 16 + u)) & (D - 1)
                    s = plsc.load_gather(srows[b], [eids, dv])
                    t = plsc.load_gather(drows[b], [eids, dv])
                    prods.append(s * t)
                a0 = a0 + ((prods[0] + prods[1]) + (prods[2] + prods[3]))
                a1 = a1 + ((prods[4] + prods[5]) + (prods[6] + prods[7]))
                a2 = a2 + ((prods[8] + prods[9]) + (prods[10] + prods[11]))
                a3 = a3 + ((prods[12] + prods[13]) + (prods[14] + prods[15]))
                return a0, a1, a2, a3

            z4 = jnp.zeros((L,), jnp.float32)
            a0, a1, a2, a3 = lax.fori_loop(0, D // 16, d_blk,
                                           (z4, z4, z4, z4))
            acc = (a0 + a1) + (a2 + a3)
            out_v[pl.ds(cbase + g * L, L)] = 1.0 / (1.0 + jnp.exp(-acc))
            return carry

        lax.fori_loop(0, CHUNK // L, group_body, 0)

    def outer(o, carry):
        for b in range(N_SLOTS):
            chunk = o * N_SLOTS + b
            pltpu.make_async_copy(
                z_hbm.at[sidx_v.at[pl.ds(0, CHUNK)]], srows[b],
                sem_s[b]).wait()
            pltpu.make_async_copy(
                z_hbm.at[didx_v.at[pl.ds(0, CHUNK)]], drows[b],
                sem_d[b]).wait()
            compute(b, o, chunk)
            nxt = chunk + N_SLOTS

            @pl.when(nxt < N_ITERS)
            def _issue_next():
                issue(b, nxt)

        @pl.when(o % 5 == 4)
        def _flush():
            pltpu.sync_copy(
                out_v, out_hbm.at[pl.ds(base_w + (o // 5) * OUT_W, OUT_W)])

        return carry

    lax.fori_loop(0, N_ITERS // N_SLOTS, outer, 0)


@jax.jit
def _run(z, src, dst):
    mesh = plsc.VectorSubcoreMesh(
        core_axis_name="c", subcore_axis_name="s",
        num_cores=NC, num_subcores=NS)
    kfn = pl.kernel(
        _sc_body,
        out_type=jax.ShapeDtypeStruct((E,), jnp.float32),
        mesh=mesh,
        scratch_types=[
            pltpu.VMEM((PER_W,), jnp.int32),
            pltpu.VMEM((PER_W,), jnp.int32),
            [pltpu.VMEM((CHUNK, D), jnp.float32) for _ in range(N_SLOTS)],
            [pltpu.VMEM((CHUNK, D), jnp.float32) for _ in range(N_SLOTS)],
            pltpu.VMEM((OUT_W,), jnp.float32),
            pltpu.SemaphoreType.DMA,
            pltpu.SemaphoreType.DMA,
            [pltpu.SemaphoreType.DMA for _ in range(N_SLOTS)],
            [pltpu.SemaphoreType.DMA for _ in range(N_SLOTS)],
        ],
        compiler_params=pltpu.CompilerParams(needs_layout_passes=False),
    )
    return kfn(z, src, dst)


def kernel(z, edge_index):
    src = edge_index[0].astype(jnp.int32)
    dst = edge_index[1].astype(jnp.int32)
    return _run(z, src, dst)

# --- scband reference (transcript-rebuilt; emitter-appended) ---
"""Pipeline reference for scband-gae-1486058684440 (READ-ONLY COPY).

The authoritative reference and input builder live on the scoring server;
editing this copy changes nothing except your own understanding.
"""

import jax, jax.numpy as jnp
import numpy as np


def setup_inputs(seed: int = 0) -> dict:
    key = jax.random.key(seed)
    kz, ke = jax.random.split(key, 2)
    z = jax.random.normal(kz, (10000, 128), dtype=jnp.float32)
    edge_index = jax.random.randint(ke, (2, 320000), 0, 10000, dtype=jnp.int64)
    return {"z": z, "edge_index": edge_index}


def reference(z, edge_index):
    # InnerProductDecoder: sigmoid(sum(z[src] * z[dst], dim=1))
    src = jnp.take(z, edge_index[0], axis=0)
    dst = jnp.take(z, edge_index[1], axis=0)
    value = jnp.sum(src * dst, axis=1)
    return jax.nn.sigmoid(value)

if __name__ == "__main__":
    import jax
    _d = setup_inputs()
    print(jax.jit(kernel)(*tuple(_d.values())))

</pallas_src>

<mosaic_0001>
#map = affine_map<(d0, d1) -> (0, 0)>
#map1 = affine_map<(d0, d1) -> (0)>
module attributes {stable_mosaic.version = 14 : i64} {
  func.func @_sc_body(%arg0: i32, %arg1: i32, %arg2: memref<10000x128xf32, #tpu.memory_space<hbm>>, %arg3: memref<320000xi32, #tpu.memory_space<hbm>>, %arg4: memref<320000xi32, #tpu.memory_space<hbm>>, %arg5: memref<320000xf32, #tpu.memory_space<hbm>>, %arg6: memref<10000xi32, #tpu.memory_space<vmem>>, %arg7: memref<10000xi32, #tpu.memory_space<vmem>>, %arg8: memref<80x128xf32, #tpu.memory_space<vmem>>, %arg9: memref<80x128xf32, #tpu.memory_space<vmem>>, %arg10: memref<80x128xf32, #tpu.memory_space<vmem>>, %arg11: memref<80x128xf32, #tpu.memory_space<vmem>>, %arg12: memref<80x128xf32, #tpu.memory_space<vmem>>, %arg13: memref<80x128xf32, #tpu.memory_space<vmem>>, %arg14: memref<80x128xf32, #tpu.memory_space<vmem>>, %arg15: memref<80x128xf32, #tpu.memory_space<vmem>>, %arg16: memref<80x128xf32, #tpu.memory_space<vmem>>, %arg17: memref<80x128xf32, #tpu.memory_space<vmem>>, %arg18: memref<2000xf32, #tpu.memory_space<vmem>>, %arg19: memref<!tpu.dma_semaphore, #tpu.memory_space<semaphore_mem>>, %arg20: memref<!tpu.dma_semaphore, #tpu.memory_space<semaphore_mem>>, %arg21: memref<!tpu.dma_semaphore, #tpu.memory_space<semaphore_mem>>, %arg22: memref<!tpu.dma_semaphore, #tpu.memory_space<semaphore_mem>>, %arg23: memref<!tpu.dma_semaphore, #tpu.memory_space<semaphore_mem>>, %arg24: memref<!tpu.dma_semaphore, #tpu.memory_space<semaphore_mem>>, %arg25: memref<!tpu.dma_semaphore, #tpu.memory_space<semaphore_mem>>, %arg26: memref<!tpu.dma_semaphore, #tpu.memory_space<semaphore_mem>>, %arg27: memref<!tpu.dma_semaphore, #tpu.memory_space<semaphore_mem>>, %arg28: memref<!tpu.dma_semaphore, #tpu.memory_space<semaphore_mem>>, %arg29: memref<!tpu.dma_semaphore, #tpu.memory_space<semaphore_mem>>, %arg30: memref<!tpu.dma_semaphore, #tpu.memory_space<semaphore_mem>>) attributes {dimension_semantics = [#tpu.dimension_semantics<core_parallel>, #tpu.dimension_semantics<subcore_parallel>], iteration_bounds = array<i64: 2, 16>, scalar_prefetch = 0 : i64, scratch_operands = 25 : i64, tpu.core_type = #tpu.core_type<sc_vector_subcore>, window_params = [{transform_indices = #map}, {transform_indices = #map1}, {transform_indices = #map1}, {transform_indices = #map1}]} {
    %mul3A = arith.constant 2 : i32
    %mul3A_0 = arith.muli %arg1, %mul3A : i32
    %add3A = arith.addi %mul3A_0, %arg0 : i32
    %iota3A = tpu.iota {dimensions = array<i32: 0>} : vector<16xi32>
    %mul3A_1 = arith.constant 10000 : i32
    %mul3A_2 = arith.muli %add3A, %mul3A_1 : i32
    %dma_start3A = tpu.memref_slice %arg3[%mul3A_2] : memref<320000xi32, #tpu.memory_space<hbm>> -> memref<10000xi32, #tpu.memory_space<hbm>>
    %dma_start3A_3 = tpu.memref_slice %arg3[%mul3A_2] : memref<320000xi32, #tpu.memory_space<hbm>> -> memref<10000xi32, #tpu.memory_space<hbm>>
    tpu.enqueue_dma source(%dma_start3A_3 : memref<10000xi32, #tpu.memory_space<hbm>>) target(%arg6 : memref<10000xi32, #tpu.memory_space<vmem>>) target_semaphore(%arg19 : memref<!tpu.dma_semaphore, #tpu.memory_space<semaphore_mem>>)
    %dma_start3A_4 = tpu.memref_slice %arg4[%mul3A_2] : memref<320000xi32, #tpu.memory_space<hbm>> -> memref<10000xi32, #tpu.memory_space<hbm>>
    %dma_start3A_5 = tpu.memref_slice %arg4[%mul3A_2] : memref<320000xi32, #tpu.memory_space<hbm>> -> memref<10000xi32, #tpu.memory_space<hbm>>
    tpu.enqueue_dma source(%dma_start3A_5 : memref<10000xi32, #tpu.memory_space<hbm>>) target(%arg7 : memref<10000xi32, #tpu.memory_space<vmem>>) target_semaphore(%arg20 : memref<!tpu.dma_semaphore, #tpu.memory_space<semaphore_mem>>)
    %dma_wait3A = tpu.memref_slice %arg3[%mul3A_2] : memref<320000xi32, #tpu.memory_space<hbm>> -> memref<10000xi32, #tpu.memory_space<hbm>>
    %dma_wait3A_6 = tpu.memref_slice %arg3[%mul3A_2] : memref<320000xi32, #tpu.memory_space<hbm>> -> memref<10000xi32, #tpu.memory_space<hbm>>
    tpu.wait_dma2 semaphore(%arg19 : memref<!tpu.dma_semaphore, #tpu.memory_space<semaphore_mem>>) src(%dma_wait3A_6 : memref<10000xi32, #tpu.memory_space<hbm>>) dst(%arg6 : memref<10000xi32, #tpu.memory_space<vmem>>)
    %dma_wait3A_7 = tpu.memref_slice %arg4[%mul3A_2] : memref<320000xi32, #tpu.memory_space<hbm>> -> memref<10000xi32, #tpu.memory_space<hbm>>
    %dma_wait3A_8 = tpu.memref_slice %arg4[%mul3A_2] : memref<320000xi32, #tpu.memory_space<hbm>> -> memref<10000xi32, #tpu.memory_space<hbm>>
    tpu.wait_dma2 semaphore(%arg20 : memref<!tpu.dma_semaphore, #tpu.memory_space<semaphore_mem>>) src(%dma_wait3A_8 : memref<10000xi32, #tpu.memory_space<hbm>>) dst(%arg7 : memref<10000xi32, #tpu.memory_space<vmem>>)
    %dma_start3A_9 = arith.constant 0 : i32
    %dma_start3A_10 = tpu.memref_slice %arg6[%dma_start3A_9] : memref<10000xi32, #tpu.memory_space<vmem>> -> memref<80xi32, #tpu.memory_space<vmem>>
    %dma_start3A_11 = arith.constant 0 : i32
    %dma_start3A_12 = arith.constant 0 : i32
    %dma_start3A_13 = tpu.memref_slice %arg2[%dma_start3A_11, %dma_start3A_12] : memref<10000x128xf32, #tpu.memory_space<hbm>> -> memref<10000x128xf32, #tpu.memory_space<hbm>>
    tpu.enqueue_indirect_dma source(%dma_start3A_13 : memref<10000x128xf32, #tpu.memory_space<hbm>>) target(%arg8 : memref<80x128xf32, #tpu.memory_space<vmem>>) offsets(%dma_start3A_10 : memref<80xi32, #tpu.memory_space<vmem>>) semaphore(%arg21 : memref<!tpu.dma_semaphore, #tpu.memory_space<semaphore_mem>>)
    %dma_start3A_14 = arith.constant 0 : i32
    %dma_start3A_15 = tpu.memref_slice %arg7[%dma_start3A_14] : memref<10000xi32, #tpu.memory_space<vmem>> -> memref<80xi32, #tpu.memory_space<vmem>>
    %dma_start3A_16 = arith.constant 0 : i32
    %dma_start3A_17 = arith.constant 0 : i32
    %dma_start3A_18 = tpu.memref_slice %arg2[%dma_start3A_16, %dma_start3A_17] : memref<10000x128xf32, #tpu.memory_space<hbm>> -> memref<10000x128xf32, #tpu.memory_space<hbm>>
    tpu.enqueue_indirect_dma source(%dma_start3A_18 : memref<10000x128xf32, #tpu.memory_space<hbm>>) target(%arg13 : memref<80x128xf32, #tpu.memory_space<vmem>>) offsets(%dma_start3A_15 : memref<80xi32, #tpu.memory_space<vmem>>) semaphore(%arg26 : memref<!tpu.dma_semaphore, #tpu.memory_space<semaphore_mem>>)
    %dma_start3A_19 = arith.constant 80 : i32
    %dma_start3A_20 = tpu.memref_slice %arg6[%dma_start3A_19] : memref<10000xi32, #tpu.memory_space<vmem>> -> memref<80xi32, #tpu.memory_space<vmem>>
    %dma_start3A_21 = arith.constant 0 : i32
    %dma_start3A_22 = arith.constant 0 : i32
    %dma_start3A_23 = tpu.memref_slice %arg2[%dma_start3A_21, %dma_start3A_22] : memref<10000x128xf32, #tpu.memory_space<hbm>> -> memref<10000x128xf32, #tpu.memory_space<hbm>>
    tpu.enqueue_indirect_dma source(%dma_start3A_23 : memref<10000x128xf32, #tpu.memory_space<hbm>>) target(%arg9 : memref<80x128xf32, #tpu.memory_space<vmem>>) offsets(%dma_start3A_20 : memref<80xi32, #tpu.memory_space<vmem>>) semaphore(%arg22 : memref<!tpu.dma_semaphore, #tpu.memory_space<semaphore_mem>>)
    %dma_start3A_24 = arith.constant 80 : i32
    %dma_start3A_25 = tpu.memref_slice %arg7[%dma_start3A_24] : memref<10000xi32, #tpu.memory_space<vmem>> -> memref<80xi32, #tpu.memory_space<vmem>>
    %dma_start3A_26 = arith.constant 0 : i32
    %dma_start3A_27 = arith.constant 0 : i32
    %dma_start3A_28 = tpu.memref_slice %arg2[%dma_start3A_26, %dma_start3A_27] : memref<10000x128xf32, #tpu.memory_space<hbm>> -> memref<10000x128xf32, #tpu.memory_space<hbm>>
    tpu.enqueue_indirect_dma source(%dma_start3A_28 : memref<10000x128xf32, #tpu.memory_space<hbm>>) target(%arg14 : memref<80x128xf32, #tpu.memory_space<vmem>>) offsets(%dma_start3A_25 : memref<80xi32, #tpu.memory_space<vmem>>) semaphore(%arg27 : memref<!tpu.dma_semaphore, #tpu.memory_space<semaphore_mem>>)
    %dma_start3A_29 = arith.constant 160 : i32
    %dma_start3A_30 = tpu.memref_slice %arg6[%dma_start3A_29] : memref<10000xi32, #tpu.memory_space<vmem>> -> memref<80xi32, #tpu.memory_space<vmem>>
    %dma_start3A_31 = arith.constant 0 : i32
    %dma_start3A_32 = arith.constant 0 : i32
    %dma_start3A_33 = tpu.memref_slice %arg2[%dma_start3A_31, %dma_start3A_32] : memref<10000x128xf32, #tpu.memory_space<hbm>> -> memref<10000x128xf32, #tpu.memory_space<hbm>>
    tpu.enqueue_indirect_dma source(%dma_start3A_33 : memref<10000x128xf32, #tpu.memory_space<hbm>>) target(%arg10 : memref<80x128xf32, #tpu.memory_space<vmem>>) offsets(%dma_start3A_30 : memref<80xi32, #tpu.memory_space<vmem>>) semaphore(%arg23 : memref<!tpu.dma_semaphore, #tpu.memory_space<semaphore_mem>>)
    %dma_start3A_34 = arith.constant 160 : i32
    %dma_start3A_35 = tpu.memref_slice %arg7[%dma_start3A_34] : memref<10000xi32, #tpu.memory_space<vmem>> -> memref<80xi32, #tpu.memory_space<vmem>>
    %dma_start3A_36 = arith.constant 0 : i32
    %dma_start3A_37 = arith.constant 0 : i32
    %dma_start3A_38 = tpu.memref_slice %arg2[%dma_start3A_36, %dma_start3A_37] : memref<10000x128xf32, #tpu.memory_space<hbm>> -> memref<10000x128xf32, #tpu.memory_space<hbm>>
    tpu.enqueue_indirect_dma source(%dma_start3A_38 : memref<10000x128xf32, #tpu.memory_space<hbm>>) target(%arg15 : memref<80x128xf32, #tpu.memory_space<vmem>>) offsets(%dma_start3A_35 : memref<80xi32, #tpu.memory_space<vmem>>) semaphore(%arg28 : memref<!tpu.dma_semaphore, #tpu.memory_space<semaphore_mem>>)
    %dma_start3A_39 = arith.constant 240 : i32
    %dma_start3A_40 = tpu.memref_slice %arg6[%dma_start3A_39] : memref<10000xi32, #tpu.memory_space<vmem>> -> memref<80xi32, #tpu.memory_space<vmem>>
    %dma_start3A_41 = arith.constant 0 : i32
    %dma_start3A_42 = arith.constant 0 : i32
    %dma_start3A_43 = tpu.memref_slice %arg2[%dma_start3A_41, %dma_start3A_42] : memref<10000x128xf32, #tpu.memory_space<hbm>> -> memref<10000x128xf32, #tpu.memory_space<hbm>>
    tpu.enqueue_indirect_dma source(%dma_start3A_43 : memref<10000x128xf32, #tpu.memory_space<hbm>>) target(%arg11 : memref<80x128xf32, #tpu.memory_space<vmem>>) offsets(%dma_start3A_40 : memref<80xi32, #tpu.memory_space<vmem>>) semaphore(%arg24 : memref<!tpu.dma_semaphore, #tpu.memory_space<semaphore_mem>>)
    %dma_start3A_44 = arith.constant 240 : i32
    %dma_start3A_45 = tpu.memref_slice %arg7[%dma_start3A_44] : memref<10000xi32, #tpu.memory_space<vmem>> -> memref<80xi32, #tpu.memory_space<vmem>>
    %dma_start3A_46 = arith.constant 0 : i32
    %dma_start3A_47 = arith.constant 0 : i32
    %dma_start3A_48 = tpu.memref_slice %arg2[%dma_start3A_46, %dma_start3A_47] : memref<10000x128xf32, #tpu.memory_space<hbm>> -> memref<10000x128xf32, #tpu.memory_space<hbm>>
    tpu.enqueue_indirect_dma source(%dma_start3A_48 : memref<10000x128xf32, #tpu.memory_space<hbm>>) target(%arg16 : memref<80x128xf32, #tpu.memory_space<vmem>>) offsets(%dma_start3A_45 : memref<80xi32, #tpu.memory_space<vmem>>) semaphore(%arg29 : memref<!tpu.dma_semaphore, #tpu.memory_space<semaphore_mem>>)
    %dma_start3A_49 = arith.constant 320 : i32
    %dma_start3A_50 = tpu.memref_slice %arg6[%dma_start3A_49] : memref<10000xi32, #tpu.memory_space<vmem>> -> memref<80xi32, #tpu.memory_space<vmem>>
    %dma_start3A_51 = arith.constant 0 : i32
    %dma_start3A_52 = arith.constant 0 : i32
    %dma_start3A_53 = tpu.memref_slice %arg2[%dma_start3A_51, %dma_start3A_52] : memref<10000x128xf32, #tpu.memory_space<hbm>> -> memref<10000x128xf32, #tpu.memory_space<hbm>>
    tpu.enqueue_indirect_dma source(%dma_start3A_53 : memref<10000x128xf32, #tpu.memory_space<hbm>>) target(%arg12 : memref<80x128xf32, #tpu.memory_space<vmem>>) offsets(%dma_start3A_50 : memref<80xi32, #tpu.memory_space<vmem>>) semaphore(%arg25 : memref<!tpu.dma_semaphore, #tpu.memory_space<semaphore_mem>>)
    %dma_start3A_54 = arith.constant 320 : i32
    %dma_start3A_55 = tpu.memref_slice %arg7[%dma_start3A_54] : memref<10000xi32, #tpu.memory_space<vmem>> -> memref<80xi32, #tpu.memory_space<vmem>>
    %dma_start3A_56 = arith.constant 0 : i32
    %dma_start3A_57 = arith.constant 0 : i32
    %dma_start3A_58 = tpu.memref_slice %arg2[%dma_start3A_56, %dma_start3A_57] : memref<10000x128xf32, #tpu.memory_space<hbm>> -> memref<10000x128xf32, #tpu.memory_space<hbm>>
    tpu.enqueue_indirect_dma source(%dma_start3A_58 : memref<10000x128xf32, #tpu.memory_space<hbm>>) target(%arg17 : memref<80x128xf32, #tpu.memory_space<vmem>>) offsets(%dma_start3A_55 : memref<80xi32, #tpu.memory_space<vmem>>) semaphore(%arg30 : memref<!tpu.dma_semaphore, #tpu.memory_space<semaphore_mem>>)
    %scan3A = arith.constant 0 : i32
    %scan3A_59 = arith.constant 0 : i32
    %scan3A_60 = arith.constant 25 : i32
    %scan3A_61 = arith.addi %scan3A_59, %scan3A_60 : i32
    %scan3A_62 = arith.constant 1 : i32
    scf.for %scan3A_64 = %scan3A_59 to %scan3A_61 step %scan3A_62  : i32 {
      %mul3A_65 = arith.constant 5 : i32
      %mul3A_66 = arith.muli %scan3A_64, %mul3A_65 : i32
      %add3A_67 = arith.constant 0 : i32
      %add3A_68 = arith.addi %mul3A_66, %add3A_67 : i32
      %dma_wait3A_69 = arith.constant 0 : i32
      %dma_wait3A_70 = tpu.memref_slice %arg6[%dma_wait3A_69] : memref<10000xi32, #tpu.memory_space<vmem>> -> memref<80xi32, #tpu.memory_space<vmem>>
      %dma_wait3A_71 = arith.constant 0 : i32
      %dma_wait3A_72 = arith.constant 0 : i32
      %dma_wait3A_73 = tpu.memref_slice %arg2[%dma_wait3A_71, %dma_wait3A_72] : memref<10000x128xf32, #tpu.memory_space<hbm>> -> memref<10000x128xf32, #tpu.memory_space<hbm>>
      tpu.wait_indirect_dma semaphore(%arg21 : memref<!tpu.dma_semaphore, #tpu.memory_space<semaphore_mem>>) src(%dma_wait3A_73 : memref<10000x128xf32, #tpu.memory_space<hbm>>) dst(%arg8 : memref<80x128xf32, #tpu.memory_space<vmem>>)
      %dma_wait3A_74 = arith.constant 0 : i32
      %dma_wait3A_75 = tpu.memref_slice %arg7[%dma_wait3A_74] : memref<10000xi32, #tpu.memory_space<vmem>> -> memref<80xi32, #tpu.memory_space<vmem>>
      %dma_wait3A_76 = arith.constant 0 : i32
      %dma_wait3A_77 = arith.constant 0 : i32
      %dma_wait3A_78 = tpu.memref_slice %arg2[%dma_wait3A_76, %dma_wait3A_77] : memref<10000x128xf32, #tpu.memory_space<hbm>> -> memref<10000x128xf32, #tpu.memory_space<hbm>>
      tpu.wait_indirect_dma semaphore(%arg26 : memref<!tpu.dma_semaphore, #tpu.memory_space<semaphore_mem>>) src(%dma_wait3A_78 : memref<10000x128xf32, #tpu.memory_space<hbm>>) dst(%arg13 : memref<80x128xf32, #tpu.memory_space<vmem>>)
      %jit3A = arith.constant 5 : i32
      %eq3A = arith.constant 0 : i32
      %eq3A_79 = arith.cmpi eq, %jit3A, %eq3A : i32
      %jit3A_80 = arith.constant 1 : i32
      %select_n3A = arith.select %eq3A_79, %jit3A_80, %jit3A : i32
      %rem3A = arith.remsi %scan3A_64, %select_n3A : i32
      %ne3A = arith.constant 0 : i32
      %ne3A_81 = arith.cmpi ne, %rem3A, %ne3A : i32
      %lt3A = arith.constant 0 : i32
      %lt3A_82 = arith.cmpi slt, %rem3A, %lt3A : i32
      %lt3A_83 = arith.constant 0 : i32
      %lt3A_84 = arith.cmpi slt, %select_n3A, %lt3A_83 : i32
      %ne3A_85 = arith.xori %lt3A_82, %lt3A_84 : i1
      %and3A = arith.andi %ne3A_85, %ne3A_81 : i1
      %add3A_86 = arith.addi %rem3A, %select_n3A : i32
      %select_n3A_87 = arith.select %and3A, %add3A_86, %rem3A : i32
      %mul3A_88 = arith.constant 5 : i32
      %mul3A_89 = arith.muli %select_n3A_87, %mul3A_88 : i32
      %mul3A_90 = arith.constant 5 : i32
      %mul3A_91 = arith.muli %scan3A_64, %mul3A_90 : i32
      %sub3A = arith.subi %add3A_68, %mul3A_91 : i32
      %add3A_92 = arith.addi %mul3A_89, %sub3A : i32
      %mul3A_93 = arith.constant 80 : i32
      %mul3A_94 = arith.muli %add3A_92, %mul3A_93 : i32
      %scan3A_95 = arith.constant 0 : i32
      %scan3A_96 = arith.constant 0 : i32
      %scan3A_97 = arith.constant 5 : i32
      %scan3A_98 = arith.addi %scan3A_96, %scan3A_97 : i32
      %scan3A_99 = arith.constant 1 : i32
      scf.for %scan3A_331 = %scan3A_96 to %scan3A_98 step %scan3A_99  : i32 {
        %mul3A_332 = arith.constant 16 : i32
        %mul3A_333 = arith.muli %scan3A_331, %mul3A_332 : i32
        %add3A_334 = vector.broadcast %mul3A_333 : i32 to vector<16xi32>
        %add3A_335 = arith.addi %add3A_334, %iota3A : vector<16xi32>
        %broadcast_in_dim3A = arith.constant 0.000000e+00 : f32
        %broadcast_in_dim3A_336 = vector.broadcast %broadcast_in_dim3A : f32 to vector<16xf32>
        %scan3A_337 = arith.constant 0 : i32
        %scan3A_338 = arith.constant 8 : i32
        %scan3A_339 = arith.addi %scan3A_337, %scan3A_338 : i32
        %scan3A_340 = arith.constant 1 : i32
        %scan3A_341:4 = scf.for %scan3A_357 = %scan3A_337 to %scan3A_339 step %scan3A_340 iter_args(%scan3A_358 = %broadcast_in_dim3A_336, %scan3A_359 = %broadcast_in_dim3A_336, %scan3A_360 = %broadcast_in_dim3A_336, %scan3A_361 = %broadcast_in_dim3A_336) -> (vector<16xf32>, vector<16xf32>, vector<16xf32>, vector<16xf32>)  : i32 {
          %mul3A_362 = arith.constant 16 : i32
          %mul3A_363 = arith.muli %scan3A_357, %mul3A_362 : i32
          %add3A_364 = arith.constant 0 : i32
          %add3A_365 = arith.addi %mul3A_363, %add3A_364 : i32
          %add3A_366 = vector.broadcast %add3A_365 : i32 to vector<16xi32>
          %add3A_367 = arith.addi %iota3A, %add3A_366 : vector<16xi32>
          %and3A_368 = arith.constant 127 : i32
          %and3A_369 = vector.broadcast %and3A_368 : i32 to vector<16xi32>
          %and3A_370 = arith.andi %add3A_367, %and3A_369 : vector<16xi32>
          %gather3A = tpu.vector_load_idx %arg8[%add3A_335, %and3A_370] : memref<80x128xf32, #tpu.memory_space<vmem>>[vector<16xi32>, vector<16xi32>], vector<16xf32>,
          %gather3A_371 = tpu.vector_load_idx %arg13[%add3A_335, %and3A_370] : memref<80x128xf32, #tpu.memory_space<vmem>>[vector<16xi32>, vector<16xi32>], vector<16xf32>,
          %mul3A_372 = arith.mulf %gather3A, %gather3A_371 : vector<16xf32>
          %mul3A_373 = arith.constant 16 : i32
          %mul3A_374 = arith.muli %scan3A_357, %mul3A_373 : i32
          %add3A_375 = arith.constant 1 : i32
          %add3A_376 = arith.addi %mul3A_374, %add3A_375 : i32
          %add3A_377 = vector.broadcast %add3A_376 : i32 to vector<16xi32>
          %add3A_378 = arith.addi %iota3A, %add3A_377 : vector<16xi32>
          %and3A_379 = arith.constant 127 : i32
          %and3A_380 = vector.broadcast %and3A_379 : i32 to vector<16xi32>
          %and3A_381 = arith.andi %add3A_378, %and3A_380 : vector<16xi32>
          %gather3A_382 = tpu.vector_load_idx %arg8[%add3A_335, %and3A_381] : memref<80x128xf32, #tpu.memory_space<vmem>>[vector<16xi32>, vector<16xi32>], vector<16xf32>,
          %gather3A_383 = tpu.vector_load_idx %arg13[%add3A_335, %and3A_381] : memref<80x128xf32, #tpu.memory_space<vmem>>[vector<16xi32>, vector<16xi32>], vector<16xf32>,
          %mul3A_384 = arith.mulf %gather3A_382, %gather3A_383 : vector<16xf32>
          %mul3A_385 = arith.constant 16 : i32
          %mul3A_386 = arith.muli %scan3A_357, %mul3A_385 : i32
          %add3A_387 = arith.constant 2 : i32
          %add3A_388 = arith.addi %mul3A_386, %add3A_387 : i32
          %add3A_389 = vector.broadcast %add3A_388 : i32 to vector<16xi32>
          %add3A_390 = arith.addi %iota3A, %add3A_389 : vector<16xi32>
          %and3A_391 = arith.constant 127 : i32
          %and3A_392 = vector.broadcast %and3A_391 : i32 to vector<16xi32>
          %and3A_393 = arith.andi %add3A_390, %and3A_392 : vector<16xi32>
          %gather3A_394 = tpu.vector_load_idx %arg8[%add3A_335, %and3A_393] : memref<80x128xf32, #tpu.memory_space<vmem>>[vector<16xi32>, vector<16xi32>], vector<16xf32>,
          %gather3A_395 = tpu.vector_load_idx %arg13[%add3A_335, %and3A_393] : memref<80x128xf32, #tpu.memory_space<vmem>>[vector<16xi32>, vector<16xi32>], vector<16xf32>,
          %mul3A_396 = arith.mulf %gather3A_394, %gather3A_395 : vector<16xf32>
          %mul3A_397 = arith.constant 16 : i32
          %mul3A_398 = arith.muli %scan3A_357, %mul3A_397 : i32
          %add3A_399 = arith.constant 3 : i32
          %add3A_400 = arith.addi %mul3A_398, %add3A_399 : i32
          %add3A_401 = vector.broadcast %add3A_400 : i32 to vector<16xi32>
          %add3A_402 = arith.addi %iota3A, %add3A_401 : vector<16xi32>
          %and3A_403 = arith.constant 127 : i32
          %and3A_404 = vector.broadcast %and3A_403 : i32 to vector<16xi32>
          %and3A_405 = arith.andi %add3A_402, %and3A_404 : vector<16xi32>
          %gather3A_406 = tpu.vector_load_idx %arg8[%add3A_335, %and3A_405] : memref<80x128xf32, #tpu.memory_space<vmem>>[vector<16xi32>, vector<16xi32>], vector<16xf32>,
          %gather3A_407 = tpu.vector_load_idx %arg13[%add3A_335, %and3A_405] : memref<80x128xf32, #tpu.memory_space<vmem>>[vector<16xi32>, vector<16xi32>], vector<16xf32>,
          %mul3A_408 = arith.mulf %gather3A_406, %gather3A_407 : vector<16xf32>
          %mul3A_409 = arith.constant 16 : i32
          %mul3A_410 = arith.muli %scan3A_357, %mul3A_409 : i32
          %add3A_411 = arith.constant 4 : i32
          %add3A_412 = arith.addi %mul3A_410, %add3A_411 : i32
          %add3A_413 = vector.broadcast %add3A_412 : i32 to vector<16xi32>
          %add3A_414 = arith.addi %iota3A, %add3A_413 : vector<16xi32>
          %and3A_415 = arith.constant 127 : i32
          %and3A_416 = vector.broadcast %and3A_415 : i32 to vector<16xi32>
          %and3A_417 = arith.andi %add3A_414, %and3A_416 : vector<16xi32>
          %gather3A_418 = tpu.vector_load_idx %arg8[%add3A_335, %and3A_417] : memref<80x128xf32, #tpu.memory_space<vmem>>[vector<16xi32>, vector<16xi32>], vector<16xf32>,
          %gather3A_419 = tpu.vector_load_idx %arg13[%add3A_335, %and3A_417] : memref<80x128xf32, #tpu.memory_space<vmem>>[vector<16xi32>, vector<16xi32>], vector<16xf32>,
          %mul3A_420 = arith.mulf %gather3A_418, %gather3A_419 : vector<16xf32>
          %mul3A_421 = arith.constant 16 : i32
          %mul3A_422 = arith.muli %scan3A_357, %mul3A_421 : i32
          %add3A_423 = arith.constant 5 : i32
          %add3A_424 = arith.addi %mul3A_422, %add3A_423 : i32
          %add3A_425 = vector.broadcast %add3A_424 : i32 to vector<16xi32>
          %add3A_426 = arith.addi %iota3A, %add3A_425 : vector<16xi32>
          %and3A_427 = arith.constant 127 : i32
          %and3A_428 = vector.broadcast %and3A_427 : i32 to vector<16xi32>
          %and3A_429 = arith.andi %add3A_426, %and3A_428 : vector<16xi32>
          %gather3A_430 = tpu.vector_load_idx %arg8[%add3A_335, %and3A_429] : memref<80x128xf32, #tpu.memory_space<vmem>>[vector<16xi32>, vector<16xi32>], vector<16xf32>,
          %gather3A_431 = tpu.vector_load_idx %arg13[%add3A_335, %and3A_429] : memref<80x128xf32, #tpu.memory_space<vmem>>[vector<16xi32>, vector<16xi32>], vector<16xf32>,
          %mul3A_432 = arith.mulf %gather3A_430, %gather3A_431 : vector<16xf32>
          %mul3A_433 = arith.constant 16 : i32
          %mul3A_434 = arith.muli %scan3A_357, %mul3A_433 : i32
          %add3A_435 = arith.constant 6 : i32
          %add3A_436 = arith.addi %mul3A_434, %add3A_435 : i32
          %add3A_437 = vector.broadcast %add3A_436 : i32 to vector<16xi32>
          %add3A_438 = arith.addi %iota3A, %add3A_437 : vector<16xi32>
          %and3A_439 = arith.constant 127 : i32
          %and3A_440 = vector.broadcast %and3A_439 : i32 to vector<16xi32>
          %and3A_441 = arith.andi %add3A_438, %and3A_440 : vector<16xi32>
          %gather3A_442 = tpu.vector_load_idx %arg8[%add3A_335, %and3A_441] : memref<80x128xf32, #tpu.memory_space<vmem>>[vector<16xi32>, vector<16xi32>], vector<16xf32>,
          %gather3A_443 = tpu.vector_load_idx %arg13[%add3A_335, %and3A_441] : memref<80x128xf32, #tpu.memory_space<vmem>>[vector<16xi32>, vector<16xi32>], vector<16xf32>,
          %mul3A_444 = arith.mulf %gather3A_442, %gather3A_443 : vector<16xf32>
          %mul3A_445 = arith.constant 16 : i32
          %mul3A_446 = arith.muli %scan3A_357, %mul3A_445 : i32
          %add3A_447 = arith.constant 7 : i32
          %add3A_448 = arith.addi %mul3A_446, %add3A_447 : i32
          %add3A_449 = vector.broadcast %add3A_448 : i32 to vector<16xi32>
          %add3A_450 = arith.addi %iota3A, %add3A_449 : vector<16xi32>
          %and3A_451 = arith.constant 127 : i32
          %and3A_452 = vector.broadcast %and3A_451 : i32 to vector<16xi32>
          %and3A_453 = arith.andi %add3A_450, %and3A_452 : vector<16xi32>
          %gather3A_454 = tpu.vector_load_idx %arg8[%add3A_335, %and3A_453] : memref<80x128xf32, #tpu.memory_space<vmem>>[vector<16xi32>, vector<16xi32>], vector<16xf32>,
          %gather3A_455 = tpu.vector_load_idx %arg13[%add3A_335, %and3A_453] : memref<80x128xf32, #tpu.memory_space<vmem>>[vector<16xi32>, vector<16xi32>], vector<16xf32>,
          %mul3A_456 = arith.mulf %gather3A_454, %gather3A_455 : vector<16xf32>
          %mul3A_457 = arith.constant 16 : i32
          %mul3A_458 = arith.muli %scan3A_357, %mul3A_457 : i32
          %add3A_459 = arith.constant 8 : i32
          %add3A_460 = arith.addi %mul3A_458, %add3A_459 : i32
          %add3A_461 = vector.broadcast %add3A_460 : i32 to vector<16xi32>
          %add3A_462 = arith.addi %iota3A, %add3A_461 : vector<16xi32>
          %and3A_463 = arith.constant 127 : i32
          %and3A_464 = vector.broadcast %and3A_463 : i32 to vector<16xi32>
          %and3A_465 = arith.andi %add3A_462, %and3A_464 : vector<16xi32>
          %gather3A_466 = tpu.vector_load_idx %arg8[%add3A_335, %and3A_465] : memref<80x128xf32, #tpu.memory_space<vmem>>[vector<16xi32>, vector<16xi32>], vector<16xf32>,
          %gather3A_467 = tpu.vector_load_idx %arg13[%add3A_335, %and3A_465] : memref<80x128xf32, #tpu.memory_space<vmem>>[vector<16xi32>, vector<16xi32>], vector<16xf32>,
          %mul3A_468 = arith.mulf %gather3A_466, %gather3A_467 : vector<16xf32>
          %mul3A_469 = arith.constant 16 : i32
          %mul3A_470 = arith.muli %scan3A_357, %mul3A_469 : i32
          %add3A_471 = arith.constant 9 : i32
          %add3A_472 = arith.addi %mul3A_470, %add3A_471 : i32
          %add3A_473 = vector.broadcast %add3A_472 : i32 to vector<16xi32>
          %add3A_474 = arith.addi %iota3A, %add3A_473 : vector<16xi32>
          %and3A_475 = arith.constant 127 : i32
          %and3A_476 = vector.broadcast %and3A_475 : i32 to vector<16xi32>
          %and3A_477 = arith.andi %add3A_474, %and3A_476 : vector<16xi32>
          %gather3A_478 = tpu.vector_load_idx %arg8[%add3A_335, %and3A_477] : memref<80x128xf32, #tpu.memory_space<vmem>>[vector<16xi32>, vector<16xi32>], vector<16xf32>,
          %gather3A_479 = tpu.vector_load_idx %arg13[%add3A_335, %and3A_477] : memref<80x128xf32, #tpu.memory_space<vmem>>[vector<16xi32>, vector<16xi32>], vector<16xf32>,
          %mul3A_480 = arith.mulf %gather3A_478, %gather3A_479 : vector<16xf32>
          %mul3A_481 = arith.constant 16 : i32
          %mul3A_482 = arith.muli %scan3A_357, %mul3A_481 : i32
          %add3A_483 = arith.constant 10 : i32
          %add3A_484 = arith.addi %mul3A_482, %add3A_483 : i32
          %add3A_485 = vector.broadcast %add3A_484 : i32 to vector<16xi32>
          %add3A_486 = arith.addi %iota3A, %add3A_485 : vector<16xi32>
          %and3A_487 = arith.constant 127 : i32
          %and3A_488 = vector.broadcast %and3A_487 : i32 to vector<16xi32>
          %and3A_489 = arith.andi %add3A_486, %and3A_488 : vector<16xi32>
          %gather3A_490 = tpu.vector_load_idx %arg8[%add3A_335, %and3A_489] : memref<80x128xf32, #tpu.memory_space<vmem>>[vector<16xi32>, vector<16xi32>], vector<16xf32>,
          %gather3A_491 = tpu.vector_load_idx %arg13[%add3A_335, %and3A_489] : memref<80x128xf32, #tpu.memory_space<vmem>>[vector<16xi32>, vector<16xi32>], vector<16xf32>,
          %mul3A_492 = arith.mulf %gather3A_490, %gather3A_491 : vector<16xf32>
          %mul3A_493 = arith.constant 16 : i32
          %mul3A_494 = arith.muli %scan3A_357, %mul3A_493 : i32
          %add3A_495 = arith.constant 11 : i32
          %add3A_496 = arith.addi %mul3A_494, %add3A_495 : i32
          %add3A_497 = vector.broadcast %add3A_496 : i32 to vector<16xi32>
          %add3A_498 = arith.addi %iota3A, %add3A_497 : vector<16xi32>
          %and3A_499 = arith.constant 127 : i32
          %and3A_500 = vector.broadcast %and3A_499 : i32 to vector<16xi32>
          %and3A_501 = arith.andi %add3A_498, %and3A_500 : vector<16xi32>
          %gather3A_502 = tpu.vector_load_idx %arg8[%add3A_335, %and3A_501] : memref<80x128xf32, #tpu.memory_space<vmem>>[vector<16xi32>, vector<16xi32>], vector<16xf32>,
          %gather3A_503 = tpu.vector_load_idx %arg13[%add3A_335, %and3A_501] : memref<80x128xf32, #tpu.memory_space<vmem>>[vector<16xi32>, vector<16xi32>], vector<16xf32>,
          %mul3A_504 = arith.mulf %gather3A_502, %gather3A_503 : vector<16xf32>
          %mul3A_505 = arith.constant 16 : i32
          %mul3A_506 = arith.muli %scan3A_357, %mul3A_505 : i32
          %add3A_507 = arith.constant 12 : i32
          %add3A_508 = arith.addi %mul3A_506, %add3A_507 : i32
          %add3A_509 = vector.broadcast %add3A_508 : i32 to vector<16xi32>
          %add3A_510 = arith.addi %iota3A, %add3A_509 : vector<16xi32>
          %and3A_511 = arith.constant 127 : i32
          %and3A_512 = vector.broadcast %and3A_511 : i32 to vector<16xi32>
          %and3A_513 = arith.andi %add3A_510, %and3A_512 : vector<16xi32>
          %gather3A_514 = tpu.vector_load_idx %arg8[%add3A_335, %and3A_513] : memref<80x128xf32, #tpu.memory_space<vmem>>[vector<16xi32>, vector<16xi32>], vector<16xf32>,
          %gather3A_515 = tpu.vector_load_idx %arg13[%add3A_335, %and3A_513] : memref<80x128xf32, #tpu.memory_space<vmem>>[vector<16xi32>, vector<16xi32>], vector<16xf32>,
          %mul3A_516 = arith.mulf %gather3A_514, %gather3A_515 : vector<16xf32>
          %mul3A_517 = arith.constant 16 : i32
          %mul3A_518 = arith.muli %scan3A_357, %mul3A_517 : i32
          %add3A_519 = arith.constant 13 : i32
          %add3A_520 = arith.addi %mul3A_518, %add3A_519 : i32
          %add3A_521 = vector.broadcast %add3A_520 : i32 to vector<16xi32>
          %add3A_522 = arith.addi %iota3A, %add3A_521 : vector<16xi32>
          %and3A_523 = arith.constant 127 : i32
          %and3A_524 = vector.broadcast %and3A_523 : i32 to vector<16xi32>
          %and3A_525 = arith.andi %add3A_522, %and3A_524 : vector<16xi32>
          %gather3A_526 = tpu.vector_load_idx %arg8[%add3A_335, %and3A_525] : memref<80x128xf32, #tpu.memory_space<vmem>>[vector<16xi32>, vector<16xi32>], vector<16xf32>,
          %gather3A_527 = tpu.vector_load_idx %arg13[%add3A_335, %and3A_525] : memref<80x128xf32, #tpu.memory_space<vmem>>[vector<16xi32>, vector<16xi32>], vector<16xf32>,
          %mul3A_528 = arith.mulf %gather3A_526, %gather3A_527 : vector<16xf32>
          %mul3A_529 = arith.constant 16 : i32
          %mul3A_530 = arith.muli %scan3A_357, %mul3A_529 : i32
          %add3A_531 = arith.constant 14 : i32
          %add3A_532 = arith.addi %mul3A_530, %add3A_531 : i32
          %add3A_533 = vector.broadcast %add3A_532 : i32 to vector<16xi32>
          %add3A_534 = arith.addi %iota3A, %add3A_533 : vector<16xi32>
          %and3A_535 = arith.constant 127 : i32
          %and3A_536 = vector.broadcast %and3A_535 : i32 to vector<16xi32>
          %and3A_537 = arith.andi %add3A_534, %and3A_536 : vector<16xi32>
          %gather3A_538 = tpu.vector_load_idx %arg8[%add3A_335, %and3A_537] : memref<80x128xf32, #tpu.memory_space<vmem>>[vector<16xi32>, vector<16xi32>], vector<16xf32>,
          %gather3A_539 = tpu.vector_load_idx %arg13[%add3A_335, %and3A_537] : memref<80x128xf32, #tpu.memory_space<vmem>>[vector<16xi32>, vector<16xi32>], vector<16xf32>,
          %mul3A_540 = arith.mulf %gather3A_538, %gather3A_539 : vector<16xf32>
          %mul3A_541 = arith.constant 16 : i32
          %mul3A_542 = arith.muli %scan3A_357, %mul3A_541 : i32
          %add3A_543 = arith.constant 15 : i32
          %add3A_544 = arith.addi %mul3A_542, %add3A_543 : i32
          %add3A_545 = vector.broadcast %add3A_544 : i32 to vector<16xi32>
          %add3A_546 = arith.addi %iota3A, %add3A_545 : vector<16xi32>
          %and3A_547 = arith.constant 127 : i32
          %and3A_548 = vector.broadcast %and3A_547 : i32 to vector<16xi32>
          %and3A_549 = arith.andi %add3A_546, %and3A_548 : vector<16xi32>
          %gather3A_550 = tpu.vector_load_idx %arg8[%add3A_335, %and3A_549] : memref<80x128xf32, #tpu.memory_space<vmem>>[vector<16xi32>, vector<16xi32>], vector<16xf32>,
          %gather3A_551 = tpu.vector_load_idx %arg13[%add3A_335, %and3A_549] : memref<80x128xf32, #tpu.memory_space<vmem>>[vector<16xi32>, vector<16xi32>], vector<16xf32>,
          %mul3A_552 = arith.mulf %gather3A_550, %gather3A_551 : vector<16xf32>
          %add3A_553 = arith.addf %mul3A_372, %mul3A_384 : vector<16xf32>
          %add3A_554 = arith.addf %mul3A_396, %mul3A_408 : vector<16xf32>
          %add3A_555 = arith.addf %add3A_553, %add3A_554 : vector<16xf32>
          %add3A_556 = arith.addf %scan3A_358, %add3A_555 : vector<16xf32>
          %add3A_557 = arith.addf %mul3A_420, %mul3A_432 : vector<16xf32>
          %add3A_558 = arith.addf %mul3A_444, %mul3A_456 : vector<16xf32>
          %add3A_559 = arith.addf %add3A_557, %add3A_558 : vector<16xf32>
          %add3A_560 = arith.addf %scan3A_359, %add3A_559 : vector<16xf32>
          %add3A_561 = arith.addf %mul3A_468, %mul3A_480 : vector<16xf32>
          %add3A_562 = arith.addf %mul3A_492, %mul3A_504 : vector<16xf32>
          %add3A_563 = arith.addf %add3A_561, %add3A_562 : vector<16xf32>
          %add3A_564 = arith.addf %scan3A_360, %add3A_563 : vector<16xf32>
          %add3A_565 = arith.addf %mul3A_516, %mul3A_528 : vector<16xf32>
          %add3A_566 = arith.addf %mul3A_540, %mul3A_552 : vector<16xf32>
          %add3A_567 = arith.addf %add3A_565, %add3A_566 : vector<16xf32>
          %add3A_568 = arith.addf %scan3A_361, %add3A_567 : vector<16xf32>
          scf.yield %add3A_556, %add3A_560, %add3A_564, %add3A_568 : vector<16xf32>, vector<16xf32>, vector<16xf32>, vector<16xf32>
        }
        %scan3A_342 = arith.constant 8 : i32
        %add3A_343 = arith.addf %scan3A_341#0, %scan3A_341#1 : vector<16xf32>
        %add3A_344 = arith.addf %scan3A_341#2, %scan3A_341#3 : vector<16xf32>
        %add3A_345 = arith.addf %add3A_343, %add3A_344 : vector<16xf32>
        %neg3A = arith.constant 0.000000e+00 : f32
        %neg3A_346 = vector.broadcast %neg3A : f32 to vector<16xf32>
        %neg3A_347 = arith.subf %neg3A_346, %add3A_345 : vector<16xf32>
        %exp3A = math.exp %neg3A_347 : vector<16xf32>
        %add3A_348 = arith.constant 1.000000e+00 : f32
        %add3A_349 = vector.broadcast %add3A_348 : f32 to vector<16xf32>
        %add3A_350 = arith.addf %add3A_349, %exp3A : vector<16xf32>
        %div3A = arith.constant 1.000000e+00 : f32
        %div3A_351 = vector.broadcast %div3A : f32 to vector<16xf32>
        %div3A_352 = arith.divf %div3A_351, %add3A_350 : vector<16xf32>
        %mul3A_353 = arith.constant 16 : i32
        %mul3A_354 = arith.muli %scan3A_331, %mul3A_353 : i32
        %add3A_355 = arith.addi %mul3A_94, %mul3A_354 : i32
        %swap3A = arith.index_cast %add3A_355 : i32 to index
        %swap3A_356 = tpu.vector_load %arg18[%swap3A] {strides = array<i32>} : memref<2000xf32, #tpu.memory_space<vmem>>, vector<16xf32>,
        tpu.vector_store %arg18[%swap3A], %div3A_352 {strides = array<i32>} : memref<2000xf32, #tpu.memory_space<vmem>>, vector<16xf32>,
      }
      %scan3A_100 = arith.constant 5 : i32
      %add3A_101 = arith.constant 5 : i32
      %add3A_102 = arith.addi %add3A_68, %add3A_101 : i32
      %lt3A_103 = arith.constant 125 : i32
      %lt3A_104 = arith.cmpi slt, %add3A_102, %lt3A_103 : i32
      %convert_element_type3A = arith.extui %lt3A_104 : i1 to i32
      %cond3A = arith.constant 0 : i32
      %cond3A_105 = arith.cmpi ne, %convert_element_type3A, %cond3A : i32
      scf.if %cond3A_105 {
        %mul3A_331 = arith.constant 80 : i32
        %mul3A_332 = arith.muli %add3A_102, %mul3A_331 : i32
        %dma_start3A_333 = tpu.memref_slice %arg6[%mul3A_332] : memref<10000xi32, #tpu.memory_space<vmem>> -> memref<80xi32, #tpu.memory_space<vmem>>
        %dma_start3A_334 = arith.constant 0 : i32
        %dma_start3A_335 = arith.constant 0 : i32
        %dma_start3A_336 = tpu.memref_slice %arg2[%dma_start3A_334, %dma_start3A_335] : memref<10000x128xf32, #tpu.memory_space<hbm>> -> memref<10000x128xf32, #tpu.memory_space<hbm>>
        tpu.enqueue_indirect_dma source(%dma_start3A_336 : memref<10000x128xf32, #tpu.memory_space<hbm>>) target(%arg8 : memref<80x128xf32, #tpu.memory_space<vmem>>) offsets(%dma_start3A_333 : memref<80xi32, #tpu.memory_space<vmem>>) semaphore(%arg21 : memref<!tpu.dma_semaphore, #tpu.memory_space<semaphore_mem>>)
        %dma_start3A_337 = tpu.memref_slice %arg7[%mul3A_332] : memref<10000xi32, #tpu.memory_space<vmem>> -> memref<80xi32, #tpu.memory_space<vmem>>
        %dma_start3A_338 = arith.constant 0 : i32
        %dma_start3A_339 = arith.constant 0 : i32
        %dma_start3A_340 = tpu.memref_slice %arg2[%dma_start3A_338, %dma_start3A_339] : memref<10000x128xf32, #tpu.memory_space<hbm>> -> memref<10000x128xf32, #tpu.memory_space<hbm>>
        tpu.enqueue_indirect_dma source(%dma_start3A_340 : memref<10000x128xf32, #tpu.memory_space<hbm>>) target(%arg13 : memref<80x128xf32, #tpu.memory_space<vmem>>) offsets(%dma_start3A_337 : memref<80xi32, #tpu.memory_space<vmem>>) semaphore(%arg26 : memref<!tpu.dma_semaphore, #tpu.memory_space<semaphore_mem>>)
      } else {
      }
      %mul3A_106 = arith.constant 5 : i32
      %mul3A_107 = arith.muli %scan3A_64, %mul3A_106 : i32
      %add3A_108 = arith.constant 1 : i32
      %add3A_109 = arith.addi %mul3A_107, %add3A_108 : i32
      %dma_wait3A_110 = arith.constant 0 : i32
      %dma_wait3A_111 = tpu.memref_slice %arg6[%dma_wait3A_110] : memref<10000xi32, #tpu.memory_space<vmem>> -> memref<80xi32, #tpu.memory_space<vmem>>
      %dma_wait3A_112 = arith.constant 0 : i32
      %dma_wait3A_113 = arith.constant 0 : i32
      %dma_wait3A_114 = tpu.memref_slice %arg2[%dma_wait3A_112, %dma_wait3A_113] : memref<10000x128xf32, #tpu.memory_space<hbm>> -> memref<10000x128xf32, #tpu.memory_space<hbm>>
      tpu.wait_indirect_dma semaphore(%arg22 : memref<!tpu.dma_semaphore, #tpu.memory_space<semaphore_mem>>) src(%dma_wait3A_114 : memref<10000x128xf32, #tpu.memory_space<hbm>>) dst(%arg9 : memref<80x128xf32, #tpu.memory_space<vmem>>)
      %dma_wait3A_115 = arith.constant 0 : i32
      %dma_wait3A_116 = tpu.memref_slice %arg7[%dma_wait3A_115] : memref<10000xi32, #tpu.memory_space<vmem>> -> memref<80xi32, #tpu.memory_space<vmem>>
      %dma_wait3A_117 = arith.constant 0 : i32
      %dma_wait3A_118 = arith.constant 0 : i32
      %dma_wait3A_119 = tpu.memref_slice %arg2[%dma_wait3A_117, %dma_wait3A_118] : memref<10000x128xf32, #tpu.memory_space<hbm>> -> memref<10000x128xf32, #tpu.memory_space<hbm>>
      tpu.wait_indirect_dma semaphore(%arg27 : memref<!tpu.dma_semaphore, #tpu.memory_space<semaphore_mem>>) src(%dma_wait3A_119 : memref<10000x128xf32, #tpu.memory_space<hbm>>) dst(%arg14 : memref<80x128xf32, #tpu.memory_space<vmem>>)
      %jit3A_120 = arith.constant 5 : i32
      %eq3A_121 = arith.constant 0 : i32
      %eq3A_122 = arith.cmpi eq, %jit3A_120, %eq3A_121 : i32
      %jit3A_123 = arith.constant 1 : i32
      %select_n3A_124 = arith.select %eq3A_122, %jit3A_123, %jit3A_120 : i32
      %rem3A_125 = arith.remsi %scan3A_64, %select_n3A_124 : i32
      %ne3A_126 = arith.constant 0 : i32
      %ne3A_127 = arith.cmpi ne, %rem3A_125, %ne3A_126 : i32
      %lt3A_128 = arith.constant 0 : i32
      %lt3A_129 = arith.cmpi slt, %rem3A_125, %lt3A_128 : i32
      %lt3A_130 = arith.constant 0 : i32
      %lt3A_131 = arith.cmpi slt, %select_n3A_124, %lt3A_130 : i32
      %ne3A_132 = arith.xori %lt3A_129, %lt3A_131 : i1
      %and3A_133 = arith.andi %ne3A_132, %ne3A_127 : i1
      %add3A_134 = arith.addi %rem3A_125, %select_n3A_124 : i32
      %select_n3A_135 = arith.select %and3A_133, %add3A_134, %rem3A_125 : i32
      %mul3A_136 = arith.constant 5 : i32
      %mul3A_137 = arith.muli %select_n3A_135, %mul3A_136 : i32
      %mul3A_138 = arith.constant 5 : i32
      %mul3A_139 = arith.muli %scan3A_64, %mul3A_138 : i32
      %sub3A_140 = arith.subi %add3A_109, %mul3A_139 : i32
      %add3A_141 = arith.addi %mul3A_137, %sub3A_140 : i32
      %mul3A_142 = arith.constant 80 : i32
      %mul3A_143 = arith.muli %add3A_141, %mul3A_142 : i32
      %scan3A_144 = arith.constant 0 : i32
      %scan3A_145 = arith.constant 0 : i32
      %scan3A_146 = arith.constant 5 : i32
      %scan3A_147 = arith.addi %scan3A_145, %scan3A_146 : i32
      %scan3A_148 = arith.constant 1 : i32
      scf.for %scan3A_331 = %scan3A_145 to %scan3A_147 step %scan3A_148  : i32 {
        %mul3A_332 = arith.constant 16 : i32
        %mul3A_333 = arith.muli %scan3A_331, %mul3A_332 : i32
        %add3A_334 = vector.broadcast %mul3A_333 : i32 to vector<16xi32>
        %add3A_335 = arith.addi %add3A_334, %iota3A : vector<16xi32>
        %broadcast_in_dim3A = arith.constant 0.000000e+00 : f32
        %broadcast_in_dim3A_336 = vector.broadcast %broadcast_in_dim3A : f32 to vector<16xf32>
        %scan3A_337 = arith.constant 0 : i32
        %scan3A_338 = arith.constant 8 : i32
        %scan3A_339 = arith.addi %scan3A_337, %scan3A_338 : i32
        %scan3A_340 = arith.constant 1 : i32
        %scan3A_341:4 = scf.for %scan3A_357 = %scan3A_337 to %scan3A_339 step %scan3A_340 iter_args(%scan3A_358 = %broadcast_in_dim3A_336, %scan3A_359 = %broadcast_in_dim3A_336, %scan3A_360 = %broadcast_in_dim3A_336, %scan3A_361 = %broadcast_in_dim3A_336) -> (vector<16xf32>, vector<16xf32>, vector<16xf32>, vector<16xf32>)  : i32 {
          %mul3A_362 = arith.constant 16 : i32
          %mul3A_363 = arith.muli %scan3A_357, %mul3A_362 : i32
          %add3A_364 = arith.constant 0 : i32
          %add3A_365 = arith.addi %mul3A_363, %add3A_364 : i32
          %add3A_366 = vector.broadcast %add3A_365 : i32 to vector<16xi32>
          %add3A_367 = arith.addi %iota3A, %add3A_366 : vector<16xi32>
          %and3A_368 = arith.constant 127 : i32
          %and3A_369 = vector.broadcast %and3A_368 : i32 to vector<16xi32>
          %and3A_370 = arith.andi %add3A_367, %and3A_369 : vector<16xi32>
          %gather3A = tpu.vector_load_idx %arg9[%add3A_335, %and3A_370] : memref<80x128xf32, #tpu.memory_space<vmem>>[vector<16xi32>, vector<16xi32>], vector<16xf32>,
          %gather3A_371 = tpu.vector_load_idx %arg14[%add3A_335, %and3A_370] : memref<80x128xf32, #tpu.memory_space<vmem>>[vector<16xi32>, vector<16xi32>], vector<16xf32>,
          %mul3A_372 = arith.mulf %gather3A, %gather3A_371 : vector<16xf32>
          %mul3A_373 = arith.constant 16 : i32
          %mul3A_374 = arith.muli %scan3A_357, %mul3A_373 : i32
          %add3A_375 = arith.constant 1 : i32
          %add3A_376 = arith.addi %mul3A_374, %add3A_375 : i32
          %add3A_377 = vector.broadcast %add3A_376 : i32 to vector<16xi32>
          %add3A_378 = arith.addi %iota3A, %add3A_377 : vector<16xi32>
          %and3A_379 = arith.constant 127 : i32
          %and3A_380 = vector.broadcast %and3A_379 : i32 to vector<16xi32>
          %and3A_381 = arith.andi %add3A_378, %and3A_380 : vector<16xi32>
          %gather3A_382 = tpu.vector_load_idx %arg9[%add3A_335, %and3A_381] : memref<80x128xf32, #tpu.memory_space<vmem>>[vector<16xi32>, vector<16xi32>], vector<16xf32>,
          %gather3A_383 = tpu.vector_load_idx %arg14[%add3A_335, %and3A_381] : memref<80x128xf32, #tpu.memory_space<vmem>>[vector<16xi32>, vector<16xi32>], vector<16xf32>,
          %mul3A_384 = arith.mulf %gather3A_382, %gather3A_383 : vector<16xf32>
          %mul3A_385 = arith.constant 16 : i32
          %mul3A_386 = arith.muli %scan3A_357, %mul3A_385 : i32
          %add3A_387 = arith.constant 2 : i32
          %add3A_388 = arith.addi %mul3A_386, %add3A_387 : i32
          %add3A_389 = vector.broadcast %add3A_388 : i32 to vector<16xi32>
          %add3A_390 = arith.addi %iota3A, %add3A_389 : vector<16xi32>
          %and3A_391 = arith.constant 127 : i32
          %and3A_392 = vector.broadcast %and3A_391 : i32 to vector<16xi32>
          %and3A_393 = arith.andi %add3A_390, %and3A_392 : vector<16xi32>
          %gather3A_394 = tpu.vector_load_idx %arg9[%add3A_335, %and3A_393] : memref<80x128xf32, #tpu.memory_space<vmem>>[vector<16xi32>, vector<16xi32>], vector<16xf32>,
          %gather3A_395 = tpu.vector_load_idx %arg14[%add3A_335, %and3A_393] : memref<80x128xf32, #tpu.memory_space<vmem>>[vector<16xi32>, vector<16xi32>], vector<16xf32>,
          %mul3A_396 = arith.mulf %gather3A_394, %gather3A_395 : vector<16xf32>
          %mul3A_397 = arith.constant 16 : i32
          %mul3A_398 = arith.muli %scan3A_357, %mul3A_397 : i32
          %add3A_399 = arith.constant 3 : i32
          %add3A_400 = arith.addi %mul3A_398, %add3A_399 : i32
          %add3A_401 = vector.broadcast %add3A_400 : i32 to vector<16xi32>
          %add3A_402 = arith.addi %iota3A, %add3A_401 : vector<16xi32>
          %and3A_403 = arith.constant 127 : i32
          %and3A_404 = vector.broadcast %and3A_403 : i32 to vector<16xi32>
          %and3A_405 = arith.andi %add3A_402, %and3A_404 : vector<16xi32>
          %gather3A_406 = tpu.vector_load_idx %arg9[%add3A_335, %and3A_405] : memref<80x128xf32, #tpu.memory_space<vmem>>[vector<16xi32>, vector<16xi32>], vector<16xf32>,
          %gather3A_407 = tpu.vector_load_idx %arg14[%add3A_335, %and3A_405] : memref<80x128xf32, #tpu.memory_space<vmem>>[vector<16xi32>, vector<16xi32>], vector<16xf32>,
          %mul3A_408 = arith.mulf %gather3A_406, %gather3A_407 : vector<16xf32>
          %mul3A_409 = arith.constant 16 : i32
          %mul3A_410 = arith.muli %scan3A_357, %mul3A_409 : i32
          %add3A_411 = arith.constant 4 : i32
          %add3A_412 = arith.addi %mul3A_410, %add3A_411 : i32
          %add3A_413 = vector.broadcast %add3A_412 : i32 to vector<16xi32>
          %add3A_414 = arith.addi %iota3A, %add3A_413 : vector<16xi32>
          %and3A_415 = arith.constant 127 : i32
          %and3A_416 = vector.broadcast %and3A_415 : i32 to vector<16xi32>
          %and3A_417 = arith.andi %add3A_414, %and3A_416 : vector<16xi32>
          %gather3A_418 = tpu.vector_load_idx %arg9[%add3A_335, %and3A_417] : memref<80x128xf32, #tpu.memory_space<vmem>>[vector<16xi32>, vector<16xi32>], vector<16xf32>,
          %gather3A_419 = tpu.vector_load_idx %arg14[%add3A_335, %and3A_417] : memref<80x128xf32, #tpu.memory_space<vmem>>[vector<16xi32>, vector<16xi32>], vector<16xf32>,
          %mul3A_420 = arith.mulf %gather3A_418, %gather3A_419 : vector<16xf32>
          %mul3A_421 = arith.constant 16 : i32
          %mul3A_422 = arith.muli %scan3A_357, %mul3A_421 : i32
          %add3A_423 = arith.constant 5 : i32
          %add3A_424 = arith.addi %mul3A_422, %add3A_423 : i32
          %add3A_425 = vector.broadcast %add3A_424 : i32 to vector<16xi32>
          %add3A_426 = arith.addi %iota3A, %add3A_425 : vector<16xi32>
          %and3A_427 = arith.constant 127 : i32
          %and3A_428 = vector.broadcast %and3A_427 : i32 to vector<16xi32>
          %and3A_429 = arith.andi %add3A_426, %and3A_428 : vector<16xi32>
          %gather3A_430 = tpu.vector_load_idx %arg9[%add3A_335, %and3A_429] : memref<80x128xf32, #tpu.memory_space<vmem>>[vector<16xi32>, vector<16xi32>], vector<16xf32>,
          %gather3A_431 = tpu.vector_load_idx %arg14[%add3A_335, %and3A_429] : memref<80x128xf32, #tpu.memory_space<vmem>>[vector<16xi32>, vector<16xi32>], vector<16xf32>,
          %mul3A_432 = arith.mulf %gather3A_430, %gather3A_431 : vector<16xf32>
          %mul3A_433 = arith.constant 16 : i32
          %mul3A_434 = arith.muli %scan3A_357, %mul3A_433 : i32
          %add3A_435 = arith.constant 6 : i32
          %add3A_436 = arith.addi %mul3A_434, %add3A_435 : i32
          %add3A_437 = vector.broadcast %add3A_436 : i32 to vector<16xi32>
          %add3A_438 = arith.addi %iota3A, %add3A_437 : vector<16xi32>
          %and3A_439 = arith.constant 127 : i32
          %and3A_440 = vector.broadcast %and3A_439 : i32 to vector<16xi32>
          %and3A_441 = arith.andi %add3A_438, %and3A_440 : vector<16xi32>
          %gather3A_442 = tpu.vector_load_idx %arg9[%add3A_335, %and3A_441] : memref<80x128xf32, #tpu.memory_space<vmem>>[vector<16xi32>, vector<16xi32>], vector<16xf32>,
          %gather3A_443 = tpu.vector_load_idx %arg14[%add3A_335, %and3A_441] : memref<80x128xf32, #tpu.memory_space<vmem>>[vector<16xi32>, vector<16xi32>], vector<16xf32>,
          %mul3A_444 = arith.mulf %gather3A_442, %gather3A_443 : vector<16xf32>
          %mul3A_445 = arith.constant 16 : i32
          %mul3A_446 = arith.muli %scan3A_357, %mul3A_445 : i32
          %add3A_447 = arith.constant 7 : i32
          %add3A_448 = arith.addi %mul3A_446, %add3A_447 : i32
          %add3A_449 = vector.broadcast %add3A_448 : i32 to vector<16xi32>
          %add3A_450 = arith.addi %iota3A, %add3A_449 : vector<16xi32>
          %and3A_451 = arith.constant 127 : i32
          %and3A_452 = vector.broadcast %and3A_451 : i32 to vector<16xi32>
          %and3A_453 = arith.andi %add3A_450, %and3A_452 : vector<16xi32>
          %gather3A_454 = tpu.vector_load_idx %arg9[%add3A_335, %and3A_453] : memref<80x128xf32, #tpu.memory_space<vmem>>[vector<16xi32>, vector<16xi32>], vector<16xf32>,
          %gather3A_455 = tpu.vector_load_idx %arg14[%add3A_335, %and3A_453] : memref<80x128xf32, #tpu.memory_space<vmem>>[vector<16xi32>, vector<16xi32>], vector<16xf32>,
          %mul3A_456 = arith.mulf %gather3A_454, %gather3A_455 : vector<16xf32>
          %mul3A_457 = arith.constant 16 : i32
          %mul3A_458 = arith.muli %scan3A_357, %mul3A_457 : i32
          %add3A_459 = arith.constant 8 : i32
          %add3A_460 = arith.addi %mul3A_458, %add3A_459 : i32
          %add3A_461 = vector.broadcast %add3A_460 : i32 to vector<16xi32>
          %add3A_462 = arith.addi %iota3A, %add3A_461 : vector<16xi32>
          %and3A_463 = arith.constant 127 : i32
          %and3A_464 = vector.broadcast %and3A_463 : i32 to vector<16xi32>
          %and3A_465 = arith.andi %add3A_462, %and3A_464 : vector<16xi32>
          %gather3A_466 = tpu.vector_load_idx %arg9[%add3A_335, %and3A_465] : memref<80x128xf32, #tpu.memory_space<vmem>>[vector<16xi32>, vector<16xi32>], vector<16xf32>,
          %gather3A_467 = tpu.vector_load_idx %arg14[%add3A_335, %and3A_465] : memref<80x128xf32, #tpu.memory_space<vmem>>[vector<16xi32>, vector<16xi32>], vector<16xf32>,
          %mul3A_468 = arith.mulf %gather3A_466, %gather3A_467 : vector<16xf32>
          %mul3A_469 = arith.constant 16 : i32
          %mul3A_470 = arith.muli %scan3A_357, %mul3A_469 : i32
          %add3A_471 = arith.constant 9 : i32
          %add3A_472 = arith.addi %mul3A_470, %add3A_471 : i32
          %add3A_473 = vector.broadcast %add3A_472 : i32 to vector<16xi32>
          %add3A_474 = arith.addi %iota3A, %add3A_473 : vector<16xi32>
          %and3A_475 = arith.constant 127 : i32
          %and3A_476 = vector.broadcast %and3A_475 : i32 to vector<16xi32>
          %and3A_477 = arith.andi %add3A_474, %and3A_476 : vector<16xi32>
          %gather3A_478 = tpu.vector_load_idx %arg9[%add3A_335, %and3A_477] : memref<80x128xf32, #tpu.memory_space<vmem>>[vector<16xi32>, vector<16xi32>], vector<16xf32>,
          %gather3A_479 = tpu.vector_load_idx %arg14[%add3A_335, %and3A_477] : memref<80x128xf32, #tpu.memory_space<vmem>>[vector<16xi32>, vector<16xi32>], vector<16xf32>,
          %mul3A_480 = arith.mulf %gather3A_478, %gather3A_479 : vector<16xf32>
          %mul3A_481 = arith.constant 16 : i32
          %mul3A_482 = arith.muli %scan3A_357, %mul3A_481 : i32
          %add3A_483 = arith.constant 10 : i32
          %add3A_484 = arith.addi %mul3A_482, %add3A_483 : i32
          %add3A_485 = vector.broadcast %add3A_484 : i32 to vector<16xi32>
          %add3A_486 = arith.addi %iota3A, %add3A_485 : vector<16xi32>
          %and3A_487 = arith.constant 127 : i32
          %and3A_488 = vector.broadcast %and3A_487 : i32 to vector<16xi32>
          %and3A_489 = arith.andi %add3A_486, %and3A_488 : vector<16xi32>
          %gather3A_490 = tpu.vector_load_idx %arg9[%add3A_335, %and3A_489] : memref<80x128xf32, #tpu.memory_space<vmem>>[vector<16xi32>, vector<16xi32>], vector<16xf32>,
          %gather3A_491 = tpu.vector_load_idx %arg14[%add3A_335, %and3A_489] : memref<80x128xf32, #tpu.memory_space<vmem>>[vector<16xi32>, vector<16xi32>], vector<16xf32>,
          %mul3A_492 = arith.mulf %gather3A_490, %gather3A_491 : vector<16xf32>
          %mul3A_493 = arith.constant 16 : i32
          %mul3A_494 = arith.muli %scan3A_357, %mul3A_493 : i32
          %add3A_495 = arith.constant 11 : i32
          %add3A_496 = arith.addi %mul3A_494, %add3A_495 : i32
          %add3A_497 = vector.broadcast %add3A_496 : i32 to vector<16xi32>
          %add3A_498 = arith.addi %iota3A, %add3A_497 : vector<16xi32>
          %and3A_499 = arith.constant 127 : i32
          %and3A_500 = vector.broadcast %and3A_499 : i32 to vector<16xi32>
          %and3A_501 = arith.andi %add3A_498, %and3A_500 : vector<16xi32>
          %gather3A_502 = tpu.vector_load_idx %arg9[%add3A_335, %and3A_501] : memref<80x128xf32, #tpu.memory_space<vmem>>[vector<16xi32>, vector<16xi32>], vector<16xf32>,
          %gather3A_503 = tpu.vector_load_idx %arg14[%add3A_335, %and3A_501] : memref<80x128xf32, #tpu.memory_space<vmem>>[vector<16xi32>, vector<16xi32>], vector<16xf32>,
          %mul3A_504 = arith.mulf %gather3A_502, %gather3A_503 : vector<16xf32>
          %mul3A_505 = arith.constant 16 : i32
          %mul3A_506 = arith.muli %scan3A_357, %mul3A_505 : i32
          %add3A_507 = arith.constant 12 : i32
          %add3A_508 = arith.addi %mul3A_506, %add3A_507 : i32
          %add3A_509 = vector.broadcast %add3A_508 : i32 to vector<16xi32>
          %add3A_510 = arith.addi %iota3A, %add3A_509 : vector<16xi32>
          %and3A_511 = arith.constant 127 : i32
          %and3A_512 = vector.broadcast %and3A_511 : i32 to vector<16xi32>
          %and3A_513 = arith.andi %add3A_510, %and3A_512 : vector<16xi32>
          %gather3A_514 = tpu.vector_load_idx %arg9[%add3A_335, %and3A_513] : memref<80x128xf32, #tpu.memory_space<vmem>>[vector<16xi32>, vector<16xi32>], vector<16xf32>,
          %gather3A_515 = tpu.vector_load_idx %arg14[%add3A_335, %and3A_513] : memref<80x128xf32, #tpu.memory_space<vmem>>[vector<16xi32>, vector<16xi32>], vector<16xf32>,
          %mul3A_516 = arith.mulf %gather3A_514, %gather3A_515 : vector<16xf32>
          %mul3A_517 = arith.constant 16 : i32
          %mul3A_518 = arith.muli %scan3A_357, %mul3A_517 : i32
          %add3A_519 = arith.constant 13 : i32
          %add3A_520 = arith.addi %mul3A_518, %add3A_519 : i32
          %add3A_521 = vector.broadcast %add3A_520 : i32 to vector<16xi32>
          %add3A_522 = arith.addi %iota3A, %add3A_521 : vector<16xi32>
          %and3A_523 = arith.constant 127 : i32
          %and3A_524 = vector.broadcast %and3A_523 : i32 to vector<16xi32>
          %and3A_525 = arith.andi %add3A_522, %and3A_524 : vector<16xi32>
          %gather3A_526 = tpu.vector_load_idx %arg9[%add3A_335, %and3A_525] : memref<80x128xf32, #tpu.memory_space<vmem>>[vector<16xi32>, vector<16xi32>], vector<16xf32>,
          %gather3A_527 = tpu.vector_load_idx %arg14[%add3A_335, %and3A_525] : memref<80x128xf32, #tpu.memory_space<vmem>>[vector<16xi32>, vector<16xi32>], vector<16xf32>,
          %mul3A_528 = arith.mulf %gather3A_526, %gather3A_527 : vector<16xf32>
          %mul3A_529 = arith.constant 16 : i32
          %mul3A_530 = arith.muli %scan3A_357, %mul3A_529 : i32
          %add3A_531 = arith.constant 14 : i32
          %add3A_532 = arith.addi %mul3A_530, %add3A_531 : i32
          %add3A_533 = vector.broadcast %add3A_532 : i32 to vector<16xi32>
          %add3A_534 = arith.addi %iota3A, %add3A_533 : vector<16xi32>
          %and3A_535 = arith.constant 127 : i32
          %and3A_536 = vector.broadcast %and3A_535 : i32 to vector<16xi32>
          %and3A_537 = arith.andi %add3A_534, %and3A_536 : vector<16xi32>
          %gather3A_538 = tpu.vector_load_idx %arg9[%add3A_335, %and3A_537] : memref<80x128xf32, #tpu.memory_space<vmem>>[vector<16xi32>, vector<16xi32>], vector<16xf32>,
          %gather3A_539 = tpu.vector_load_idx %arg14[%add3A_335, %and3A_537] : memref<80x128xf32, #tpu.memory_space<vmem>>[vector<16xi32>, vector<16xi32>], vector<16xf32>,
          %mul3A_540 = arith.mulf %gather3A_538, %gather3A_539 : vector<16xf32>
          %mul3A_541 = arith.constant 16 : i32
          %mul3A_542 = arith.muli %scan3A_357, %mul3A_541 : i32
          %add3A_543 = arith.constant 15 : i32
          %add3A_544 = arith.addi %mul3A_542, %add3A_543 : i32
          %add3A_545 = vector.broadcast %add3A_544 : i32 to vector<16xi32>
          %add3A_546 = arith.addi %iota3A, %add3A_545 : vector<16xi32>
          %and3A_547 = arith.constant 127 : i32
          %and3A_548 = vector.broadcast %and3A_547 : i32 to vector<16xi32>
          %and3A_549 = arith.andi %add3A_546, %and3A_548 : vector<16xi32>
          %gather3A_550 = tpu.vector_load_idx %arg9[%add3A_335, %and3A_549] : memref<80x128xf32, #tpu.memory_space<vmem>>[vector<16xi32>, vector<16xi32>], vector<16xf32>,
          %gather3A_551 = tpu.vector_load_idx %arg14[%add3A_335, %and3A_549] : memref<80x128xf32, #tpu.memory_space<vmem>>[vector<16xi32>, vector<16xi32>], vector<16xf32>,
          %mul3A_552 = arith.mulf %gather3A_550, %gather3A_551 : vector<16xf32>
          %add3A_553 = arith.addf %mul3A_372, %mul3A_384 : vector<16xf32>
          %add3A_554 = arith.addf %mul3A_396, %mul3A_408 : vector<16xf32>
          %add3A_555 = arith.addf %add3A_553, %add3A_554 : vector<16xf32>
          %add3A_556 = arith.addf %scan3A_358, %add3A_555 : vector<16xf32>
          %add3A_557 = arith.addf %mul3A_420, %mul3A_432 : vector<16xf32>
          %add3A_558 = arith.addf %mul3A_444, %mul3A_456 : vector<16xf32>
          %add3A_559 = arith.addf %add3A_557, %add3A_558 : vector<16xf32>
          %add3A_560 = arith.addf %scan3A_359, %add3A_559 : vector<16xf32>
          %add3A_561 = arith.addf %mul3A_468, %mul3A_480 : vector<16xf32>
          %add3A_562 = arith.addf %mul3A_492, %mul3A_504 : vector<16xf32>
          %add3A_563 = arith.addf %add3A_561, %add3A_562 : vector<16xf32>
          %add3A_564 = arith.addf %scan3A_360, %add3A_563 : vector<16xf32>
          %add3A_565 = arith.addf %mul3A_516, %mul3A_528 : vector<16xf32>
          %add3A_566 = arith.addf %mul3A_540, %mul3A_552 : vector<16xf32>
          %add3A_567 = arith.addf %add3A_565, %add3A_566 : vector<16xf32>
          %add3A_568 = arith.addf %scan3A_361, %add3A_567 : vector<16xf32>
          scf.yield %add3A_556, %add3A_560, %add3A_564, %add3A_568 : vector<16xf32>, vector<16xf32>, vector<16xf32>, vector<16xf32>
        }
        %scan3A_342 = arith.constant 8 : i32
        %add3A_343 = arith.addf %scan3A_341#0, %scan3A_341#1 : vector<16xf32>
        %add3A_344 = arith.addf %scan3A_341#2, %scan3A_341#3 : vector<16xf32>
        %add3A_345 = arith.addf %add3A_343, %add3A_344 : vector<16xf32>
        %neg3A = arith.constant 0.000000e+00 : f32
        %neg3A_346 = vector.broadcast %neg3A : f32 to vector<16xf32>
        %neg3A_347 = arith.subf %neg3A_346, %add3A_345 : vector<16xf32>
        %exp3A = math.exp %neg3A_347 : vector<16xf32>
        %add3A_348 = arith.constant 1.000000e+00 : f32
        %add3A_349 = vector.broadcast %add3A_348 : f32 to vector<16xf32>
        %add3A_350 = arith.addf %add3A_349, %exp3A : vector<16xf32>
        %div3A = arith.constant 1.000000e+00 : f32
        %div3A_351 = vector.broadcast %div3A : f32 to vector<16xf32>
        %div3A_352 = arith.divf %div3A_351, %add3A_350 : vector<16xf32>
        %mul3A_353 = arith.constant 16 : i32
        %mul3A_354 = arith.muli %scan3A_331, %mul3A_353 : i32
        %add3A_355 = arith.addi %mul3A_143, %mul3A_354 : i32
        %swap3A = arith.index_cast %add3A_355 : i32 to index
        %swap3A_356 = tpu.vector_load %arg18[%swap3A] {strides = array<i32>} : memref<2000xf32, #tpu.memory_space<vmem>>, vector<16xf32>,
        tpu.vector_store %arg18[%swap3A], %div3A_352 {strides = array<i32>} : memref<2000xf32, #tpu.memory_space<vmem>>, vector<16xf32>,
      }
      %scan3A_149 = arith.constant 5 : i32
      %add3A_150 = arith.constant 5 : i32
      %add3A_151 = arith.addi %add3A_109, %add3A_150 : i32
      %lt3A_152 = arith.constant 125 : i32
      %lt3A_153 = arith.cmpi slt, %add3A_151, %lt3A_152 : i32
      %convert_element_type3A_154 = arith.extui %lt3A_153 : i1 to i32
      %cond3A_155 = arith.constant 0 : i32
      %cond3A_156 = arith.cmpi ne, %convert_element_type3A_154, %cond3A_155 : i32
      scf.if %cond3A_156 {
        %mul3A_331 = arith.constant 80 : i32
        %mul3A_332 = arith.muli %add3A_151, %mul3A_331 : i32
        %dma_start3A_333 = tpu.memref_slice %arg6[%mul3A_332] : memref<10000xi32, #tpu.memory_space<vmem>> -> memref<80xi32, #tpu.memory_space<vmem>>
        %dma_start3A_334 = arith.constant 0 : i32
        %dma_start3A_335 = arith.constant 0 : i32
        %dma_start3A_336 = tpu.memref_slice %arg2[%dma_start3A_334, %dma_start3A_335] : memref<10000x128xf32, #tpu.memory_space<hbm>> -> memref<10000x128xf32, #tpu.memory_space<hbm>>
        tpu.enqueue_indirect_dma source(%dma_start3A_336 : memref<10000x128xf32, #tpu.memory_space<hbm>>) target(%arg9 : memref<80x128xf32, #tpu.memory_space<vmem>>) offsets(%dma_start3A_333 : memref<80xi32, #tpu.memory_space<vmem>>) semaphore(%arg22 : memref<!tpu.dma_semaphore, #tpu.memory_space<semaphore_mem>>)
        %dma_start3A_337 = tpu.memref_slice %arg7[%mul3A_332] : memref<10000xi32, #tpu.memory_space<vmem>> -> memref<80xi32, #tpu.memory_space<vmem>>
        %dma_start3A_338 = arith.constant 0 : i32
        %dma_start3A_339 = arith.constant 0 : i32
        %dma_start3A_340 = tpu.memref_slice %arg2[%dma_start3A_338, %dma_start3A_339] : memref<10000x128xf32, #tpu.memory_space<hbm>> -> memref<10000x128xf32, #tpu.memory_space<hbm>>
        tpu.enqueue_indirect_dma source(%dma_start3A_340 : memref<10000x128xf32, #tpu.memory_space<hbm>>) target(%arg14 : memref<80x128xf32, #tpu.memory_space<vmem>>) offsets(%dma_start3A_337 : memref<80xi32, #tpu.memory_space<vmem>>) semaphore(%arg27 : memref<!tpu.dma_semaphore, #tpu.memory_space<semaphore_mem>>)
      } else {
      }
      %mul3A_157 = arith.constant 5 : i32
      %mul3A_158 = arith.muli %scan3A_64, %mul3A_157 : i32
      %add3A_159 = arith.constant 2 : i32
      %add3A_160 = arith.addi %mul3A_158, %add3A_159 : i32
      %dma_wait3A_161 = arith.constant 0 : i32
      %dma_wait3A_162 = tpu.memref_slice %arg6[%dma_wait3A_161] : memref<10000xi32, #tpu.memory_space<vmem>> -> memref<80xi32, #tpu.memory_space<vmem>>
      %dma_wait3A_163 = arith.constant 0 : i32
      %dma_wait3A_164 = arith.constant 0 : i32
      %dma_wait3A_165 = tpu.memref_slice %arg2[%dma_wait3A_163, %dma_wait3A_164] : memref<10000x128xf32, #tpu.memory_space<hbm>> -> memref<10000x128xf32, #tpu.memory_space<hbm>>
      tpu.wait_indirect_dma semaphore(%arg23 : memref<!tpu.dma_semaphore, #tpu.memory_space<semaphore_mem>>) src(%dma_wait3A_165 : memref<10000x128xf32, #tpu.memory_space<hbm>>) dst(%arg10 : memref<80x128xf32, #tpu.memory_space<vmem>>)
      %dma_wait3A_166 = arith.constant 0 : i32
      %dma_wait3A_167 = tpu.memref_slice %arg7[%dma_wait3A_166] : memref<10000xi32, #tpu.memory_space<vmem>> -> memref<80xi32, #tpu.memory_space<vmem>>
      %dma_wait3A_168 = arith.constant 0 : i32
      %dma_wait3A_169 = arith.constant 0 : i32
      %dma_wait3A_170 = tpu.memref_slice %arg2[%dma_wait3A_168, %dma_wait3A_169] : memref<10000x128xf32, #tpu.memory_space<hbm>> -> memref<10000x128xf32, #tpu.memory_space<hbm>>
      tpu.wait_indirect_dma semaphore(%arg28 : memref<!tpu.dma_semaphore, #tpu.memory_space<semaphore_mem>>) src(%dma_wait3A_170 : memref<10000x128xf32, #tpu.memory_space<hbm>>) dst(%arg15 : memref<80x128xf32, #tpu.memory_space<vmem>>)
      %jit3A_171 = arith.constant 5 : i32
      %eq3A_172 = arith.constant 0 : i32
      %eq3A_173 = arith.cmpi eq, %jit3A_171, %eq3A_172 : i32
      %jit3A_174 = arith.constant 1 : i32
      %select_n3A_175 = arith.select %eq3A_173, %jit3A_174, %jit3A_171 : i32
      %rem3A_176 = arith.remsi %scan3A_64, %select_n3A_175 : i32
      %ne3A_177 = arith.constant 0 : i32
      %ne3A_178 = arith.cmpi ne, %rem3A_176, %ne3A_177 : i32
      %lt3A_179 = arith.constant 0 : i32
      %lt3A_180 = arith.cmpi slt, %rem3A_176, %lt3A_179 : i32
      %lt3A_181 = arith.constant 0 : i32
      %lt3A_182 = arith.cmpi slt, %select_n3A_175, %lt3A_181 : i32
      %ne3A_183 = arith.xori %lt3A_180, %lt3A_182 : i1
      %and3A_184 = arith.andi %ne3A_183, %ne3A_178 : i1
      %add3A_185 = arith.addi %rem3A_176, %select_n3A_175 : i32
      %select_n3A_186 = arith.select %and3A_184, %add3A_185, %rem3A_176 : i32
      %mul3A_187 = arith.constant 5 : i32
      %mul3A_188 = arith.muli %select_n3A_186, %mul3A_187 : i32
      %mul3A_189 = arith.constant 5 : i32
      %mul3A_190 = arith.muli %scan3A_64, %mul3A_189 : i32
      %sub3A_191 = arith.subi %add3A_160, %mul3A_190 : i32
      %add3A_192 = arith.addi %mul3A_188, %sub3A_191 : i32
      %mul3A_193 = arith.constant 80 : i32
      %mul3A_194 = arith.muli %add3A_192, %mul3A_193 : i32
      %scan3A_195 = arith.constant 0 : i32
      %scan3A_196 = arith.constant 0 : i32
      %scan3A_197 = arith.constant 5 : i32
      %scan3A_198 = arith.addi %scan3A_196, %scan3A_197 : i32
      %scan3A_199 = arith.constant 1 : i32
      scf.for %scan3A_331 = %scan3A_196 to %scan3A_198 step %scan3A_199  : i32 {
        %mul3A_332 = arith.constant 16 : i32
        %mul3A_333 = arith.muli %scan3A_331, %mul3A_332 : i32
        %add3A_334 = vector.broadcast %mul3A_333 : i32 to vector<16xi32>
        %add3A_335 = arith.addi %add3A_334, %iota3A : vector<16xi32>
        %broadcast_in_dim3A = arith.constant 0.000000e+00 : f32
        %broadcast_in_dim3A_336 = vector.broadcast %broadcast_in_dim3A : f32 to vector<16xf32>
        %scan3A_337 = arith.constant 0 : i32
        %scan3A_338 = arith.constant 8 : i32
        %scan3A_339 = arith.addi %scan3A_337, %scan3A_338 : i32
        %scan3A_340 = arith.constant 1 : i32
        %scan3A_341:4 = scf.for %scan3A_357 = %scan3A_337 to %scan3A_339 step %scan3A_340 iter_args(%scan3A_358 = %broadcast_in_dim3A_336, %scan3A_359 = %broadcast_in_dim3A_336, %scan3A_360 = %broadcast_in_dim3A_336, %scan3A_361 = %broadcast_in_dim3A_336) -> (vector<16xf32>, vector<16xf32>, vector<16xf32>, vector<16xf32>)  : i32 {
          %mul3A_362 = arith.constant 16 : i32
          %mul3A_363 = arith.muli %scan3A_357, %mul3A_362 : i32
          %add3A_364 = arith.constant 0 : i32
          %add3A_365 = arith.addi %mul3A_363, %add3A_364 : i32
          %add3A_366 = vector.broadcast %add3A_365 : i32 to vector<16xi32>
          %add3A_367 = arith.addi %iota3A, %add3A_366 : vector<16xi32>
          %and3A_368 = arith.constant 127 : i32
          %and3A_369 = vector.broadcast %and3A_368 : i32 to vector<16xi32>
          %and3A_370 = arith.andi %add3A_367, %and3A_369 : vector<16xi32>
          %gather3A = tpu.vector_load_idx %arg10[%add3A_335, %and3A_370] : memref<80x128xf32, #tpu.memory_space<vmem>>[vector<16xi32>, vector<16xi32>], vector<16xf32>,
          %gather3A_371 = tpu.vector_load_idx %arg15[%add3A_335, %and3A_370] : memref<80x128xf32, #tpu.memory_space<vmem>>[vector<16xi32>, vector<16xi32>], vector<16xf32>,
          %mul3A_372 = arith.mulf %gather3A, %gather3A_371 : vector<16xf32>
          %mul3A_373 = arith.constant 16 : i32
          %mul3A_374 = arith.muli %scan3A_357, %mul3A_373 : i32
          %add3A_375 = arith.constant 1 : i32
          %add3A_376 = arith.addi %mul3A_374, %add3A_375 : i32
          %add3A_377 = vector.broadcast %add3A_376 : i32 to vector<16xi32>
          %add3A_378 = arith.addi %iota3A, %add3A_377 : vector<16xi32>
          %and3A_379 = arith.constant 127 : i32
          %and3A_380 = vector.broadcast %and3A_379 : i32 to vector<16xi32>
          %and3A_381 = arith.andi %add3A_378, %and3A_380 : vector<16xi32>
          %gather3A_382 = tpu.vector_load_idx %arg10[%add3A_335, %and3A_381] : memref<80x128xf32, #tpu.memory_space<vmem>>[vector<16xi32>, vector<16xi32>], vector<16xf32>,
          %gather3A_383 = tpu.vector_load_idx %arg15[%add3A_335, %and3A_381] : memref<80x128xf32, #tpu.memory_space<vmem>>[vector<16xi32>, vector<16xi32>], vector<16xf32>,
          %mul3A_384 = arith.mulf %gather3A_382, %gather3A_383 : vector<16xf32>
          %mul3A_385 = arith.constant 16 : i32
          %mul3A_386 = arith.muli %scan3A_357, %mul3A_385 : i32
          %add3A_387 = arith.constant 2 : i32
          %add3A_388 = arith.addi %mul3A_386, %add3A_387 : i32
          %add3A_389 = vector.broadcast %add3A_388 : i32 to vector<16xi32>
          %add3A_390 = arith.addi %iota3A, %add3A_389 : vector<16xi32>
          %and3A_391 = arith.constant 127 : i32
          %and3A_392 = vector.broadcast %and3A_391 : i32 to vector<16xi32>
          %and3A_393 = arith.andi %add3A_390, %and3A_392 : vector<16xi32>
          %gather3A_394 = tpu.vector_load_idx %arg10[%add3A_335, %and3A_393] : memref<80x128xf32, #tpu.memory_space<vmem>>[vector<16xi32>, vector<16xi32>], vector<16xf32>,
          %gather3A_395 = tpu.vector_load_idx %arg15[%add3A_335, %and3A_393] : memref<80x128xf32, #tpu.memory_space<vmem>>[vector<16xi32>, vector<16xi32>], vector<16xf32>,
          %mul3A_396 = arith.mulf %gather3A_394, %gather3A_395 : vector<16xf32>
          %mul3A_397 = arith.constant 16 : i32
          %mul3A_398 = arith.muli %scan3A_357, %mul3A_397 : i32
          %add3A_399 = arith.constant 3 : i32
          %add3A_400 = arith.addi %mul3A_398, %add3A_399 : i32
          %add3A_401 = vector.broadcast %add3A_400 : i32 to vector<16xi32>
          %add3A_402 = arith.addi %iota3A, %add3A_401 : vector<16xi32>
          %and3A_403 = arith.constant 127 : i32
          %and3A_404 = vector.broadcast %and3A_403 : i32 to vector<16xi32>
          %and3A_405 = arith.andi %add3A_402, %and3A_404 : vector<16xi32>
          %gather3A_406 = tpu.vector_load_idx %arg10[%add3A_335, %and3A_405] : memref<80x128xf32, #tpu.memory_space<vmem>>[vector<16xi32>, vector<16xi32>], vector<16xf32>,
          %gather3A_407 = tpu.vector_load_idx %arg15[%add3A_335, %and3A_405] : memref<80x128xf32, #tpu.memory_space<vmem>>[vector<16xi32>, vector<16xi32>], vector<16xf32>,
          %mul3A_408 = arith.mulf %gather3A_406, %gather3A_407 : vector<16xf32>
          %mul3A_409 = arith.constant 16 : i32
          %mul3A_410 = arith.muli %scan3A_357, %mul3A_409 : i32
          %add3A_411 = arith.constant 4 : i32
          %add3A_412 = arith.addi %mul3A_410, %add3A_411 : i32
          %add3A_413 = vector.broadcast %add3A_412 : i32 to vector<16xi32>
          %add3A_414 = arith.addi %iota3A, %add3A_413 : vector<16xi32>
          %and3A_415 = arith.constant 127 : i32
          %and3A_416 = vector.broadcast %and3A_415 : i32 to vector<16xi32>
          %and3A_417 = arith.andi %add3A_414, %and3A_416 : vector<16xi32>
          %gather3A_418 = tpu.vector_load_idx %arg10[%add3A_335, %and3A_417] : memref<80x128xf32, #tpu.memory_space<vmem>>[vector<16xi32>, vector<16xi32>], vector<16xf32>,
          %gather3A_419 = tpu.vector_load_idx %arg15[%add3A_335, %and3A_417] : memref<80x128xf32, #tpu.memory_space<vmem>>[vector<16xi32>, vector<16xi32>], vector<16xf32>,
          %mul3A_420 = arith.mulf %gather3A_418, %gather3A_419 : vector<16xf32>
          %mul3A_421 = arith.constant 16 : i32
          %mul3A_422 = arith.muli %scan3A_357, %mul3A_421 : i32
          %add3A_423 = arith.constant 5 : i32
          %add3A_424 = arith.addi %mul3A_422, %add3A_423 : i32
          %add3A_425 = vector.broadcast %add3A_424 : i32 to vector<16xi32>
          %add3A_426 = arith.addi %iota3A, %add3A_425 : vector<16xi32>
          %and3A_427 = arith.constant 127 : i32
          %and3A_428 = vector.broadcast %and3A_427 : i32 to vector<16xi32>
          %and3A_429 = arith.andi %add3A_426, %and3A_428 : vector<16xi32>
          %gather3A_430 = tpu.vector_load_idx %arg10[%add3A_335, %and3A_429] : memref<80x128xf32, #tpu.memory_space<vmem>>[vector<16xi32>, vector<16xi32>], vector<16xf32>,
          %gather3A_431 = tpu.vector_load_idx %arg15[%add3A_335, %and3A_429] : memref<80x128xf32, #tpu.memory_space<vmem>>[vector<16xi32>, vector<16xi32>], vector<16xf32>,
          %mul3A_432 = arith.mulf %gather3A_430, %gather3A_431 : vector<16xf32>
          %mul3A_433 = arith.constant 16 : i32
          %mul3A_434 = arith.muli %scan3A_357, %mul3A_433 : i32
          %add3A_435 = arith.constant 6 : i32
          %add3A_436 = arith.addi %mul3A_434, %add3A_435 : i32
          %add3A_437 = vector.broadcast %add3A_436 : i32 to vector<16xi32>
          %add3A_438 = arith.addi %iota3A, %add3A_437 : vector<16xi32>
          %and3A_439 = arith.constant 127 : i32
          %and3A_440 = vector.broadcast %and3A_439 : i32 to vector<16xi32>
          %and3A_441 = arith.andi %add3A_438, %and3A_440 : vector<16xi32>
          %gather3A_442 = tpu.vector_load_idx %arg10[%add3A_335, %and3A_441] : memref<80x128xf32, #tpu.memory_space<vmem>>[vector<16xi32>, vector<16xi32>], vector<16xf32>,
          %gather3A_443 = tpu.vector_load_idx %arg15[%add3A_335, %and3A_441] : memref<80x128xf32, #tpu.memory_space<vmem>>[vector<16xi32>, vector<16xi32>], vector<16xf32>,
          %mul3A_444 = arith.mulf %gather3A_442, %gather3A_443 : vector<16xf32>
          %mul3A_445 = arith.constant 16 : i32
          %mul3A_446 = arith.muli %scan3A_357, %mul3A_445 : i32
          %add3A_447 = arith.constant 7 : i32
          %add3A_448 = arith.addi %mul3A_446, %add3A_447 : i32
          %add3A_449 = vector.broadcast %add3A_448 : i32 to vector<16xi32>
          %add3A_450 = arith.addi %iota3A, %add3A_449 : vector<16xi32>
          %and3A_451 = arith.constant 127 : i32
          %and3A_452 = vector.broadcast %and3A_451 : i32 to vector<16xi32>
          %and3A_453 = arith.andi %add3A_450, %and3A_452 : vector<16xi32>
          %gather3A_454 = tpu.vector_load_idx %arg10[%add3A_335, %and3A_453] : memref<80x128xf32, #tpu.memory_space<vmem>>[vector<16xi32>, vector<16xi32>], vector<16xf32>,
          %gather3A_455 = tpu.vector_load_idx %arg15[%add3A_335, %and3A_453] : memref<80x128xf32, #tpu.memory_space<vmem>>[vector<16xi32>, vector<16xi32>], vector<16xf32>,
          %mul3A_456 = arith.mulf %gather3A_454, %gather3A_455 : vector<16xf32>
          %mul3A_457 = arith.constant 16 : i32
          %mul3A_458 = arith.muli %scan3A_357, %mul3A_457 : i32
          %add3A_459 = arith.constant 8 : i32
          %add3A_460 = arith.addi %mul3A_458, %add3A_459 : i32
          %add3A_461 = vector.broadcast %add3A_460 : i32 to vector<16xi32>
          %add3A_462 = arith.addi %iota3A, %add3A_461 : vector<16xi32>
          %and3A_463 = arith.constant 127 : i32
          %and3A_464 = vector.broadcast %and3A_463 : i32 to vector<16xi32>
          %and3A_465 = arith.andi %add3A_462, %and3A_464 : vector<16xi32>
          %gather3A_466 = tpu.vector_load_idx %arg10[%add3A_335, %and3A_465] : memref<80x128xf32, #tpu.memory_space<vmem>>[vector<16xi32>, vector<16xi32>], vector<16xf32>,
          %gather3A_467 = tpu.vector_load_idx %arg15[%add3A_335, %and3A_465] : memref<80x128xf32, #tpu.memory_space<vmem>>[vector<16xi32>, vector<16xi32>], vector<16xf32>,
          %mul3A_468 = arith.mulf %gather3A_466, %gather3A_467 : vector<16xf32>
          %mul3A_469 = arith.constant 16 : i32
          %mul3A_470 = arith.muli %scan3A_357, %mul3A_469 : i32
          %add3A_471 = arith.constant 9 : i32
          %add3A_472 = arith.addi %mul3A_470, %add3A_471 : i32
          %add3A_473 = vector.broadcast %add3A_472 : i32 to vector<16xi32>
          %add3A_474 = arith.addi %iota3A, %add3A_473 : vector<16xi32>
          %and3A_475 = arith.constant 127 : i32
          %and3A_476 = vector.broadcast %and3A_475 : i32 to vector<16xi32>
          %and3A_477 = arith.andi %add3A_474, %and3A_476 : vector<16xi32>
          %gather3A_478 = tpu.vector_load_idx %arg10[%add3A_335, %and3A_477] : memref<80x128xf32, #tpu.memory_space<vmem>>[vector<16xi32>, vector<16xi32>], vector<16xf32>,
          %gather3A_479 = tpu.vector_load_idx %arg15[%add3A_335, %and3A_477] : memref<80x128xf32, #tpu.memory_space<vmem>>[vector<16xi32>, vector<16xi32>], vector<16xf32>,
          %mul3A_480 = arith.mulf %gather3A_478, %gather3A_479 : vector<16xf32>
          %mul3A_481 = arith.constant 16 : i32
          %mul3A_482 = arith.muli %scan3A_357, %mul3A_481 : i32
          %add3A_483 = arith.constant 10 : i32
          %add3A_484 = arith.addi %mul3A_482, %add3A_483 : i32
          %add3A_485 = vector.broadcast %add3A_484 : i32 to vector<16xi32>
          %add3A_486 = arith.addi %iota3A, %add3A_485 : vector<16xi32>
          %and3A_487 = arith.constant 127 : i32
          %and3A_488 = vector.broadcast %and3A_487 : i32 to vector<16xi32>
          %and3A_489 = arith.andi %add3A_486, %and3A_488 : vector<16xi32>
          %gather3A_490 = tpu.vector_load_idx %arg10[%add3A_335, %and3A_489] : memref<80x128xf32, #tpu.memory_space<vmem>>[vector<16xi32>, vector<16xi32>], vector<16xf32>,
          %gather3A_491 = tpu.vector_load_idx %arg15[%add3A_335, %and3A_489] : memref<80x128xf32, #tpu.memory_space<vmem>>[vector<16xi32>, vector<16xi32>], vector<16xf32>,
          %mul3A_492 = arith.mulf %gather3A_490, %gather3A_491 : vector<16xf32>
          %mul3A_493 = arith.constant 16 : i32
          %mul3A_494 = arith.muli %scan3A_357, %mul3A_493 : i32
          %add3A_495 = arith.constant 11 : i32
          %add3A_496 = arith.addi %mul3A_494, %add3A_495 : i32
          %add3A_497 = vector.broadcast %add3A_496 : i32 to vector<16xi32>
          %add3A_498 = arith.addi %iota3A, %add3A_497 : vector<16xi32>
          %and3A_499 = arith.constant 127 : i32
          %and3A_500 = vector.broadcast %and3A_499 : i32 to vector<16xi32>
          %and3A_501 = arith.andi %add3A_498, %and3A_500 : vector<16xi32>
          %gather3A_502 = tpu.vector_load_idx %arg10[%add3A_335, %and3A_501] : memref<80x128xf32, #tpu.memory_space<vmem>>[vector<16xi32>, vector<16xi32>], vector<16xf32>,
          %gather3A_503 = tpu.vector_load_idx %arg15[%add3A_335, %and3A_501] : memref<80x128xf32, #tpu.memory_space<vmem>>[vector<16xi32>, vector<16xi32>], vector<16xf32>,
          %mul3A_504 = arith.mulf %gather3A_502, %gather3A_503 : vector<16xf32>
          %mul3A_505 = arith.constant 16 : i32
          %mul3A_506 = arith.muli %scan3A_357, %mul3A_505 : i32
          %add3A_507 = arith.constant 12 : i32
          %add3A_508 = arith.addi %mul3A_506, %add3A_507 : i32
          %add3A_509 = vector.broadcast %add3A_508 : i32 to vector<16xi32>
          %add3A_510 = arith.addi %iota3A, %add3A_509 : vector<16xi32>
          %and3A_511 = arith.constant 127 : i32
          %and3A_512 = vector.broadcast %and3A_511 : i32 to vector<16xi32>
          %and3A_513 = arith.andi %add3A_510, %and3A_512 : vector<16xi32>
          %gather3A_514 = tpu.vector_load_idx %arg10[%add3A_335, %and3A_513] : memref<80x128xf32, #tpu.memory_space<vmem>>[vector<16xi32>, vector<16xi32>], vector<16xf32>,
          %gather3A_515 = tpu.vector_load_idx %arg15[%add3A_335, %and3A_513] : memref<80x128xf32, #tpu.memory_space<vmem>>[vector<16xi32>, vector<16xi32>], vector<16xf32>,
          %mul3A_516 = arith.mulf %gather3A_514, %gather3A_515 : vector<16xf32>
          %mul3A_517 = arith.constant 16 : i32
          %mul3A_518 = arith.muli %scan3A_357, %mul3A_517 : i32
          %add3A_519 = arith.constant 13 : i32
          %add3A_520 = arith.addi %mul3A_518, %add3A_519 : i32
          %add3A_521 = vector.broadcast %add3A_520 : i32 to vector<16xi32>
          %add3A_522 = arith.addi %iota3A, %add3A_521 : vector<16xi32>
          %and3A_523 = arith.constant 127 : i32
          %and3A_524 = vector.broadcast %and3A_523 : i32 to vector<16xi32>
          %and3A_525 = arith.andi %add3A_522, %and3A_524 : vector<16xi32>
          %gather3A_526 = tpu.vector_load_idx %arg10[%add3A_335, %and3A_525] : memref<80x128xf32, #tpu.memory_space<vmem>>[vector<16xi32>, vector<16xi32>], vector<16xf32>,
          %gather3A_527 = tpu.vector_load_idx %arg15[%add3A_335, %and3A_525] : memref<80x128xf32, #tpu.memory_space<vmem>>[vector<16xi32>, vector<16xi32>], vector<16xf32>,
          %mul3A_528 = arith.mulf %gather3A_526, %gather3A_527 : vector<16xf32>
          %mul3A_529 = arith.constant 16 : i32
          %mul3A_530 = arith.muli %scan3A_357, %mul3A_529 : i32
          %add3A_531 = arith.constant 14 : i32
          %add3A_532 = arith.addi %mul3A_530, %add3A_531 : i32
          %add3A_533 = vector.broadcast %add3A_532 : i32 to vector<16xi32>
          %add3A_534 = arith.addi %iota3A, %add3A_533 : vector<16xi32>
          %and3A_535 = arith.constant 127 : i32
          %and3A_536 = vector.broadcast %and3A_535 : i32 to vector<16xi32>
          %and3A_537 = arith.andi %add3A_534, %and3A_536 : vector<16xi32>
          %gather3A_538 = tpu.vector_load_idx %arg10[%add3A_335, %and3A_537] : memref<80x128xf32, #tpu.memory_space<vmem>>[vector<16xi32>, vector<16xi32>], vector<16xf32>,
          %gather3A_539 = tpu.vector_load_idx %arg15[%add3A_335, %and3A_537] : memref<80x128xf32, #tpu.memory_space<vmem>>[vector<16xi32>, vector<16xi32>], vector<16xf32>,
          %mul3A_540 = arith.mulf %gather3A_538, %gather3A_539 : vector<16xf32>
          %mul3A_541 = arith.constant 16 : i32
          %mul3A_542 = arith.muli %scan3A_357, %mul3A_541 : i32
          %add3A_543 = arith.constant 15 : i32
          %add3A_544 = arith.addi %mul3A_542, %add3A_543 : i32
          %add3A_545 = vector.broadcast %add3A_544 : i32 to vector<16xi32>
          %add3A_546 = arith.addi %iota3A, %add3A_545 : vector<16xi32>
          %and3A_547 = arith.constant 127 : i32
          %and3A_548 = vector.broadcast %and3A_547 : i32 to vector<16xi32>
          %and3A_549 = arith.andi %add3A_546, %and3A_548 : vector<16xi32>
          %gather3A_550 = tpu.vector_load_idx %arg10[%add3A_335, %and3A_549] : memref<80x128xf32, #tpu.memory_space<vmem>>[vector<16xi32>, vector<16xi32>], vector<16xf32>,
          %gather3A_551 = tpu.vector_load_idx %arg15[%add3A_335, %and3A_549] : memref<80x128xf32, #tpu.memory_space<vmem>>[vector<16xi32>, vector<16xi32>], vector<16xf32>,
          %mul3A_552 = arith.mulf %gather3A_550, %gather3A_551 : vector<16xf32>
          %add3A_553 = arith.addf %mul3A_372, %mul3A_384 : vector<16xf32>
          %add3A_554 = arith.addf %mul3A_396, %mul3A_408 : vector<16xf32>
          %add3A_555 = arith.addf %add3A_553, %add3A_554 : vector<16xf32>
          %add3A_556 = arith.addf %scan3A_358, %add3A_555 : vector<16xf32>
          %add3A_557 = arith.addf %mul3A_420, %mul3A_432 : vector<16xf32>
          %add3A_558 = arith.addf %mul3A_444, %mul3A_456 : vector<16xf32>
          %add3A_559 = arith.addf %add3A_557, %add3A_558 : vector<16xf32>
          %add3A_560 = arith.addf %scan3A_359, %add3A_559 : vector<16xf32>
          %add3A_561 = arith.addf %mul3A_468, %mul3A_480 : vector<16xf32>
          %add3A_562 = arith.addf %mul3A_492, %mul3A_504 : vector<16xf32>
          %add3A_563 = arith.addf %add3A_561, %add3A_562 : vector<16xf32>
          %add3A_564 = arith.addf %scan3A_360, %add3A_563 : vector<16xf32>
          %add3A_565 = arith.addf %mul3A_516, %mul3A_528 : vector<16xf32>
          %add3A_566 = arith.addf %mul3A_540, %mul3A_552 : vector<16xf32>
          %add3A_567 = arith.addf %add3A_565, %add3A_566 : vector<16xf32>
          %add3A_568 = arith.addf %scan3A_361, %add3A_567 : vector<16xf32>
          scf.yield %add3A_556, %add3A_560, %add3A_564, %add3A_568 : vector<16xf32>, vector<16xf32>, vector<16xf32>, vector<16xf32>
        }
        %scan3A_342 = arith.constant 8 : i32
        %add3A_343 = arith.addf %scan3A_341#0, %scan3A_341#1 : vector<16xf32>
        %add3A_344 = arith.addf %scan3A_341#2, %scan3A_341#3 : vector<16xf32>
        %add3A_345 = arith.addf %add3A_343, %add3A_344 : vector<16xf32>
        %neg3A = arith.constant 0.000000e+00 : f32
        %neg3A_346 = vector.broadcast %neg3A : f32 to vector<16xf32>
        %neg3A_347 = arith.subf %neg3A_346, %add3A_345 : vector<16xf32>
        %exp3A = math.exp %neg3A_347 : vector<16xf32>
        %add3A_348 = arith.constant 1.000000e+00 : f32
        %add3A_349 = vector.broadcast %add3A_348 : f32 to vector<16xf32>
        %add3A_350 = arith.addf %add3A_349, %exp3A : vector<16xf32>
        %div3A = arith.constant 1.000000e+00 : f32
        %div3A_351 = vector.broadcast %div3A : f32 to vector<16xf32>
        %div3A_352 = arith.divf %div3A_351, %add3A_350 : vector<16xf32>
        %mul3A_353 = arith.constant 16 : i32
        %mul3A_354 = arith.muli %scan3A_331, %mul3A_353 : i32
        %add3A_355 = arith.addi %mul3A_194, %mul3A_354 : i32
        %swap3A = arith.index_cast %add3A_355 : i32 to index
        %swap3A_356 = tpu.vector_load %arg18[%swap3A] {strides = array<i32>} : memref<2000xf32, #tpu.memory_space<vmem>>, vector<16xf32>,
        tpu.vector_store %arg18[%swap3A], %div3A_352 {strides = array<i32>} : memref<2000xf32, #tpu.memory_space<vmem>>, vector<16xf32>,
      }
      %scan3A_200 = arith.constant 5 : i32
      %add3A_201 = arith.constant 5 : i32
      %add3A_202 = arith.addi %add3A_160, %add3A_201 : i32
      %lt3A_203 = arith.constant 125 : i32
      %lt3A_204 = arith.cmpi slt, %add3A_202, %lt3A_203 : i32
      %convert_element_type3A_205 = arith.extui %lt3A_204 : i1 to i32
      %cond3A_206 = arith.constant 0 : i32
      %cond3A_207 = arith.cmpi ne, %convert_element_type3A_205, %cond3A_206 : i32
      scf.if %cond3A_207 {
        %mul3A_331 = arith.constant 80 : i32
        %mul3A_332 = arith.muli %add3A_202, %mul3A_331 : i32
        %dma_start3A_333 = tpu.memref_slice %arg6[%mul3A_332] : memref<10000xi32, #tpu.memory_space<vmem>> -> memref<80xi32, #tpu.memory_space<vmem>>
        %dma_start3A_334 = arith.constant 0 : i32
        %dma_start3A_335 = arith.constant 0 : i32
        %dma_start3A_336 = tpu.memref_slice %arg2[%dma_start3A_334, %dma_start3A_335] : memref<10000x128xf32, #tpu.memory_space<hbm>> -> memref<10000x128xf32, #tpu.memory_space<hbm>>
        tpu.enqueue_indirect_dma source(%dma_start3A_336 : memref<10000x128xf32, #tpu.memory_space<hbm>>) target(%arg10 : memref<80x128xf32, #tpu.memory_space<vmem>>) offsets(%dma_start3A_333 : memref<80xi32, #tpu.memory_space<vmem>>) semaphore(%arg23 : memref<!tpu.dma_semaphore, #tpu.memory_space<semaphore_mem>>)
        %dma_start3A_337 = tpu.memref_slice %arg7[%mul3A_332] : memref<10000xi32, #tpu.memory_space<vmem>> -> memref<80xi32, #tpu.memory_space<vmem>>
        %dma_start3A_338 = arith.constant 0 : i32
        %dma_start3A_339 = arith.constant 0 : i32
        %dma_start3A_340 = tpu.memref_slice %arg2[%dma_start3A_338, %dma_start3A_339] : memref<10000x128xf32, #tpu.memory_space<hbm>> -> memref<10000x128xf32, #tpu.memory_space<hbm>>
        tpu.enqueue_indirect_dma source(%dma_start3A_340 : memref<10000x128xf32, #tpu.memory_space<hbm>>) target(%arg15 : memref<80x128xf32, #tpu.memory_space<vmem>>) offsets(%dma_start3A_337 : memref<80xi32, #tpu.memory_space<vmem>>) semaphore(%arg28 : memref<!tpu.dma_semaphore, #tpu.memory_space<semaphore_mem>>)
      } else {
      }
      %mul3A_208 = arith.constant 5 : i32
      %mul3A_209 = arith.muli %scan3A_64, %mul3A_208 : i32
      %add3A_210 = arith.constant 3 : i32
      %add3A_211 = arith.addi %mul3A_209, %add3A_210 : i32
      %dma_wait3A_212 = arith.constant 0 : i32
      %dma_wait3A_213 = tpu.memref_slice %arg6[%dma_wait3A_212] : memref<10000xi32, #tpu.memory_space<vmem>> -> memref<80xi32, #tpu.memory_space<vmem>>
      %dma_wait3A_214 = arith.constant 0 : i32
      %dma_wait3A_215 = arith.constant 0 : i32
      %dma_wait3A_216 = tpu.memref_slice %arg2[%dma_wait3A_214, %dma_wait3A_215] : memref<10000x128xf32, #tpu.memory_space<hbm>> -> memref<10000x128xf32, #tpu.memory_space<hbm>>
      tpu.wait_indirect_dma semaphore(%arg24 : memref<!tpu.dma_semaphore, #tpu.memory_space<semaphore_mem>>) src(%dma_wait3A_216 : memref<10000x128xf32, #tpu.memory_space<hbm>>) dst(%arg11 : memref<80x128xf32, #tpu.memory_space<vmem>>)
      %dma_wait3A_217 = arith.constant 0 : i32
      %dma_wait3A_218 = tpu.memref_slice %arg7[%dma_wait3A_217] : memref<10000xi32, #tpu.memory_space<vmem>> -> memref<80xi32, #tpu.memory_space<vmem>>
      %dma_wait3A_219 = arith.constant 0 : i32
      %dma_wait3A_220 = arith.constant 0 : i32
      %dma_wait3A_221 = tpu.memref_slice %arg2[%dma_wait3A_219, %dma_wait3A_220] : memref<10000x128xf32, #tpu.memory_space<hbm>> -> memref<10000x128xf32, #tpu.memory_space<hbm>>
      tpu.wait_indirect_dma semaphore(%arg29 : memref<!tpu.dma_semaphore, #tpu.memory_space<semaphore_mem>>) src(%dma_wait3A_221 : memref<10000x128xf32, #tpu.memory_space<hbm>>) dst(%arg16 : memref<80x128xf32, #tpu.memory_space<vmem>>)
      %jit3A_222 = arith.constant 5 : i32
      %eq3A_223 = arith.constant 0 : i32
      %eq3A_224 = arith.cmpi eq, %jit3A_222, %eq3A_223 : i32
      %jit3A_225 = arith.constant 1 : i32
      %select_n3A_226 = arith.select %eq3A_224, %jit3A_225, %jit3A_222 : i32
      %rem3A_227 = arith.remsi %scan3A_64, %select_n3A_226 : i32
      %ne3A_228 = arith.constant 0 : i32
      %ne3A_229 = arith.cmpi ne, %rem3A_227, %ne3A_228 : i32
      %lt3A_230 = arith.constant 0 : i32
      %lt3A_231 = arith.cmpi slt, %rem3A_227, %lt3A_230 : i32
      %lt3A_232 = arith.constant 0 : i32
      %lt3A_233 = arith.cmpi slt, %select_n3A_226, %lt3A_232 : i32
      %ne3A_234 = arith.xori %lt3A_231, %lt3A_233 : i1
      %and3A_235 = arith.andi %ne3A_234, %ne3A_229 : i1
      %add3A_236 = arith.addi %rem3A_227, %select_n3A_226 : i32
      %select_n3A_237 = arith.select %and3A_235, %add3A_236, %rem3A_227 : i32
      %mul3A_238 = arith.constant 5 : i32
      %mul3A_239 = arith.muli %select_n3A_237, %mul3A_238 : i32
      %mul3A_240 = arith.constant 5 : i32
      %mul3A_241 = arith.muli %scan3A_64, %mul3A_240 : i32
      %sub3A_242 = arith.subi %add3A_211, %mul3A_241 : i32
      %add3A_243 = arith.addi %mul3A_239, %sub3A_242 : i32
      %mul3A_244 = arith.constant 80 : i32
      %mul3A_245 = arith.muli %add3A_243, %mul3A_244 : i32
      %scan3A_246 = arith.constant 0 : i32
      %scan3A_247 = arith.constant 0 : i32
      %scan3A_248 = arith.constant 5 : i32
      %scan3A_249 = arith.addi %scan3A_247, %scan3A_248 : i32
      %scan3A_250 = arith.constant 1 : i32
      scf.for %scan3A_331 = %scan3A_247 to %scan3A_249 step %scan3A_250  : i32 {
        %mul3A_332 = arith.constant 16 : i32
        %mul3A_333 = arith.muli %scan3A_331, %mul3A_332 : i32
        %add3A_334 = vector.broadcast %mul3A_333 : i32 to vector<16xi32>
        %add3A_335 = arith.addi %add3A_334, %iota3A : vector<16xi32>
        %broadcast_in_dim3A = arith.constant 0.000000e+00 : f32
        %broadcast_in_dim3A_336 = vector.broadcast %broadcast_in_dim3A : f32 to vector<16xf32>
        %scan3A_337 = arith.constant 0 : i32
        %scan3A_338 = arith.constant 8 : i32
        %scan3A_339 = arith.addi %scan3A_337, %scan3A_338 : i32
        %scan3A_340 = arith.constant 1 : i32
        %scan3A_341:4 = scf.for %scan3A_357 = %scan3A_337 to %scan3A_339 step %scan3A_340 iter_args(%scan3A_358 = %broadcast_in_dim3A_336, %scan3A_359 = %broadcast_in_dim3A_336, %scan3A_360 = %broadcast_in_dim3A_336, %scan3A_361 = %broadcast_in_dim3A_336) -> (vector<16xf32>, vector<16xf32>, vector<16xf32>, vector<16xf32>)  : i32 {
          %mul3A_362 = arith.constant 16 : i32
          %mul3A_363 = arith.muli %scan3A_357, %mul3A_362 : i32
          %add3A_364 = arith.constant 0 : i32
          %add3A_365 = arith.addi %mul3A_363, %add3A_364 : i32
          %add3A_366 = vector.broadcast %add3A_365 : i32 to vector<16xi32>
          %add3A_367 = arith.addi %iota3A, %add3A_366 : vector<16xi32>
          %and3A_368 = arith.constant 127 : i32
          %and3A_369 = vector.broadcast %and3A_368 : i32 to vector<16xi32>
          %and3A_370 = arith.andi %add3A_367, %and3A_369 : vector<16xi32>
          %gather3A = tpu.vector_load_idx %arg11[%add3A_335, %and3A_370] : memref<80x128xf32, #tpu.memory_space<vmem>>[vector<16xi32>, vector<16xi32>], vector<16xf32>,
          %gather3A_371 = tpu.vector_load_idx %arg16[%add3A_335, %and3A_370] : memref<80x128xf32, #tpu.memory_space<vmem>>[vector<16xi32>, vector<16xi32>], vector<16xf32>,
          %mul3A_372 = arith.mulf %gather3A, %gather3A_371 : vector<16xf32>
          %mul3A_373 = arith.constant 16 : i32
          %mul3A_374 = arith.muli %scan3A_357, %mul3A_373 : i32
          %add3A_375 = arith.constant 1 : i32
          %add3A_376 = arith.addi %mul3A_374, %add3A_375 : i32
          %add3A_377 = vector.broadcast %add3A_376 : i32 to vector<16xi32>
          %add3A_378 = arith.addi %iota3A, %add3A_377 : vector<16xi32>
          %and3A_379 = arith.constant 127 : i32
          %and3A_380 = vector.broadcast %and3A_379 : i32 to vector<16xi32>
          %and3A_381 = arith.andi %add3A_378, %and3A_380 : vector<16xi32>
          %gather3A_382 = tpu.vector_load_idx %arg11[%add3A_335, %and3A_381] : memref<80x128xf32, #tpu.memory_space<vmem>>[vector<16xi32>, vector<16xi32>], vector<16xf32>,
          %gather3A_383 = tpu.vector_load_idx %arg16[%add3A_335, %and3A_381] : memref<80x128xf32, #tpu.memory_space<vmem>>[vector<16xi32>, vector<16xi32>], vector<16xf32>,
          %mul3A_384 = arith.mulf %gather3A_382, %gather3A_383 : vector<16xf32>
          %mul3A_385 = arith.constant 16 : i32
          %mul3A_386 = arith.muli %scan3A_357, %mul3A_385 : i32
          %add3A_387 = arith.constant 2 : i32
          %add3A_388 = arith.addi %mul3A_386, %add3A_387 : i32
          %add3A_389 = vector.broadcast %add3A_388 : i32 to vector<16xi32>
          %add3A_390 = arith.addi %iota3A, %add3A_389 : vector<16xi32>
          %and3A_391 = arith.constant 127 : i32
          %and3A_392 = vector.broadcast %and3A_391 : i32 to vector<16xi32>
          %and3A_393 = arith.andi %add3A_390, %and3A_392 : vector<16xi32>
          %gather3A_394 = tpu.vector_load_idx %arg11[%add3A_335, %and3A_393] : memref<80x128xf32, #tpu.memory_space<vmem>>[vector<16xi32>, vector<16xi32>], vector<16xf32>,
          %gather3A_395 = tpu.vector_load_idx %arg16[%add3A_335, %and3A_393] : memref<80x128xf32, #tpu.memory_space<vmem>>[vector<16xi32>, vector<16xi32>], vector<16xf32>,
          %mul3A_396 = arith.mulf %gather3A_394, %gather3A_395 : vector<16xf32>
          %mul3A_397 = arith.constant 16 : i32
          %mul3A_398 = arith.muli %scan3A_357, %mul3A_397 : i32
          %add3A_399 = arith.constant 3 : i32
          %add3A_400 = arith.addi %mul3A_398, %add3A_399 : i32
          %add3A_401 = vector.broadcast %add3A_400 : i32 to vector<16xi32>
          %add3A_402 = arith.addi %iota3A, %add3A_401 : vector<16xi32>
          %and3A_403 = arith.constant 127 : i32
          %and3A_404 = vector.broadcast %and3A_403 : i32 to vector<16xi32>
          %and3A_405 = arith.andi %add3A_402, %and3A_404 : vector<16xi32>
          %gather3A_406 = tpu.vector_load_idx %arg11[%add3A_335, %and3A_405] : memref<80x128xf32, #tpu.memory_space<vmem>>[vector<16xi32>, vector<16xi32>], vector<16xf32>,
          %gather3A_407 = tpu.vector_load_idx %arg16[%add3A_335, %and3A_405] : memref<80x128xf32, #tpu.memory_space<vmem>>[vector<16xi32>, vector<16xi32>], vector<16xf32>,
          %mul3A_408 = arith.mulf %gather3A_406, %gather3A_407 : vector<16xf32>
          %mul3A_409 = arith.constant 16 : i32
          %mul3A_410 = arith.muli %scan3A_357, %mul3A_409 : i32
          %add3A_411 = arith.constant 4 : i32
          %add3A_412 = arith.addi %mul3A_410, %add3A_411 : i32
          %add3A_413 = vector.broadcast %add3A_412 : i32 to vector<16xi32>
          %add3A_414 = arith.addi %iota3A, %add3A_413 : vector<16xi32>
          %and3A_415 = arith.constant 127 : i32
          %and3A_416 = vector.broadcast %and3A_415 : i32 to vector<16xi32>
          %and3A_417 = arith.andi %add3A_414, %and3A_416 : vector<16xi32>
          %gather3A_418 = tpu.vector_load_idx %arg11[%add3A_335, %and3A_417] : memref<80x128xf32, #tpu.memory_space<vmem>>[vector<16xi32>, vector<16xi32>], vector<16xf32>,
          %gather3A_419 = tpu.vector_load_idx %arg16[%add3A_335, %and3A_417] : memref<80x128xf32, #tpu.memory_space<vmem>>[vector<16xi32>, vector<16xi32>], vector<16xf32>,
          %mul3A_420 = arith.mulf %gather3A_418, %gather3A_419 : vector<16xf32>
          %mul3A_421 = arith.constant 16 : i32
          %mul3A_422 = arith.muli %scan3A_357, %mul3A_421 : i32
          %add3A_423 = arith.constant 5 : i32
          %add3A_424 = arith.addi %mul3A_422, %add3A_423 : i32
          %add3A_425 = vector.broadcast %add3A_424 : i32 to vector<16xi32>
          %add3A_426 = arith.addi %iota3A, %add3A_425 : vector<16xi32>
          %and3A_427 = arith.constant 127 : i32
          %and3A_428 = vector.broadcast %and3A_427 : i32 to vector<16xi32>
          %and3A_429 = arith.andi %add3A_426, %and3A_428 : vector<16xi32>
          %gather3A_430 = tpu.vector_load_idx %arg11[%add3A_335, %and3A_429] : memref<80x128xf32, #tpu.memory_space<vmem>>[vector<16xi32>, vector<16xi32>], vector<16xf32>,
          %gather3A_431 = tpu.vector_load_idx %arg16[%add3A_335, %and3A_429] : memref<80x128xf32, #tpu.memory_space<vmem>>[vector<16xi32>, vector<16xi32>], vector<16xf32>,
          %mul3A_432 = arith.mulf %gather3A_430, %gather3A_431 : vector<16xf32>
          %mul3A_433 = arith.constant 16 : i32
          %mul3A_434 = arith.muli %scan3A_357, %mul3A_433 : i32
          %add3A_435 = arith.constant 6 : i32
          %add3A_436 = arith.addi %mul3A_434, %add3A_435 : i32
          %add3A_437 = vector.broadcast %add3A_436 : i32 to vector<16xi32>
          %add3A_438 = arith.addi %iota3A, %add3A_437 : vector<16xi32>
          %and3A_439 = arith.constant 127 : i32
          %and3A_440 = vector.broadcast %and3A_439 : i32 to vector<16xi32>
          %and3A_441 = arith.andi %add3A_438, %and3A_440 : vector<16xi32>
          %gather3A_442 = tpu.vector_load_idx %arg11[%add3A_335, %and3A_441] : memref<80x128xf32, #tpu.memory_space<vmem>>[vector<16xi32>, vector<16xi32>], vector<16xf32>,
          %gather3A_443 = tpu.vector_load_idx %arg16[%add3A_335, %and3A_441] : memref<80x128xf32, #tpu.memory_space<vmem>>[vector<16xi32>, vector<16xi32>], vector<16xf32>,
          %mul3A_444 = arith.mulf %gather3A_442, %gather3A_443 : vector<16xf32>
          %mul3A_445 = arith.constant 16 : i32
          %mul3A_446 = arith.muli %scan3A_357, %mul3A_445 : i32
          %add3A_447 = arith.constant 7 : i32
          %add3A_448 = arith.addi %mul3A_446, %add3A_447 : i32
          %add3A_449 = vector.broadcast %add3A_448 : i32 to vector<16xi32>
          %add3A_450 = arith.addi %iota3A, %add3A_449 : vector<16xi32>
          %and3A_451 = arith.constant 127 : i32
          %and3A_452 = vector.broadcast %and3A_451 : i32 to vector<16xi32>
          %and3A_453 = arith.andi %add3A_450, %and3A_452 : vector<16xi32>
          %gather3A_454 = tpu.vector_load_idx %arg11[%add3A_335, %and3A_453] : memref<80x128xf32, #tpu.memory_space<vmem>>[vector<16xi32>, vector<16xi32>], vector<16xf32>,
          %gather3A_455 = tpu.vector_load_idx %arg16[%add3A_335, %and3A_453] : memref<80x128xf32, #tpu.memory_space<vmem>>[vector<16xi32>, vector<16xi32>], vector<16xf32>,
          %mul3A_456 = arith.mulf %gather3A_454, %gather3A_455 : vector<16xf32>
          %mul3A_457 = arith.constant 16 : i32
          %mul3A_458 = arith.muli %scan3A_357, %mul3A_457 : i32
          %add3A_459 = arith.constant 8 : i32
          %add3A_460 = arith.addi %mul3A_458, %add3A_459 : i32
          %add3A_461 = vector.broadcast %add3A_460 : i32 to vector<16xi32>
          %add3A_462 = arith.addi %iota3A, %add3A_461 : vector<16xi32>
          %and3A_463 = arith.constant 127 : i32
          %and3A_464 = vector.broadcast %and3A_463 : i32 to vector<16xi32>
          %and3A_465 = arith.andi %add3A_462, %and3A_464 : vector<16xi32>
          %gather3A_466 = tpu.vector_load_idx %arg11[%add3A_335, %and3A_465] : memref<80x128xf32, #tpu.memory_space<vmem>>[vector<16xi32>, vector<16xi32>], vector<16xf32>,
          %gather3A_467 = tpu.vector_load_idx %arg16[%add3A_335, %and3A_465] : memref<80x128xf32, #tpu.memory_space<vmem>>[vector<16xi32>, vector<16xi32>], vector<16xf32>,
          %mul3A_468 = arith.mulf %gather3A_466, %gather3A_467 : vector<16xf32>
          %mul3A_469 = arith.constant 16 : i32
          %mul3A_470 = arith.muli %scan3A_357, %mul3A_469 : i32
          %add3A_471 = arith.constant 9 : i32
          %add3A_472 = arith.addi %mul3A_470, %add3A_471 : i32
          %add3A_473 = vector.broadcast %add3A_472 : i32 to vector<16xi32>
          %add3A_474 = arith.addi %iota3A, %add3A_473 : vector<16xi32>
          %and3A_475 = arith.constant 127 : i32
          %and3A_476 = vector.broadcast %and3A_475 : i32 to vector<16xi32>
          %and3A_477 = arith.andi %add3A_474, %and3A_476 : vector<16xi32>
          %gather3A_478 = tpu.vector_load_idx %arg11[%add3A_335, %and3A_477] : memref<80x128xf32, #tpu.memory_space<vmem>>[vector<16xi32>, vector<16xi32>], vector<16xf32>,
          %gather3A_479 = tpu.vector_load_idx %arg16[%add3A_335, %and3A_477] : memref<80x128xf32, #tpu.memory_space<vmem>>[vector<16xi32>, vector<16xi32>], vector<16xf32>,
          %mul3A_480 = arith.mulf %gather3A_478, %gather3A_479 : vector<16xf32>
          %mul3A_481 = arith.constant 16 : i32
          %mul3A_482 = arith.muli %scan3A_357, %mul3A_481 : i32
          %add3A_483 = arith.constant 10 : i32
          %add3A_484 = arith.addi %mul3A_482, %add3A_483 : i32
          %add3A_485 = vector.broadcast %add3A_484 : i32 to vector<16xi32>
          %add3A_486 = arith.addi %iota3A, %add3A_485 : vector<16xi32>
          %and3A_487 = arith.constant 127 : i32
          %and3A_488 = vector.broadcast %and3A_487 : i32 to vector<16xi32>
          %and3A_489 = arith.andi %add3A_486, %and3A_488 : vector<16xi32>
          %gather3A_490 = tpu.vector_load_idx %arg11[%add3A_335, %and3A_489] : memref<80x128xf32, #tpu.memory_space<vmem>>[vector<16xi32>, vector<16xi32>], vector<16xf32>,
          %gather3A_491 = tpu.vector_load_idx %arg16[%add3A_335, %and3A_489] : memref<80x128xf32, #tpu.memory_space<vmem>>[vector<16xi32>, vector<16xi32>], vector<16xf32>,
          %mul3A_492 = arith.mulf %gather3A_490, %gather3A_491 : vector<16xf32>
          %mul3A_493 = arith.constant 16 : i32
          %mul3A_494 = arith.muli %scan3A_357, %mul3A_493 : i32
          %add3A_495 = arith.constant 11 : i32
          %add3A_496 = arith.addi %mul3A_494, %add3A_495 : i32
          %add3A_497 = vector.broadcast %add3A_496 : i32 to vector<16xi32>
          %add3A_498 = arith.addi %iota3A, %add3A_497 : vector<16xi32>
          %and3A_499 = arith.constant 127 : i32
          %and3A_500 = vector.broadcast %and3A_499 : i32 to vector<16xi32>
          %and3A_501 = arith.andi %add3A_498, %and3A_500 : vector<16xi32>
          %gather3A_502 = tpu.vector_load_idx %arg11[%add3A_335, %and3A_501] : memref<80x128xf32, #tpu.memory_space<vmem>>[vector<16xi32>, vector<16xi32>], vector<16xf32>,
          %gather3A_503 = tpu.vector_load_idx %arg16[%add3A_335, %and3A_501] : memref<80x128xf32, #tpu.memory_space<vmem>>[vector<16xi32>, vector<16xi32>], vector<16xf32>,
          %mul3A_504 = arith.mulf %gather3A_502, %gather3A_503 : vector<16xf32>
          %mul3A_505 = arith.constant 16 : i32
          %mul3A_506 = arith.muli %scan3A_357, %mul3A_505 : i32
          %add3A_507 = arith.constant 12 : i32
          %add3A_508 = arith.addi %mul3A_506, %add3A_507 : i32
          %add3A_509 = vector.broadcast %add3A_508 : i32 to vector<16xi32>
          %add3A_510 = arith.addi %iota3A, %add3A_509 : vector<16xi32>
          %and3A_511 = arith.constant 127 : i32
          %and3A_512 = vector.broadcast %and3A_511 : i32 to vector<16xi32>
          %and3A_513 = arith.andi %add3A_510, %and3A_512 : vector<16xi32>
          %gather3A_514 = tpu.vector_load_idx %arg11[%add3A_335, %and3A_513] : memref<80x128xf32, #tpu.memory_space<vmem>>[vector<16xi32>, vector<16xi32>], vector<16xf32>,
          %gather3A_515 = tpu.vector_load_idx %arg16[%add3A_335, %and3A_513] : memref<80x128xf32, #tpu.memory_space<vmem>>[vector<16xi32>, vector<16xi32>], vector<16xf32>,
          %mul3A_516 = arith.mulf %gather3A_514, %gather3A_515 : vector<16xf32>
          %mul3A_517 = arith.constant 16 : i32
          %mul3A_518 = arith.muli %scan3A_357, %mul3A_517 : i32
          %add3A_519 = arith.constant 13 : i32
          %add3A_520 = arith.addi %mul3A_518, %add3A_519 : i32
          %add3A_521 = vector.broadcast %add3A_520 : i32 to vector<16xi32>
          %add3A_522 = arith.addi %iota3A, %add3A_521 : vector<16xi32>
          %and3A_523 = arith.constant 127 : i32
          %and3A_524 = vector.broadcast %and3A_523 : i32 to vector<16xi32>
          %and3A_525 = arith.andi %add3A_522, %and3A_524 : vector<16xi32>
          %gather3A_526 = tpu.vector_load_idx %arg11[%add3A_335, %and3A_525] : memref<80x128xf32, #tpu.memory_space<vmem>>[vector<16xi32>, vector<16xi32>], vector<16xf32>,
          %gather3A_527 = tpu.vector_load_idx %arg16[%add3A_335, %and3A_525] : memref<80x128xf32, #tpu.memory_space<vmem>>[vector<16xi32>, vector<16xi32>], vector<16xf32>,
          %mul3A_528 = arith.mulf %gather3A_526, %gather3A_527 : vector<16xf32>
          %mul3A_529 = arith.constant 16 : i32
          %mul3A_530 = arith.muli %scan3A_357, %mul3A_529 : i32
          %add3A_531 = arith.constant 14 : i32
          %add3A_532 = arith.addi %mul3A_530, %add3A_531 : i32
          %add3A_533 = vector.broadcast %add3A_532 : i32 to vector<16xi32>
          %add3A_534 = arith.addi %iota3A, %add3A_533 : vector<16xi32>
          %and3A_535 = arith.constant 127 : i32
          %and3A_536 = vector.broadcast %and3A_535 : i32 to vector<16xi32>
          %and3A_537 = arith.andi %add3A_534, %and3A_536 : vector<16xi32>
          %gather3A_538 = tpu.vector_load_idx %arg11[%add3A_335, %and3A_537] : memref<80x128xf32, #tpu.memory_space<vmem>>[vector<16xi32>, vector<16xi32>], vector<16xf32>,
          %gather3A_539 = tpu.vector_load_idx %arg16[%add3A_335, %and3A_537] : memref<80x128xf32, #tpu.memory_space<vmem>>[vector<16xi32>, vector<16xi32>], vector<16xf32>,
          %mul3A_540 = arith.mulf %gather3A_538, %gather3A_539 : vector<16xf32>
          %mul3A_541 = arith.constant 16 : i32
          %mul3A_542 = arith.muli %scan3A_357, %mul3A_541 : i32
          %add3A_543 = arith.constant 15 : i32
          %add3A_544 = arith.addi %mul3A_542, %add3A_543 : i32
          %add3A_545 = vector.broadcast %add3A_544 : i32 to vector<16xi32>
          %add3A_546 = arith.addi %iota3A, %add3A_545 : vector<16xi32>
          %and3A_547 = arith.constant 127 : i32
          %and3A_548 = vector.broadcast %and3A_547 : i32 to vector<16xi32>
          %and3A_549 = arith.andi %add3A_546, %and3A_548 : vector<16xi32>
          %gather3A_550 = tpu.vector_load_idx %arg11[%add3A_335, %and3A_549] : memref<80x128xf32, #tpu.memory_space<vmem>>[vector<16xi32>, vector<16xi32>], vector<16xf32>,
          %gather3A_551 = tpu.vector_load_idx %arg16[%add3A_335, %and3A_549] : memref<80x128xf32, #tpu.memory_space<vmem>>[vector<16xi32>, vector<16xi32>], vector<16xf32>,
          %mul3A_552 = arith.mulf %gather3A_550, %gather3A_551 : vector<16xf32>
          %add3A_553 = arith.addf %mul3A_372, %mul3A_384 : vector<16xf32>
          %add3A_554 = arith.addf %mul3A_396, %mul3A_408 : vector<16xf32>
          %add3A_555 = arith.addf %add3A_553, %add3A_554 : vector<16xf32>
          %add3A_556 = arith.addf %scan3A_358, %add3A_555 : vector<16xf32>
          %add3A_557 = arith.addf %mul3A_420, %mul3A_432 : vector<16xf32>
          %add3A_558 = arith.addf %mul3A_444, %mul3A_456 : vector<16xf32>
          %add3A_559 = arith.addf %add3A_557, %add3A_558 : vector<16xf32>
          %add3A_560 = arith.addf %scan3A_359, %add3A_559 : vector<16xf32>
          %add3A_561 = arith.addf %mul3A_468, %mul3A_480 : vector<16xf32>
          %add3A_562 = arith.addf %mul3A_492, %mul3A_504 : vector<16xf32>
          %add3A_563 = arith.addf %add3A_561, %add3A_562 : vector<16xf32>
          %add3A_564 = arith.addf %scan3A_360, %add3A_563 : vector<16xf32>
          %add3A_565 = arith.addf %mul3A_516, %mul3A_528 : vector<16xf32>
          %add3A_566 = arith.addf %mul3A_540, %mul3A_552 : vector<16xf32>
          %add3A_567 = arith.addf %add3A_565, %add3A_566 : vector<16xf32>
          %add3A_568 = arith.addf %scan3A_361, %add3A_567 : vector<16xf32>
          scf.yield %add3A_556, %add3A_560, %add3A_564, %add3A_568 : vector<16xf32>, vector<16xf32>, vector<16xf32>, vector<16xf32>
        }
        %scan3A_342 = arith.constant 8 : i32
        %add3A_343 = arith.addf %scan3A_341#0, %scan3A_341#1 : vector<16xf32>
        %add3A_344 = arith.addf %scan3A_341#2, %scan3A_341#3 : vector<16xf32>
        %add3A_345 = arith.addf %add3A_343, %add3A_344 : vector<16xf32>
        %neg3A = arith.constant 0.000000e+00 : f32
        %neg3A_346 = vector.broadcast %neg3A : f32 to vector<16xf32>
        %neg3A_347 = arith.subf %neg3A_346, %add3A_345 : vector<16xf32>
        %exp3A = math.exp %neg3A_347 : vector<16xf32>
        %add3A_348 = arith.constant 1.000000e+00 : f32
        %add3A_349 = vector.broadcast %add3A_348 : f32 to vector<16xf32>
        %add3A_350 = arith.addf %add3A_349, %exp3A : vector<16xf32>
        %div3A = arith.constant 1.000000e+00 : f32
        %div3A_351 = vector.broadcast %div3A : f32 to vector<16xf32>
        %div3A_352 = arith.divf %div3A_351, %add3A_350 : vector<16xf32>
        %mul3A_353 = arith.constant 16 : i32
        %mul3A_354 = arith.muli %scan3A_331, %mul3A_353 : i32
        %add3A_355 = arith.addi %mul3A_245, %mul3A_354 : i32
        %swap3A = arith.index_cast %add3A_355 : i32 to index
        %swap3A_356 = tpu.vector_load %arg18[%swap3A] {strides = array<i32>} : memref<2000xf32, #tpu.memory_space<vmem>>, vector<16xf32>,
        tpu.vector_store %arg18[%swap3A], %div3A_352 {strides = array<i32>} : memref<2000xf32, #tpu.memory_space<vmem>>, vector<16xf32>,
      }
      %scan3A_251 = arith.constant 5 : i32
      %add3A_252 = arith.constant 5 : i32
      %add3A_253 = arith.addi %add3A_211, %add3A_252 : i32
      %lt3A_254 = arith.constant 125 : i32
      %lt3A_255 = arith.cmpi slt, %add3A_253, %lt3A_254 : i32
      %convert_element_type3A_256 = arith.extui %lt3A_255 : i1 to i32
      %cond3A_257 = arith.constant 0 : i32
      %cond3A_258 = arith.cmpi ne, %convert_element_type3A_256, %cond3A_257 : i32
      scf.if %cond3A_258 {
        %mul3A_331 = arith.constant 80 : i32
        %mul3A_332 = arith.muli %add3A_253, %mul3A_331 : i32
        %dma_start3A_333 = tpu.memref_slice %arg6[%mul3A_332] : memref<10000xi32, #tpu.memory_space<vmem>> -> memref<80xi32, #tpu.memory_space<vmem>>
        %dma_start3A_334 = arith.constant 0 : i32
        %dma_start3A_335 = arith.constant 0 : i32
        %dma_start3A_336 = tpu.memref_slice %arg2[%dma_start3A_334, %dma_start3A_335] : memref<10000x128xf32, #tpu.memory_space<hbm>> -> memref<10000x128xf32, #tpu.memory_space<hbm>>
        tpu.enqueue_indirect_dma source(%dma_start3A_336 : memref<10000x128xf32, #tpu.memory_space<hbm>>) target(%arg11 : memref<80x128xf32, #tpu.memory_space<vmem>>) offsets(%dma_start3A_333 : memref<80xi32, #tpu.memory_space<vmem>>) semaphore(%arg24 : memref<!tpu.dma_semaphore, #tpu.memory_space<semaphore_mem>>)
        %dma_start3A_337 = tpu.memref_slice %arg7[%mul3A_332] : memref<10000xi32, #tpu.memory_space<vmem>> -> memref<80xi32, #tpu.memory_space<vmem>>
        %dma_start3A_338 = arith.constant 0 : i32
        %dma_start3A_339 = arith.constant 0 : i32
        %dma_start3A_340 = tpu.memref_slice %arg2[%dma_start3A_338, %dma_start3A_339] : memref<10000x128xf32, #tpu.memory_space<hbm>> -> memref<10000x128xf32, #tpu.memory_space<hbm>>
        tpu.enqueue_indirect_dma source(%dma_start3A_340 : memref<10000x128xf32, #tpu.memory_space<hbm>>) target(%arg16 : memref<80x128xf32, #tpu.memory_space<vmem>>) offsets(%dma_start3A_337 : memref<80xi32, #tpu.memory_space<vmem>>) semaphore(%arg29 : memref<!tpu.dma_semaphore, #tpu.memory_space<semaphore_mem>>)
      } else {
      }
      %mul3A_259 = arith.constant 5 : i32
      %mul3A_260 = arith.muli %scan3A_64, %mul3A_259 : i32
      %add3A_261 = arith.constant 4 : i32
      %add3A_262 = arith.addi %mul3A_260, %add3A_261 : i32
      %dma_wait3A_263 = arith.constant 0 : i32
      %dma_wait3A_264 = tpu.memref_slice %arg6[%dma_wait3A_263] : memref<10000xi32, #tpu.memory_space<vmem>> -> memref<80xi32, #tpu.memory_space<vmem>>
      %dma_wait3A_265 = arith.constant 0 : i32
      %dma_wait3A_266 = arith.constant 0 : i32
      %dma_wait3A_267 = tpu.memref_slice %arg2[%dma_wait3A_265, %dma_wait3A_266] : memref<10000x128xf32, #tpu.memory_space<hbm>> -> memref<10000x128xf32, #tpu.memory_space<hbm>>
      tpu.wait_indirect_dma semaphore(%arg25 : memref<!tpu.dma_semaphore, #tpu.memory_space<semaphore_mem>>) src(%dma_wait3A_267 : memref<10000x128xf32, #tpu.memory_space<hbm>>) dst(%arg12 : memref<80x128xf32, #tpu.memory_space<vmem>>)
      %dma_wait3A_268 = arith.constant 0 : i32
      %dma_wait3A_269 = tpu.memref_slice %arg7[%dma_wait3A_268] : memref<10000xi32, #tpu.memory_space<vmem>> -> memref<80xi32, #tpu.memory_space<vmem>>
      %dma_wait3A_270 = arith.constant 0 : i32
      %dma_wait3A_271 = arith.constant 0 : i32
      %dma_wait3A_272 = tpu.memref_slice %arg2[%dma_wait3A_270, %dma_wait3A_271] : memref<10000x128xf32, #tpu.memory_space<hbm>> -> memref<10000x128xf32, #tpu.memory_space<hbm>>
      tpu.wait_indirect_dma semaphore(%arg30 : memref<!tpu.dma_semaphore, #tpu.memory_space<semaphore_mem>>) src(%dma_wait3A_272 : memref<10000x128xf32, #tpu.memory_space<hbm>>) dst(%arg17 : memref<80x128xf32, #tpu.memory_space<vmem>>)
      %jit3A_273 = arith.constant 5 : i32
      %eq3A_274 = arith.constant 0 : i32
      %eq3A_275 = arith.cmpi eq, %jit3A_273, %eq3A_274 : i32
      %jit3A_276 = arith.constant 1 : i32
      %select_n3A_277 = arith.select %eq3A_275, %jit3A_276, %jit3A_273 : i32
      %rem3A_278 = arith.remsi %scan3A_64, %select_n3A_277 : i32
      %ne3A_279 = arith.constant 0 : i32
      %ne3A_280 = arith.cmpi ne, %rem3A_278, %ne3A_279 : i32
      %lt3A_281 = arith.constant 0 : i32
      %lt3A_282 = arith.cmpi slt, %rem3A_278, %lt3A_281 : i32
      %lt3A_283 = arith.constant 0 : i32
      %lt3A_284 = arith.cmpi slt, %select_n3A_277, %lt3A_283 : i32
      %ne3A_285 = arith.xori %lt3A_282, %lt3A_284 : i1
      %and3A_286 = arith.andi %ne3A_285, %ne3A_280 : i1
      %add3A_287 = arith.addi %rem3A_278, %select_n3A_277 : i32
      %select_n3A_288 = arith.select %and3A_286, %add3A_287, %rem3A_278 : i32
      %mul3A_289 = arith.constant 5 : i32
      %mul3A_290 = arith.muli %select_n3A_288, %mul3A_289 : i32
      %mul3A_291 = arith.constant 5 : i32
      %mul3A_292 = arith.muli %scan3A_64, %mul3A_291 : i32
      %sub3A_293 = arith.subi %add3A_262, %mul3A_292 : i32
      %add3A_294 = arith.addi %mul3A_290, %sub3A_293 : i32
      %mul3A_295 = arith.constant 80 : i32
      %mul3A_296 = arith.muli %add3A_294, %mul3A_295 : i32
      %scan3A_297 = arith.constant 0 : i32
      %scan3A_298 = arith.constant 0 : i32
      %scan3A_299 = arith.constant 5 : i32
      %scan3A_300 = arith.addi %scan3A_298, %scan3A_299 : i32
      %scan3A_301 = arith.constant 1 : i32
      scf.for %scan3A_331 = %scan3A_298 to %scan3A_300 step %scan3A_301  : i32 {
        %mul3A_332 = arith.constant 16 : i32
        %mul3A_333 = arith.muli %scan3A_331, %mul3A_332 : i32
        %add3A_334 = vector.broadcast %mul3A_333 : i32 to vector<16xi32>
        %add3A_335 = arith.addi %add3A_334, %iota3A : vector<16xi32>
        %broadcast_in_dim3A = arith.constant 0.000000e+00 : f32
        %broadcast_in_dim3A_336 = vector.broadcast %broadcast_in_dim3A : f32 to vector<16xf32>
        %scan3A_337 = arith.constant 0 : i32
        %scan3A_338 = arith.constant 8 : i32
        %scan3A_339 = arith.addi %scan3A_337, %scan3A_338 : i32
        %scan3A_340 = arith.constant 1 : i32
        %scan3A_341:4 = scf.for %scan3A_357 = %scan3A_337 to %scan3A_339 step %scan3A_340 iter_args(%scan3A_358 = %broadcast_in_dim3A_336, %scan3A_359 = %broadcast_in_dim3A_336, %scan3A_360 = %broadcast_in_dim3A_336, %scan3A_361 = %broadcast_in_dim3A_336) -> (vector<16xf32>, vector<16xf32>, vector<16xf32>, vector<16xf32>)  : i32 {
          %mul3A_362 = arith.constant 16 : i32
          %mul3A_363 = arith.muli %scan3A_357, %mul3A_362 : i32
          %add3A_364 = arith.constant 0 : i32
          %add3A_365 = arith.addi %mul3A_363, %add3A_364 : i32
          %add3A_366 = vector.broadcast %add3A_365 : i32 to vector<16xi32>
          %add3A_367 = arith.addi %iota3A, %add3A_366 : vector<16xi32>
          %and3A_368 = arith.constant 127 : i32
          %and3A_369 = vector.broadcast %and3A_368 : i32 to vector<16xi32>
          %and3A_370 = arith.andi %add3A_367, %and3A_369 : vector<16xi32>
          %gather3A = tpu.vector_load_idx %arg12[%add3A_335, %and3A_370] : memref<80x128xf32, #tpu.memory_space<vmem>>[vector<16xi32>, vector<16xi32>], vector<16xf32>,
          %gather3A_371 = tpu.vector_load_idx %arg17[%add3A_335, %and3A_370] : memref<80x128xf32, #tpu.memory_space<vmem>>[vector<16xi32>, vector<16xi32>], vector<16xf32>,
          %mul3A_372 = arith.mulf %gather3A, %gather3A_371 : vector<16xf32>
          %mul3A_373 = arith.constant 16 : i32
          %mul3A_374 = arith.muli %scan3A_357, %mul3A_373 : i32
          %add3A_375 = arith.constant 1 : i32
          %add3A_376 = arith.addi %mul3A_374, %add3A_375 : i32
          %add3A_377 = vector.broadcast %add3A_376 : i32 to vector<16xi32>
          %add3A_378 = arith.addi %iota3A, %add3A_377 : vector<16xi32>
          %and3A_379 = arith.constant 127 : i32
          %and3A_380 = vector.broadcast %and3A_379 : i32 to vector<16xi32>
          %and3A_381 = arith.andi %add3A_378, %and3A_380 : vector<16xi32>
          %gather3A_382 = tpu.vector_load_idx %arg12[%add3A_335, %and3A_381] : memref<80x128xf32, #tpu.memory_space<vmem>>[vector<16xi32>, vector<16xi32>], vector<16xf32>,
          %gather3A_383 = tpu.vector_load_idx %arg17[%add3A_335, %and3A_381] : memref<80x128xf32, #tpu.memory_space<vmem>>[vector<16xi32>, vector<16xi32>], vector<16xf32>,
          %mul3A_384 = arith.mulf %gather3A_382, %gather3A_383 : vector<16xf32>
          %mul3A_385 = arith.constant 16 : i32
          %mul3A_386 = arith.muli %scan3A_357, %mul3A_385 : i32
          %add3A_387 = arith.constant 2 : i32
          %add3A_388 = arith.addi %mul3A_386, %add3A_387 : i32
          %add3A_389 = vector.broadcast %add3A_388 : i32 to vector<16xi32>
          %add3A_390 = arith.addi %iota3A, %add3A_389 : vector<16xi32>
          %and3A_391 = arith.constant 127 : i32
          %and3A_392 = vector.broadcast %and3A_391 : i32 to vector<16xi32>
          %and3A_393 = arith.andi %add3A_390, %and3A_392 : vector<16xi32>
          %gather3A_394 = tpu.vector_load_idx %arg12[%add3A_335, %and3A_393] : memref<80x128xf32, #tpu.memory_space<vmem>>[vector<16xi32>, vector<16xi32>], vector<16xf32>,
          %gather3A_395 = tpu.vector_load_idx %arg17[%add3A_335, %and3A_393] : memref<80x128xf32, #tpu.memory_space<vmem>>[vector<16xi32>, vector<16xi32>], vector<16xf32>,
          %mul3A_396 = arith.mulf %gather3A_394, %gather3A_395 : vector<16xf32>
          %mul3A_397 = arith.constant 16 : i32
          %mul3A_398 = arith.muli %scan3A_357, %mul3A_397 : i32
          %add3A_399 = arith.constant 3 : i32
          %add3A_400 = arith.addi %mul3A_398, %add3A_399 : i32
          %add3A_401 = vector.broadcast %add3A_400 : i32 to vector<16xi32>
          %add3A_402 = arith.addi %iota3A, %add3A_401 : vector<16xi32>
          %and3A_403 = arith.constant 127 : i32
          %and3A_404 = vector.broadcast %and3A_403 : i32 to vector<16xi32>
          %and3A_405 = arith.andi %add3A_402, %and3A_404 : vector<16xi32>
          %gather3A_406 = tpu.vector_load_idx %arg12[%add3A_335, %and3A_405] : memref<80x128xf32, #tpu.memory_space<vmem>>[vector<16xi32>, vector<16xi32>], vector<16xf32>,
          %gather3A_407 = tpu.vector_load_idx %arg17[%add3A_335, %and3A_405] : memref<80x128xf32, #tpu.memory_space<vmem>>[vector<16xi32>, vector<16xi32>], vector<16xf32>,
          %mul3A_408 = arith.mulf %gather3A_406, %gather3A_407 : vector<16xf32>
          %mul3A_409 = arith.constant 16 : i32
          %mul3A_410 = arith.muli %scan3A_357, %mul3A_409 : i32
          %add3A_411 = arith.constant 4 : i32
          %add3A_412 = arith.addi %mul3A_410, %add3A_411 : i32
          %add3A_413 = vector.broadcast %add3A_412 : i32 to vector<16xi32>
          %add3A_414 = arith.addi %iota3A, %add3A_413 : vector<16xi32>
          %and3A_415 = arith.constant 127 : i32
          %and3A_416 = vector.broadcast %and3A_415 : i32 to vector<16xi32>
          %and3A_417 = arith.andi %add3A_414, %and3A_416 : vector<16xi32>
          %gather3A_418 = tpu.vector_load_idx %arg12[%add3A_335, %and3A_417] : memref<80x128xf32, #tpu.memory_space<vmem>>[vector<16xi32>, vector<16xi32>], vector<16xf32>,
          %gather3A_419 = tpu.vector_load_idx %arg17[%add3A_335, %and3A_417] : memref<80x128xf32, #tpu.memory_space<vmem>>[vector<16xi32>, vector<16xi32>], vector<16xf32>,
          %mul3A_420 = arith.mulf %gather3A_418, %gather3A_419 : vector<16xf32>
          %mul3A_421 = arith.constant 16 : i32
          %mul3A_422 = arith.muli %scan3A_357, %mul3A_421 : i32
          %add3A_423 = arith.constant 5 : i32
          %add3A_424 = arith.addi %mul3A_422, %add3A_423 : i32
          %add3A_425 = vector.broadcast %add3A_424 : i32 to vector<16xi32>
          %add3A_426 = arith.addi %iota3A, %add3A_425 : vector<16xi32>
          %and3A_427 = arith.constant 127 : i32
          %and3A_428 = vector.broadcast %and3A_427 : i32 to vector<16xi32>
          %and3A_429 = arith.andi %add3A_426, %and3A_428 : vector<16xi32>
          %gather3A_430 = tpu.vector_load_idx %arg12[%add3A_335, %and3A_429] : memref<80x128xf32, #tpu.memory_space<vmem>>[vector<16xi32>, vector<16xi32>], vector<16xf32>,
          %gather3A_431 = tpu.vector_load_idx %arg17[%add3A_335, %and3A_429] : memref<80x128xf32, #tpu.memory_space<vmem>>[vector<16xi32>, vector<16xi32>], vector<16xf32>,
          %mul3A_432 = arith.mulf %gather3A_430, %gather3A_431 : vector<16xf32>
          %mul3A_433 = arith.constant 16 : i32
          %mul3A_434 = arith.muli %scan3A_357, %mul3A_433 : i32
          %add3A_435 = arith.constant 6 : i32
          %add3A_436 = arith.addi %mul3A_434, %add3A_435 : i32
          %add3A_437 = vector.broadcast %add3A_436 : i32 to vector<16xi32>
          %add3A_438 = arith.addi %iota3A, %add3A_437 : vector<16xi32>
          %and3A_439 = arith.constant 127 : i32
          %and3A_440 = vector.broadcast %and3A_439 : i32 to vector<16xi32>
          %and3A_441 = arith.andi %add3A_438, %and3A_440 : vector<16xi32>
          %gather3A_442 = tpu.vector_load_idx %arg12[%add3A_335, %and3A_441] : memref<80x128xf32, #tpu.memory_space<vmem>>[vector<16xi32>, vector<16xi32>], vector<16xf32>,
          %gather3A_443 = tpu.vector_load_idx %arg17[%add3A_335, %and3A_441] : memref<80x128xf32, #tpu.memory_space<vmem>>[vector<16xi32>, vector<16xi32>], vector<16xf32>,
          %mul3A_444 = arith.mulf %gather3A_442, %gather3A_443 : vector<16xf32>
          %mul3A_445 = arith.constant 16 : i32
          %mul3A_446 = arith.muli %scan3A_357, %mul3A_445 : i32
          %add3A_447 = arith.constant 7 : i32
          %add3A_448 = arith.addi %mul3A_446, %add3A_447 : i32
          %add3A_449 = vector.broadcast %add3A_448 : i32 to vector<16xi32>
          %add3A_450 = arith.addi %iota3A, %add3A_449 : vector<16xi32>
          %and3A_451 = arith.constant 127 : i32
          %and3A_452 = vector.broadcast %and3A_451 : i32 to vector<16xi32>
          %and3A_453 = arith.andi %add3A_450, %and3A_452 : vector<16xi32>
          %gather3A_454 = tpu.vector_load_idx %arg12[%add3A_335, %and3A_453] : memref<80x128xf32, #tpu.memory_space<vmem>>[vector<16xi32>, vector<16xi32>], vector<16xf32>,
          %gather3A_455 = tpu.vector_load_idx %arg17[%add3A_335, %and3A_453] : memref<80x128xf32, #tpu.memory_space<vmem>>[vector<16xi32>, vector<16xi32>], vector<16xf32>,
          %mul3A_456 = arith.mulf %gather3A_454, %gather3A_455 : vector<16xf32>
          %mul3A_457 = arith.constant 16 : i32
          %mul3A_458 = arith.muli %scan3A_357, %mul3A_457 : i32
          %add3A_459 = arith.constant 8 : i32
          %add3A_460 = arith.addi %mul3A_458, %add3A_459 : i32
          %add3A_461 = vector.broadcast %add3A_460 : i32 to vector<16xi32>
          %add3A_462 = arith.addi %iota3A, %add3A_461 : vector<16xi32>
          %and3A_463 = arith.constant 127 : i32
          %and3A_464 = vector.broadcast %and3A_463 : i32 to vector<16xi32>
          %and3A_465 = arith.andi %add3A_462, %and3A_464 : vector<16xi32>
          %gather3A_466 = tpu.vector_load_idx %arg12[%add3A_335, %and3A_465] : memref<80x128xf32, #tpu.memory_space<vmem>>[vector<16xi32>, vector<16xi32>], vector<16xf32>,
          %gather3A_467 = tpu.vector_load_idx %arg17[%add3A_335, %and3A_465] : memref<80x128xf32, #tpu.memory_space<vmem>>[vector<16xi32>, vector<16xi32>], vector<16xf32>,
          %mul3A_468 = arith.mulf %gather3A_466, %gather3A_467 : vector<16xf32>
          %mul3A_469 = arith.constant 16 : i32
          %mul3A_470 = arith.muli %scan3A_357, %mul3A_469 : i32
          %add3A_471 = arith.constant 9 : i32
          %add3A_472 = arith.addi %mul3A_470, %add3A_471 : i32
          %add3A_473 = vector.broadcast %add3A_472 : i32 to vector<16xi32>
          %add3A_474 = arith.addi %iota3A, %add3A_473 : vector<16xi32>
          %and3A_475 = arith.constant 127 : i32
          %and3A_476 = vector.broadcast %and3A_475 : i32 to vector<16xi32>
          %and3A_477 = arith.andi %add3A_474, %and3A_476 : vector<16xi32>
          %gather3A_478 = tpu.vector_load_idx %arg12[%add3A_335, %and3A_477] : memref<80x128xf32, #tpu.memory_space<vmem>>[vector<16xi32>, vector<16xi32>], vector<16xf32>,
          %gather3A_479 = tpu.vector_load_idx %arg17[%add3A_335, %and3A_477] : memref<80x128xf32, #tpu.memory_space<vmem>>[vector<16xi32>, vector<16xi32>], vector<16xf32>,
          %mul3A_480 = arith.mulf %gather3A_478, %gather3A_479 : vector<16xf32>
          %mul3A_481 = arith.constant 16 : i32
          %mul3A_482 = arith.muli %scan3A_357, %mul3A_481 : i32
          %add3A_483 = arith.constant 10 : i32
          %add3A_484 = arith.addi %mul3A_482, %add3A_483 : i32
          %add3A_485 = vector.broadcast %add3A_484 : i32 to vector<16xi32>
          %add3A_486 = arith.addi %iota3A, %add3A_485 : vector<16xi32>
          %and3A_487 = arith.constant 127 : i32
          %and3A_488 = vector.broadcast %and3A_487 : i32 to vector<16xi32>
          %and3A_489 = arith.andi %add3A_486, %and3A_488 : vector<16xi32>
          %gather3A_490 = tpu.vector_load_idx %arg12[%add3A_335, %and3A_489] : memref<80x128xf32, #tpu.memory_space<vmem>>[vector<16xi32>, vector<16xi32>], vector<16xf32>,
          %gather3A_491 = tpu.vector_load_idx %arg17[%add3A_335, %and3A_489] : memref<80x128xf32, #tpu.memory_space<vmem>>[vector<16xi32>, vector<16xi32>], vector<16xf32>,
          %mul3A_492 = arith.mulf %gather3A_490, %gather3A_491 : vector<16xf32>
          %mul3A_493 = arith.constant 16 : i32
          %mul3A_494 = arith.muli %scan3A_357, %mul3A_493 : i32
          %add3A_495 = arith.constant 11 : i32
          %add3A_496 = arith.addi %mul3A_494, %add3A_495 : i32
          %add3A_497 = vector.broadcast %add3A_496 : i32 to vector<16xi32>
          %add3A_498 = arith.addi %iota3A, %add3A_497 : vector<16xi32>
          %and3A_499 = arith.constant 127 : i32
          %and3A_500 = vector.broadcast %and3A_499 : i32 to vector<16xi32>
          %and3A_501 = arith.andi %add3A_498, %and3A_500 : vector<16xi32>
          %gather3A_502 = tpu.vector_load_idx %arg12[%add3A_335, %and3A_501] : memref<80x128xf32, #tpu.memory_space<vmem>>[vector<16xi32>, vector<16xi32>], vector<16xf32>,
          %gather3A_503 = tpu.vector_load_idx %arg17[%add3A_335, %and3A_501] : memref<80x128xf32, #tpu.memory_space<vmem>>[vector<16xi32>, vector<16xi32>], vector<16xf32>,
          %mul3A_504 = arith.mulf %gather3A_502, %gather3A_503 : vector<16xf32>
          %mul3A_505 = arith.constant 16 : i32
          %mul3A_506 = arith.muli %scan3A_357, %mul3A_505 : i32
          %add3A_507 = arith.constant 12 : i32
          %add3A_508 = arith.addi %mul3A_506, %add3A_507 : i32
          %add3A_509 = vector.broadcast %add3A_508 : i32 to vector<16xi32>
          %add3A_510 = arith.addi %iota3A, %add3A_509 : vector<16xi32>
          %and3A_511 = arith.constant 127 : i32
          %and3A_512 = vector.broadcast %and3A_511 : i32 to vector<16xi32>
          %and3A_513 = arith.andi %add3A_510, %and3A_512 : vector<16xi32>
          %gather3A_514 = tpu.vector_load_idx %arg12[%add3A_335, %and3A_513] : memref<80x128xf32, #tpu.memory_space<vmem>>[vector<16xi32>, vector<16xi32>], vector<16xf32>,
          %gather3A_515 = tpu.vector_load_idx %arg17[%add3A_335, %and3A_513] : memref<80x128xf32, #tpu.memory_space<vmem>>[vector<16xi32>, vector<16xi32>], vector<16xf32>,
          %mul3A_516 = arith.mulf %gather3A_514, %gather3A_515 : vector<16xf32>
          %mul3A_517 = arith.constant 16 : i32
          %mul3A_518 = arith.muli %scan3A_357, %mul3A_517 : i32
          %add3A_519 = arith.constant 13 : i32
          %add3A_520 = arith.addi %mul3A_518, %add3A_519 : i32
          %add3A_521 = vector.broadcast %add3A_520 : i32 to vector<16xi32>
          %add3A_522 = arith.addi %iota3A, %add3A_521 : vector<16xi32>
          %and3A_523 = arith.constant 127 : i32
          %and3A_524 = vector.broadcast %and3A_523 : i32 to vector<16xi32>
          %and3A_525 = arith.andi %add3A_522, %and3A_524 : vector<16xi32>
          %gather3A_526 = tpu.vector_load_idx %arg12[%add3A_335, %and3A_525] : memref<80x128xf32, #tpu.memory_space<vmem>>[vector<16xi32>, vector<16xi32>], vector<16xf32>,
          %gather3A_527 = tpu.vector_load_idx %arg17[%add3A_335, %and3A_525] : memref<80x128xf32, #tpu.memory_space<vmem>>[vector<16xi32>, vector<16xi32>], vector<16xf32>,
          %mul3A_528 = arith.mulf %gather3A_526, %gather3A_527 : vector<16xf32>
          %mul3A_529 = arith.constant 16 : i32
          %mul3A_530 = arith.muli %scan3A_357, %mul3A_529 : i32
          %add3A_531 = arith.constant 14 : i32
          %add3A_532 = arith.addi %mul3A_530, %add3A_531 : i32
          %add3A_533 = vector.broadcast %add3A_532 : i32 to vector<16xi32>
          %add3A_534 = arith.addi %iota3A, %add3A_533 : vector<16xi32>
          %and3A_535 = arith.constant 127 : i32
          %and3A_536 = vector.broadcast %and3A_535 : i32 to vector<16xi32>
          %and3A_537 = arith.andi %add3A_534, %and3A_536 : vector<16xi32>
          %gather3A_538 = tpu.vector_load_idx %arg12[%add3A_335, %and3A_537] : memref<80x128xf32, #tpu.memory_space<vmem>>[vector<16xi32>, vector<16xi32>], vector<16xf32>,
          %gather3A_539 = tpu.vector_load_idx %arg17[%add3A_335, %and3A_537] : memref<80x128xf32, #tpu.memory_space<vmem>>[vector<16xi32>, vector<16xi32>], vector<16xf32>,
          %mul3A_540 = arith.mulf %gather3A_538, %gather3A_539 : vector<16xf32>
          %mul3A_541 = arith.constant 16 : i32
          %mul3A_542 = arith.muli %scan3A_357, %mul3A_541 : i32
          %add3A_543 = arith.constant 15 : i32
          %add3A_544 = arith.addi %mul3A_542, %add3A_543 : i32
          %add3A_545 = vector.broadcast %add3A_544 : i32 to vector<16xi32>
          %add3A_546 = arith.addi %iota3A, %add3A_545 : vector<16xi32>
          %and3A_547 = arith.constant 127 : i32
          %and3A_548 = vector.broadcast %and3A_547 : i32 to vector<16xi32>
          %and3A_549 = arith.andi %add3A_546, %and3A_548 : vector<16xi32>
          %gather3A_550 = tpu.vector_load_idx %arg12[%add3A_335, %and3A_549] : memref<80x128xf32, #tpu.memory_space<vmem>>[vector<16xi32>, vector<16xi32>], vector<16xf32>,
          %gather3A_551 = tpu.vector_load_idx %arg17[%add3A_335, %and3A_549] : memref<80x128xf32, #tpu.memory_space<vmem>>[vector<16xi32>, vector<16xi32>], vector<16xf32>,
          %mul3A_552 = arith.mulf %gather3A_550, %gather3A_551 : vector<16xf32>
          %add3A_553 = arith.addf %mul3A_372, %mul3A_384 : vector<16xf32>
          %add3A_554 = arith.addf %mul3A_396, %mul3A_408 : vector<16xf32>
          %add3A_555 = arith.addf %add3A_553, %add3A_554 : vector<16xf32>
          %add3A_556 = arith.addf %scan3A_358, %add3A_555 : vector<16xf32>
          %add3A_557 = arith.addf %mul3A_420, %mul3A_432 : vector<16xf32>
          %add3A_558 = arith.addf %mul3A_444, %mul3A_456 : vector<16xf32>
          %add3A_559 = arith.addf %add3A_557, %add3A_558 : vector<16xf32>
          %add3A_560 = arith.addf %scan3A_359, %add3A_559 : vector<16xf32>
          %add3A_561 = arith.addf %mul3A_468, %mul3A_480 : vector<16xf32>
          %add3A_562 = arith.addf %mul3A_492, %mul3A_504 : vector<16xf32>
          %add3A_563 = arith.addf %add3A_561, %add3A_562 : vector<16xf32>
          %add3A_564 = arith.addf %scan3A_360, %add3A_563 : vector<16xf32>
          %add3A_565 = arith.addf %mul3A_516, %mul3A_528 : vector<16xf32>
          %add3A_566 = arith.addf %mul3A_540, %mul3A_552 : vector<16xf32>
          %add3A_567 = arith.addf %add3A_565, %add3A_566 : vector<16xf32>
          %add3A_568 = arith.addf %scan3A_361, %add3A_567 : vector<16xf32>
          scf.yield %add3A_556, %add3A_560, %add3A_564, %add3A_568 : vector<16xf32>, vector<16xf32>, vector<16xf32>, vector<16xf32>
        }
        %scan3A_342 = arith.constant 8 : i32
        %add3A_343 = arith.addf %scan3A_341#0, %scan3A_341#1 : vector<16xf32>
        %add3A_344 = arith.addf %scan3A_341#2, %scan3A_341#3 : vector<16xf32>
        %add3A_345 = arith.addf %add3A_343, %add3A_344 : vector<16xf32>
        %neg3A = arith.constant 0.000000e+00 : f32
        %neg3A_346 = vector.broadcast %neg3A : f32 to vector<16xf32>
        %neg3A_347 = arith.subf %neg3A_346, %add3A_345 : vector<16xf32>
        %exp3A = math.exp %neg3A_347 : vector<16xf32>
        %add3A_348 = arith.constant 1.000000e+00 : f32
        %add3A_349 = vector.broadcast %add3A_348 : f32 to vector<16xf32>
        %add3A_350 = arith.addf %add3A_349, %exp3A : vector<16xf32>
        %div3A = arith.constant 1.000000e+00 : f32
        %div3A_351 = vector.broadcast %div3A : f32 to vector<16xf32>
        %div3A_352 = arith.divf %div3A_351, %add3A_350 : vector<16xf32>
        %mul3A_353 = arith.constant 16 : i32
        %mul3A_354 = arith.muli %scan3A_331, %mul3A_353 : i32
        %add3A_355 = arith.addi %mul3A_296, %mul3A_354 : i32
        %swap3A = arith.index_cast %add3A_355 : i32 to index
        %swap3A_356 = tpu.vector_load %arg18[%swap3A] {strides = array<i32>} : memref<2000xf32, #tpu.memory_space<vmem>>, vector<16xf32>,
        tpu.vector_store %arg18[%swap3A], %div3A_352 {strides = array<i32>} : memref<2000xf32, #tpu.memory_space<vmem>>, vector<16xf32>,
      }
      %scan3A_302 = arith.constant 5 : i32
      %add3A_303 = arith.constant 5 : i32
      %add3A_304 = arith.addi %add3A_262, %add3A_303 : i32
      %lt3A_305 = arith.constant 125 : i32
      %lt3A_306 = arith.cmpi slt, %add3A_304, %lt3A_305 : i32
      %convert_element_type3A_307 = arith.extui %lt3A_306 : i1 to i32
      %cond3A_308 = arith.constant 0 : i32
      %cond3A_309 = arith.cmpi ne, %convert_element_type3A_307, %cond3A_308 : i32
      scf.if %cond3A_309 {
        %mul3A_331 = arith.constant 80 : i32
        %mul3A_332 = arith.muli %add3A_304, %mul3A_331 : i32
        %dma_start3A_333 = tpu.memref_slice %arg6[%mul3A_332] : memref<10000xi32, #tpu.memory_space<vmem>> -> memref<80xi32, #tpu.memory_space<vmem>>
        %dma_start3A_334 = arith.constant 0 : i32
        %dma_start3A_335 = arith.constant 0 : i32
        %dma_start3A_336 = tpu.memref_slice %arg2[%dma_start3A_334, %dma_start3A_335] : memref<10000x128xf32, #tpu.memory_space<hbm>> -> memref<10000x128xf32, #tpu.memory_space<hbm>>
        tpu.enqueue_indirect_dma source(%dma_start3A_336 : memref<10000x128xf32, #tpu.memory_space<hbm>>) target(%arg12 : memref<80x128xf32, #tpu.memory_space<vmem>>) offsets(%dma_start3A_333 : memref<80xi32, #tpu.memory_space<vmem>>) semaphore(%arg25 : memref<!tpu.dma_semaphore, #tpu.memory_space<semaphore_mem>>)
        %dma_start3A_337 = tpu.memref_slice %arg7[%mul3A_332] : memref<10000xi32, #tpu.memory_space<vmem>> -> memref<80xi32, #tpu.memory_space<vmem>>
        %dma_start3A_338 = arith.constant 0 : i32
        %dma_start3A_339 = arith.constant 0 : i32
        %dma_start3A_340 = tpu.memref_slice %arg2[%dma_start3A_338, %dma_start3A_339] : memref<10000x128xf32, #tpu.memory_space<hbm>> -> memref<10000x128xf32, #tpu.memory_space<hbm>>
        tpu.enqueue_indirect_dma source(%dma_start3A_340 : memref<10000x128xf32, #tpu.memory_space<hbm>>) target(%arg17 : memref<80x128xf32, #tpu.memory_space<vmem>>) offsets(%dma_start3A_337 : memref<80xi32, #tpu.memory_space<vmem>>) semaphore(%arg30 : memref<!tpu.dma_semaphore, #tpu.memory_space<semaphore_mem>>)
      } else {
      }
      %jit3A_310 = arith.constant 5 : i32
      %eq3A_311 = arith.constant 0 : i32
      %eq3A_312 = arith.cmpi eq, %jit3A_310, %eq3A_311 : i32
      %jit3A_313 = arith.constant 1 : i32
      %select_n3A_314 = arith.select %eq3A_312, %jit3A_313, %jit3A_310 : i32
      %rem3A_315 = arith.remsi %scan3A_64, %select_n3A_314 : i32
      %ne3A_316 = arith.constant 0 : i32
      %ne3A_317 = arith.cmpi ne, %rem3A_315, %ne3A_316 : i32
      %lt3A_318 = arith.constant 0 : i32
      %lt3A_319 = arith.cmpi slt, %rem3A_315, %lt3A_318 : i32
      %lt3A_320 = arith.constant 0 : i32
      %lt3A_321 = arith.cmpi slt, %select_n3A_314, %lt3A_320 : i32
      %ne3A_322 = arith.xori %lt3A_319, %lt3A_321 : i1
      %and3A_323 = arith.andi %ne3A_322, %ne3A_317 : i1
      %add3A_324 = arith.addi %rem3A_315, %select_n3A_314 : i32
      %select_n3A_325 = arith.select %and3A_323, %add3A_324, %rem3A_315 : i32
      %eq3A_326 = arith.constant 4 : i32
      %eq3A_327 = arith.cmpi eq, %select_n3A_325, %eq3A_326 : i32
      %convert_element_type3A_328 = arith.extui %eq3A_327 : i1 to i32
      %cond3A_329 = arith.constant 0 : i32
      %cond3A_330 = arith.cmpi ne, %convert_element_type3A_328, %cond3A_329 : i32
      scf.if %cond3A_330 {
        %jit3A_331 = arith.constant 5 : i32
        %div3A = arith.divsi %scan3A_64, %jit3A_331 : i32
        %sign3A = arith.constant 0 : i32
        %sign3A_332 = arith.cmpi sgt, %scan3A_64, %sign3A : i32
        %sign3A_333 = arith.extui %sign3A_332 : i1 to i32
        %sign3A_334 = arith.constant 0 : i32
        %sign3A_335 = arith.cmpi slt, %scan3A_64, %sign3A_334 : i32
        %sign3A_336 = arith.extui %sign3A_335 : i1 to i32
        %sign3A_337 = arith.subi %sign3A_333, %sign3A_336 : i32
        %sign3A_338 = arith.constant 0 : i32
        %sign3A_339 = arith.cmpi sgt, %jit3A_331, %sign3A_338 : i32
        %sign3A_340 = arith.extui %sign3A_339 : i1 to i32
        %sign3A_341 = arith.constant 0 : i32
        %sign3A_342 = arith.cmpi slt, %jit3A_331, %sign3A_341 : i32
        %sign3A_343 = arith.extui %sign3A_342 : i1 to i32
        %sign3A_344 = arith.subi %sign3A_340, %sign3A_343 : i32
        %ne3A_345 = arith.cmpi ne, %sign3A_337, %sign3A_344 : i32
        %rem3A_346 = arith.remsi %scan3A_64, %jit3A_331 : i32
        %ne3A_347 = arith.constant 0 : i32
        %ne3A_348 = arith.cmpi ne, %rem3A_346, %ne3A_347 : i32
        %and3A_349 = arith.andi %ne3A_345, %ne3A_348 : i1
        %sub3A_350 = arith.constant 1 : i32
        %sub3A_351 = arith.subi %div3A, %sub3A_350 : i32
        %select_n3A_352 = arith.select %and3A_349, %sub3A_351, %div3A : i32
        %mul3A_353 = arith.constant 2000 : i32
        %mul3A_354 = arith.muli %select_n3A_352, %mul3A_353 : i32
        %add3A_355 = arith.addi %mul3A_2, %mul3A_354 : i32
        "tpu.region"() ({
          %run_scoped3A = tpu.sem_alloc : memref<!tpu.dma_semaphore, #tpu.memory_space<semaphore_mem>>
          %dma_start3A_356 = tpu.memref_slice %arg5[%add3A_355] : memref<320000xf32, #tpu.memory_space<hbm>> -> memref<2000xf32, #tpu.memory_space<hbm>>
          %dma_start3A_357 = tpu.memref_slice %arg5[%add3A_355] : memref<320000xf32, #tpu.memory_space<hbm>> -> memref<2000xf32, #tpu.memory_space<hbm>>
          tpu.enqueue_dma source(%arg18 : memref<2000xf32, #tpu.memory_space<vmem>>) target(%dma_start3A_357 : memref<2000xf32, #tpu.memory_space<hbm>>) target_semaphore(%run_scoped3A : memref<!tpu.dma_semaphore, #tpu.memory_space<semaphore_mem>>)
          %dma_wait3A_358 = tpu.memref_slice %arg5[%add3A_355] : memref<320000xf32, #tpu.memory_space<hbm>> -> memref<2000xf32, #tpu.memory_space<hbm>>
          %dma_wait3A_359 = tpu.memref_slice %arg5[%add3A_355] : memref<320000xf32, #tpu.memory_space<hbm>> -> memref<2000xf32, #tpu.memory_space<hbm>>
          tpu.wait_dma2 semaphore(%run_scoped3A : memref<!tpu.dma_semaphore, #tpu.memory_space<semaphore_mem>>) src(%arg18 : memref<2000xf32, #tpu.memory_space<vmem>>) dst(%dma_wait3A_359 : memref<2000xf32, #tpu.memory_space<hbm>>)
          tpu.yield
        }) : () -> ()
      } else {
      }
    }
    %scan3A_63 = arith.constant 25 : i32
    return
  }
}

</mosaic_0001>

<sc_bundles>
// kernel: _run.3.cloned.1.call-start
scs
__scs_entry_jumppad:
0x0: {  	(pc) =	sbr.rel $0x88, $3  }
0x1: {  	(tag) =	ssettag $0x0;
	lr =	simm.s32 $0x1  }
0x2: {  	[smem:$0x3F9E] =	sst lr;
	_ =	strace $0xD0000000  }
0x3: {  	_ = 	snop  }
0x4: {  	_ = 	snop  }
0x5: {  	_ = 	snop  }
0x6: {  	_ = 	snop  }
0x7: {  	_ = 	snop  }
__scs_overlays_trampoline_lowered:
0x8: {  	[smem:$0x3FAD] =	sst s0  }
0x9: {  	[smem:$0x3FAE] =	sst s1  }
0xa: {  	[smem:$0x3FAF] =	sst s2  }
0xb: {  	[smem:$0x3FB0] =	sst s3  }
0xc: {  	[smem:$0x3FB1] =	sst s4  }
0xd: {  	[smem:$0x3FB2] =	sst s5  }
0xe: {  	[smem:$0x3FB3] =	sst s6  }
0xf: {  	[smem:$0x3FB4] =	sst s7  }
0x10: {  	[smem:$0x3FB5] =	sst s8  }
0x11: {  	[smem:$0x3FB6] =	sst s9;
	s0 =	simm.s32 @!p0 $0x0  }
0x12: {  	s1 =	sld [smem:$0x3F9C];
	s0 =	simm.s32 @p0 $0x1  }
0x13: {  	[smem:$0x3FB7] =	sst s0;
	s0 =	simm.s32 @!p1 $0x0  }
0x14: {  	s2 =	sld [smem:$0x3F9B];
	s0 =	simm.s32 @p1 $0x1  }
0x15: {  	[smem:$0x3FB8] =	sst s0;
	s0 =	simm.s32 @!p2 $0x0  }
0x16: {  	s3 =	sld [smem:$0x3FDB];
	s0 =	simm.s32 @p2 $0x1  }
0x17: {  	s4 =	simm.s32 $0x1BF5;
	[smem:$0x3FBA] =	sst s0  }
0x18: {  	s0 =	sld [smem:$0x3F9D];
	_ =	swait.ge [sflag:s4], $0x0  }
0x19: {  	s7 =	sld [smem:$0x3F9E]  }
0x1a: {  	s8 =	sadd.s32 $0xFFFFE003, lr  }
0x1b: {  	s9 =	sadd.s32 $0xFFFFFEF7, lr;
	s5 =	simm.s32 $0xFFFFFFFF;
	p2 =	slt.u32 s8, $0xFFFFF086  }
0x1c: {  	p1 =	slt.u32 s9, $0xF7A;
	s5 =	simm.s32 @!p2 $0x0  }
0x1d: {  	s5 =	simm.s32 @p1 $0x1;
	p0 =	seq.s32 s7, s2  }
0x1e: {  	s7 =	smul.u32 @!p0 $0xF7A, s2;
	p2 =	seq.s32 @!p0 s5, $0x0  }
0x1f: {  	s9 =	smul.u32 $0xF7A, s1;
	s8 =	simm.s32 @!p0 $0x1BF5;
	p2 =	por !p2, p0  }
0x20: {  	[sflag:s8] =	ssyncset.s32 @!p0 $0xFFFFF086;
	s6 =	sadd.s32 @!p0 s3, s7;
	s7 =	simm.s32 @!p0 $0x108  }
0x21: {  	s3 =	sadd.s32 s3, s9;
	s6 =	sadd.s32 @!p0 $0x88, s6;
	s7 =	simm.s32 @p2 $0x1082  }
0x22: {  	[simem:s7], [sflag:s8] =	dma.local @!p0 [hbm:s6], $0xF7A  }
0x23: {  	s9 =	sor.u32 $0xD0000000, s2;
	s6 =	simm.s32 $0x108;
	_ =	swait.ge @!p0 [sflag:s8], $0x0  }
0x24: {  	s3 =	sadd.s32 $0x88, s3;
	s6 =	simm.s32 @!p1 $0x1082;
	[sflag:s4] =	ssyncset.s32 $0xFFFFF086  }
0x25: {  	[simem:s6], [sflag:s4] =	dma.local [hbm:s3], $0xF7A  }
0x26: {  	[smem:$0x3F9E] =	sst s1;
	(tag) =	ssettag s2;
	_ =	strace s9  }
0x27: {  	s1 =	sld [smem:$0x3FAE]  }
0x28: {  	s2 =	sld [smem:$0x3FAF]  }
0x29: {  	s4 =	sld [smem:$0x3FB1]  }
0x2a: {  	p0 =	seq.s32 s5, $0x0;
	s5 =	sld [smem:$0x3FB2]  }
0x2b: {  	s6 =	sld [smem:$0x3FB3]  }
0x2c: {  	s7 =	sld [smem:$0x3FB4]  }
0x2d: {  	s3 =	simm.s32 $0x108;
	s8 =	sld [smem:$0x3FB5]  }
0x2e: {  	s3 =	simm.s32 @!p0 $0x1082;
	s9 =	sld [smem:$0x3FB6]  }
0x2f: {  	lr =	sadd.s32 s0, s3;
	s0 =	sld [smem:$0x3FAD]  }
0x30: {  	s3 =	sld [smem:$0x3FB0]  }
0x31: {  	[smem:$0x3FB9] =	sst s10  }
0x32: {  	s10 =	sld [smem:$0x3FB7];
	_ =	sdelay $0x3  }
0x33: {  	p0 =	seq.s32 s10, $0x1;
	s10 =	sld [smem:$0x3FB9];
	_ =	sdelay $0x3  }
0x34: {  	[smem:$0x3FB9] =	sst s10  }
0x35: {  	s10 =	sld [smem:$0x3FB8];
	_ =	sdelay $0x3  }
0x36: {  	p1 =	seq.s32 s10, $0x1;
	s10 =	sld [smem:$0x3FB9];
	_ =	sdelay $0x3  }
0x37: {  	[smem:$0x3FB9] =	sst s10  }
0x38: {  	s10 =	sld [smem:$0x3FBA]  }
0x39: {  	_ = 	snop;
	(pc) =	sbr.ind lr, $3  }
0x3a: {  	_ = 	snop  }
0x3b: {  	_ = 	snop  }
0x3c: {  	p2 =	seq.s32 s10, $0x1;
	s10 =	sld [smem:$0x3FB9]  }
0x3d: {  	_ =	shalt  }
0x3e: {  	_ =	shalt  }
0x3f: {  	_ =	shalt  }
0x40: {  	_ =	shalt  }
0x41: {  	_ =	shalt  }
0x42: {  	_ =	shalt  }
0x43: {  	_ =	shalt  }
0x44: {  	_ =	shalt  }
0x45: {  	_ =	shalt  }
0x46: {  	_ =	shalt  }
0x47: {  	_ =	shalt  }
0x48: {  	_ =	shalt  }
0x49: {  	_ =	shalt  }
0x4a: {  	_ =	shalt  }
0x4b: {  	_ =	shalt  }
0x4c: {  	_ =	shalt  }
0x4d: {  	_ =	shalt  }
0x4e: {  	_ =	shalt  }
0x4f: {  	_ =	shalt  }
0x50: {  	_ =	shalt  }
0x51: {  	_ =	shalt  }
0x52: {  	_ =	shalt  }
0x53: {  	_ =	shalt  }
0x54: {  	_ =	shalt  }
0x55: {  	_ =	shalt  }
0x56: {  	_ =	shalt  }
0x57: {  	_ =	shalt  }
0x58: {  	_ =	shalt  }
0x59: {  	_ =	shalt  }
0x5a: {  	_ =	shalt  }
0x5b: {  	_ =	shalt  }
0x5c: {  	_ =	shalt  }
0x5d: {  	_ =	shalt  }
0x5e: {  	_ =	shalt  }
0x5f: {  	_ =	shalt  }
0x60: {  	_ =	shalt  }
0x61: {  	_ =	shalt  }
0x62: {  	_ =	shalt  }
0x63: {  	_ =	shalt  }
0x64: {  	_ =	shalt  }
0x65: {  	_ =	shalt  }
0x66: {  	_ =	shalt  }
0x67: {  	_ =	shalt  }
0x68: {  	_ =	shalt  }
0x69: {  	_ =	shalt  }
0x6a: {  	_ =	shalt  }
0x6b: {  	_ =	shalt  }
0x6c: {  	_ =	shalt  }
0x6d: {  	_ =	shalt  }
0x6e: {  	_ =	shalt  }
0x6f: {  	_ =	shalt  }
0x70: {  	_ =	shalt  }
0x71: {  	_ =	shalt  }
0x72: {  	_ =	shalt  }
0x73: {  	_ =	shalt  }
0x74: {  	_ =	shalt  }
0x75: {  	_ =	shalt  }
0x76: {  	_ =	shalt  }
0x77: {  	_ =	shalt  }
0x78: {  	_ =	shalt  }
0x79: {  	_ =	shalt  }
0x7a: {  	_ =	shalt  }
0x7b: {  	_ =	shalt  }
0x7c: {  	_ =	shalt  }
0x7d: {  	_ =	shalt  }
0x7e: {  	_ =	shalt  }
0x7f: {  	_ =	shalt  }
0x80: {  	_ =	shalt  }
0x81: {  	_ =	shalt  }
0x82: {  	_ =	shalt  }
0x83: {  	_ =	shalt  }
0x84: {  	_ =	shalt  }
0x85: {  	_ =	shalt  }
0x86: {  	_ =	shalt  }
0x87: {  	_ =	shalt  }
.Lfunc_end0:
.L_simem_size_0:
called_computation_lowered:
.L_overlay_start_0:
0x88: {  	s2 =	sld [smem:$0x3FD9]  }
0x89: {  	s3 =	sld [smem:$0x3FFE];
	_ =	sdelay $0x1  }
0x8a: {  	s1 =	srdreg.scid  }
0x8b: {  	s0 =	sand.u32 $0x1, s1  }
0x8c: {  	s18 =	sshll.u32 s0, $0xA;
	s2 =	sadd.s32 s3, s2  }
0x8d: {  	s2 =	sadd.s32 s2, s18  }
0x8e: {  	[smem:$0x3FC5] =	sst s2  }
0x8f: {  	_ = 	snop  }
0x90: {  	s2 =	sld [smem:$0x3FC9]  }
0x91: {  	s19 =	sld [smem:$0x3FC8]  }
0x92: {  	s4 =	sld [smem:$0x3FC7]  }
0x93: {  	s5 =	sld [smem:$0x3FD0];
	(tm) =	ssettm $0x1  }
0x94: {  	s6 =	sld [smem:$0x3FFB];
	_ =	sdelay $0x3  }
0x95: {  	_ =	strace s6  }
0x96: {  	s6 =	sld [smem:$0x3FFC];
	_ =	sdelay $0x3  }
0x97: {  	_ =	strace s6  }
0x98: {  	s6 =	sld [smem:$0x3FFD];
	_ =	sdelay $0x3  }
0x99: {  	_ =	strace s6  }
0x9a: {  	_ =	strace $0x8FFFFFFF  }
0x9b: {  	s20 =	sld [smem:$0x3FDB];
	_ =	sdelay $0x1  }
0x9c: {  	s7 =	simm.s32 $_scs_section_size  }
0x9d: {  	s8 =	simm.s32 $_size__tile_overlayer_lowered;
	s9 =	simm.s32 $_tile_overlayer_lowered  }
0x9e: {  	s23 =	simm.s32 $0x1BFF;
	s22 =	sshll.u32 s9, $0x1;
	s6 =	sadd.s32 s7, s20  }
0x9f: {  	s10 =	simm.s32 $0x0;
	s21 =	sshll.u32 s8, $0x1;
	s8 =	sadd.s32 s22, s6  }
0xa0: {  	[timem:s10], [sflag:s23] =	dma.local [hbm:s8], s21  }
0xa1: {  	_ =	swait.ge [sflag:s23], s21  }
0xa2: {  	s7 =	ssub.s32 $0x0, s21;
	[sflag:s23] =	ssyncset.done $0x0  }
0xa3: {  	[sflag:s23] =	ssyncadd.s32 s7;
	_ =	sdelay $0x1  }
0xa4: {  	s24 =	simm.s32 $0x1B8B  }
0xa5: {  	_ =	swait.ge [sflag:s24], $0x1  }
0xa6: {  	[sflag:s24] =	ssyncset.done $0x0  }
0xa7: {  	s25 =	simm.s32 $0x1B8E;
	[sflag:s24] =	ssyncadd.s32 $0xFFFFFFFF  }
0xa8: {  	s26 =	simm.s32 $execute0_lowered;
	[smem:$0x3FD2] =	sst s25  }
0xa9: {  	s7 =	sshll.u32 s26, $0x1;
	_ =	strace $0x80000046;
	[dreg:$0x1] =	wrdreg $0xFFFFFFFF  }
0xaa: {  	s28 =	simm.s32 $_size_execute0_lowered;
	s6 =	sadd.s32 s6, s7;
	[dreg:$0x0] =	wrdreg $0x0  }
0xab: {  	s7 =	sshll.u32 s28, $0x1;
	[dreg:$0x2] =	wrdreg s6  }
0xac: {  	[dreg:$0x3] =	wrdreg s7  }
0xad: {  	[dreg:$0x4] =	wrdreg $0xC0  }
0xae: {  	_ =	task [dreg:s10], $0x5FFFF  }
0xaf: {  	[dreg:$0x1] =	wrdreg $0xFFFFFFFF  }
0xb0: {  	[dreg:$0x0] =	wrdreg $0x60  }
0xb1: {  	[dreg:$0x2] =	wrdreg s2  }
0xb2: {  	[dreg:$0x3] =	wrdreg s19  }
0xb3: {  	[dreg:$0x4] =	wrdreg s4  }
0xb4: {  	[dreg:$0x5] =	wrdreg s5  }
0xb5: {  	[dreg:$0x6] =	wrdreg $0x9  }
0xb6: {  	_ =	task.clear_ibuf [dreg:s10], $0x7FFFF;
	_ =	strace $0x90000046  }
0xb7: {  	s29 =	simm.s32 $0x9;
	_ =	strace $0x80000048  }
0xb8: {  	_ =	swait.ge [sflag:s29], $0x1  }
0xb9: {  	[sflag:s29] =	ssyncadd.s32 $0xFFFFFFFF  }
0xba: {  	_ =	strace $0x90000048  }
0xbb: {  	_ =	sfence  }
0xbc: {  	s30 =	sld [smem:$0x0];
	_ =	sdelay $0x2  }
0xbd: {  	s31 =	sshll.u32 s1, $0xD;
	s1 =	sshrl.u32 s1, $0x2  }
0xbe: {  	s3 =	sand.u32 $0x4000, s31;
	s1 =	sadd.s32 s1, s30  }
0xbf: {  	s0 =	sor.u32 s3, s0;
	s1 =	sshll.u32 s1, $0x11  }
0xc0: {  	s0 =	sor.u32 s1, s0  }
0xc1: {  	s0 =	sadd.s32 $0x8F2B, s0  }
0xc2: {  	[sflag:s0] =	ssyncadd.remote.s32 $0x1  }
0xc3: {  	_ =	sfence.sel $0xFFFF  }
0xc4: {  	[dreg:$0x0] =	wrdreg $0xFFFFFFFF;
	(pc) =	sbr.abs _section_cstart, $3  }
0xc5: {  	[dreg:$0x1] =	wrdreg $0xFFFFFFFF  }
0xc6: {  	_ =	task.clear_ibuf [dreg:s10], $0x2FFFF;
	_ =	strace $0x9FFFFFFF  }
0xc7: {  	(tm) =	ssettm $0x7FFFFFFF  }
tec
execute0_lowered:
.L_overlay_start_1:
0x0: {  	(tag) =	ssettag $0x1  }
0x1: {  	s1 =	rddreg [dreg:$0x0]  }
0x2: {  	s0 =	srdreg.scid;
	s2 =	rddreg [dreg:$0x1]  }
0x3: {  	s3 =	stileid.u32;
	s4 =	rddreg [dreg:$0x2]  }
0x4: {  	s25 =	simm.s32 $0x0;
	s13 =	simm.s32 $0x4F00;
	s14 =	simm.s32 $0x11700  }
0x5: {  	s15 =	simm.s32 $0x7700;
	s17 =	simm.s32 $0x13F00;
	s19 =	simm.s32 $0x9F00  }
0x6: {  	s21 =	simm.s32 $0x16700;
	s23 =	simm.s32 $0xC700;
	s28 =	simm.s32 $0xEF00  }
0x7: {  	s30 =	simm.s32 $0x1B700;
	s0 =	sand.u32 $0x1, s0;
	s3 =	sshll.u32 s3, $0x1  }
0x8: {  	s22 =	simm.s32 $0x6;
	s3 =	sor.u32 s0, s3;
	s0 =	ssub.s32 $0x2, s0  }
0x9: {  	s24 =	simm.s32 $0xB;
	s5 =	smul.u32 $0x2710, s3;
	s26 =	sshrl.u32 s0, $0x1  }
0xa: {  	s29 =	simm.s32 $0xC;
	[smem:$0x7FF] =	sst s25;
	s0 =	ssub.s32 s0, s26  }
0xb: {  	[dreg:$0x5] =	wrdreg s5;
	s5 =	sshrl.u32 s5, $0x3;
	s0 =	smax.u32 s0, $0x1  }
0xc: {  	_ =	strace $0x80000047;
	s2 =	sadd.s32 s2, s5;
	[dreg:$0x8] =	wrdreg s0  }
0xd: {  	v0 =	vlaneseq.u32;
	s25 =	simm.s32 $0x18F00;
	s31 =	sadd.s32 s4, s5;
	[dreg:$0x6] =	wrdreg s2  }
0xe: {  	v1 =	vmul.u32 $0x80, v0;
	s26 =	simm.s32 $0x7;
	[dreg:$0x7] =	wrdreg s31;
	s2 =	simm.s32 $0x0  }
.LBB2_1:
0xf: {  	[dreg:$0x9] =	wrdreg s2  }
0x10: {  	s0 =	simm.s32 $0x0;
	s5 =	rddreg [dreg:$0x6]  }
0x11: {  	[tilespmem:s0], [sflag:$0x1] =	stream.linear.gather [hbm4b:s5+s0], $0x2710, $0x38;
	[tilespmem:$0x1E700] =	vst v63  }
0x12: {  	s6 =	rddreg [dreg:$0x7];
	s3 =	simm.s32 $0x2780;
	s7 =	simm.s32 $0x1  }
0x13: {  	[tilespmem:s3], [sflag:$0x2] =	stream.linear.gather [hbm4b:s6+s0], $0x2710, $0x38;
	[tilespmem:$0x1E700] =	vst v63  }
0x14: {  	_ =	swait.ge [sflag:s7], $0x2710  }
0x15: {  	[sflag:s7] =	ssyncset.done $0x0  }
0x16: {  	s8 =	simm.s32 $0x2;
	[sflag:s7] =	ssyncadd.s32 $0xFFFFD8F0  }
0x17: {  	_ =	swait.ge [sflag:s8], $0x2710  }
0x18: {  	[sflag:s8] =	ssyncset.done $0x0  }
0x19: {  	s9 =	simm.s32 $0x50;
	[sflag:s8] =	ssyncadd.s32 $0xFFFFD8F0  }
0x1a: {  	[tilespmem:s13], [sflag:$0x3] =	stream.indirect.gather [hbm4b:s1+s9], $0x80, s0, s9, $0xb8;
	[tilespmem:$0x1E700] =	vst v63  }
0x1b: {  	_ = 	snop  }
0x1c: {  	[tilespmem:s14], [sflag:$0x8] =	stream.indirect.gather [hbm4b:s1+s9], $0x80, s3, s9, $0xb8;
	[tilespmem:$0x1E700] =	vst v63  }
0x1d: {  	_ = 	snop  }
0x1e: {  	[tilespmem:s15], [sflag:$0x4] =	stream.indirect.gather [hbm4b:s1+s9], $0x80, s9, s9, $0xb8;
	[tilespmem:$0x1E700] =	vst v63  }
0x1f: {  	s10 =	simm.s32 $0x27D0  }
0x20: {  	[tilespmem:s17], [sflag:$0x9] =	stream.indirect.gather [hbm4b:s1+s9], $0x80, s10, s9, $0xb8;
	[tilespmem:$0x1E700] =	vst v63  }
0x21: {  	s11 =	simm.s32 $0xA0  }
0x22: {  	[tilespmem:s19], [sflag:$0x5] =	stream.indirect.gather [hbm4b:s1+s9], $0x80, s11, s9, $0xb8;
	[tilespmem:$0x1E700] =	vst v63  }
0x23: {  	s12 =	simm.s32 $0x2820  }
0x24: {  	[tilespmem:s21], [sflag:$0xA] =	stream.indirect.gather [hbm4b:s1+s9], $0x80, s12, s9, $0xb8;
	[tilespmem:$0x1E700] =	vst v63  }
0x25: {  	s16 =	simm.s32 $0xF0  }
0x26: {  	[tilespmem:s23], [sflag:$0x6] =	stream.indirect.gather [hbm4b:s1+s9], $0x80, s16, s9, $0xb8;
	[tilespmem:$0x1E700] =	vst v63  }
0x27: {  	s18 =	simm.s32 $0x2870  }
0x28: {  	[tilespmem:s25], [sflag:$0xB] =	stream.indirect.gather [hbm4b:s1+s9], $0x80, s18, s9, $0xb8;
	[tilespmem:$0x1E700] =	vst v63  }
0x29: {  	s20 =	simm.s32 $0x140  }
0x2a: {  	[tilespmem:s28], [sflag:$0x7] =	stream.indirect.gather [hbm4b:s1+s9], $0x80, s20, s9, $0xb8;
	[tilespmem:$0x1E700] =	vst v63  }
0x2b: {  	s31 =	simm.s32 $0x28C0;
	s8 =	simm.s32 $0x0  }
0x2c: {  	[tilespmem:s30], [sflag:$0xC] =	stream.indirect.gather [hbm4b:s1+s9], $0x80, s31, s9, $0xb8;
	[tilespmem:$0x1E700] =	vst v63  }
.LBB2_2:
0x2d: {  	s3 =	smul.u32 $0xCD, s8;
	_ =	sdelay $0x1  }
0x2e: {  	s3 =	sshrl.u32 s3, $0xA  }
0x2f: {  	s3 =	sand.u32 $0x3F, s3  }
0x30: {  	s3 =	smul.u32 $0x5, s3;
	_ =	sdelay $0x1  }
0x31: {  	s0 =	simm.s32 $0x3;
	s10 =	ssub.s32 s8, s3  }
0x32: {  	_ =	swait.ge [sflag:s0], $0x2800;
	s3 =	sand.u32 $0xFF, s10  }
0x33: {  	[sflag:s0] =	ssyncset.done $0x0;
	s3 =	smul.u32 $0x640, s3  }
0x34: {  	s31 =	simm.s32 $0x8;
	[sflag:s0] =	ssyncadd.s32 $0xFFFFD800  }
0x35: {  	_ =	swait.ge [sflag:s31], $0x2800;
	s11 =	sshrl.u32 s3, $0x2  }
0x36: {  	[sflag:s31] =	ssyncset.done $0x0;
	s3 =	sadd.s32 $0x1DF00, s11  }
0x37: {  	s12 =	simm.s32 $0x0;
	[sflag:s31] =	ssyncadd.s32 $0xFFFFD800;
	v2 =	vmov s3  }
.LBB2_3:
0x38: {  	s7 =	sshll.u32 s12, $0x4  }
0x39: {  	s3 =	simm.s32 $0x7;
	v3 =	vmov s7  }
0x3a: {  	s4 =	simm.s32 $0x1;
	v4 =	vadd.s32 s3, v0;
	v3 =	vshll.u32 v3, $0x7  }
0x3b: {  	v5 =	vadd.s32 s4, v0;
	v4 =	vand.u32 $0x7F, v4;
	v3 =	vor.u32 v1, v3  }
0x3c: {  	s20 =	simm.s32 $0x6;
	v5 =	vand.u32 $0x7F, v5;
	v7 =	vor.u32 v3, v4  }
0x3d: {  	s16 =	simm.s32 $0xF;
	s0 =	simm.s32 $0x4;
	v11 =	vadd.s32 s20, v0;
	v4 =	vor.u32 v3, v5  }
0x3e: {  	s2 =	simm.s32 $0x5;
	v6 =	vadd.s32 s16, v0;
	v14 =	vadd.s32 s0, v0;
	v11 =	vand.u32 $0x7F, v11  }
0x3f: {  	s18 =	simm.s32 $0xB;
	v15 =	vadd.s32 s2, v0;
	v14 =	vand.u32 $0x7F, v14;
	v11 =	vor.u32 v3, v11  }
0x40: {  	v15 =	vand.u32 $0x7F, v15;
	v5 =	vand.u32 $0x7F, v6;
	v6 =	vadd.s32 s18, v0  }
0x41: {  	v14 =	vor.u32 v3, v14;
	v8 =	vor.u32 v3, v5;
	v5 =	vand.u32 $0x7F, v6;
	v10 =	vld.idx.msk [tilespmem:v7+s13+$0x0], $0xffff  }
0x42: {  	v15 =	vor.u32 v3, v15;
	v9 =	vor.u32 v3, v5;
	v5 =	vld.idx.msk [tilespmem:v4+s14+$0x0], $0xffff  }
0x43: {  	v19 =	vld.idx.msk [tilespmem:v7+s14+$0x0], $0xffff  }
0x44: {  	v22 =	vld.idx.msk [tilespmem:v11+s14+$0x0], $0xffff  }
0x45: {  	v23 =	vld.idx.msk [tilespmem:v11+s13+$0x0], $0xffff  }
0x46: {  	s31 =	simm.s32 $0x0;
	v6 =	vor.u32 v0, v3;
	v27 =	vld.idx.msk [tilespmem:v14+s13+$0x0], $0xffff  }
0x47: {  	v12 =	vor.u32 s31, v6;
	v18 =	vld.idx.msk [tilespmem:v15+s13+$0x0], $0xffff  }
0x48: {  	s5 =	simm.s32 $0x2;
	v32 =	vld.idx.msk [tilespmem:v14+s14+$0x0], $0xffff  }
0x49: {  	v17 =	vadd.s32 s5, v0;
	v13 =	vld.idx.msk [tilespmem:v8+s13+$0x0], $0xffff  }
0x4a: {  	s5 =	simm.s32 $0xD;
	v7 =	vand.u32 $0x7F, v17;
	v8 =	vld.idx.msk [tilespmem:v8+s14+$0x0], $0xffff  }
0x4b: {  	s6 =	simm.s32 $0x3;
	v14 =	vadd.s32 s5, v0;
	v17 =	vor.u32 v3, v7;
	v16 =	vld.idx.msk [tilespmem:v9+s14+$0x0], $0xffff  }
0x4c: {  	v7 =	vadd.s32 s6, v0;
	v26 =	vand.u32 $0x7F, v14;
	v21 =	vld.idx.msk [tilespmem:v12+s13+$0x0], $0xffff  }
0x4d: {  	s9 =	simm.s32 $0xC;
	s16 =	simm.s32 $0x8;
	v7 =	vand.u32 $0x7F, v7;
	v29 =	vld.idx.msk [tilespmem:v12+s14+$0x0], $0xffff;
	v30 =	vor.u32 v3, v26  }
0x4e: {  	v9 =	vld.idx.msk [tilespmem:v9+s13+$0x0], $0xffff;
	v12 =	vadd.s32 s16, v0;
	v24 =	vor.u32 v3, v7;
	v7 =	vadd.s32 s9, v0  }
0x4f: {  	s18 =	simm.s32 $0xE;
	v25 =	vld.idx.msk [tilespmem:v15+s14+$0x0], $0xffff;
	v12 =	vand.u32 $0x7F, v12;
	v11 =	vand.u32 $0x7F, v7  }
0x50: {  	s20 =	simm.s32 $0xA;
	v20 =	vor.u32 v3, v12;
	v33 =	vor.u32 v3, v11;
	v11 =	vadd.s32 s18, v0;
	v31 =	vld.idx.msk [tilespmem:v17+s14+$0x0], $0xffff  }
0x51: {  	v15 =	vadd.s32 s20, v0;
	v34 =	vld.idx.msk [tilespmem:v17+s13+$0x0], $0xffff;
	v35 =	vand.u32 $0x7F, v11  }
0x52: {  	s31 =	simm.s32 $0x9;
	v11 =	vand.u32 $0x7F, v15;
	v12 =	vmul.f32 v8, v13;
	v13 =	vmul.f32 v29, v21;
	v21 =	vld.idx.msk [tilespmem:v30+s13+$0x0], $0xffff  }
0x53: {  	v17 =	vor.u32 v3, v11;
	v11 =	vmul.f32 v16, v9;
	v9 =	vadd.s32 s31, v0;
	v14 =	vld.idx.msk [tilespmem:v24+s14+$0x0], $0xffff  }
0x54: {  	v7 =	vimm.f32 $0.0e+00;
	v16 =	vld.idx.msk [tilespmem:v24+s13+$0x0], $0xffff;
	v8 =	vand.u32 $0x7F, v9  }
0x55: {  	v26 =	vmul.f32 v22, v23;
	v28 =	vmul.f32 v19, v10;
	v29 =	vor.u32 v3, v8;
	v19 =	vld.idx.msk [tilespmem:v20+s13+$0x0], $0xffff  }
0x56: {  	v23 =	vmul.f32 v32, v27;
	v10 =	vimm.f32 $0.0e+00;
	v27 =	vor.u32 v3, v35;
	v22 =	vld.idx.msk [tilespmem:v33+s13+$0x0], $0xffff  }
0x57: {  	s3 =	simm.s32 $0x1F;
	v9 =	vimm.f32 $0.0e+00;
	v8 =	vimm.f32 $0.0e+00;
	v24 =	vld.idx.msk [tilespmem:v33+s14+$0x0], $0xffff;
	v15 =	vmul.f32 v31, v34  }
.LBB2_4:
0x58: {  	s4 =	sadd.s32 $0xFFFFFFF5, s3  }
0x59: {  	s31 =	sadd.s32 $0xFFFFFFF6, s3;
	s5 =	sadd.s32 $0xFFFFFFF8, s3;
	v31 =	vadd.s32 s3, v0;
	v30 =	vld.idx.msk [tilespmem:v30+s14+$0x0], $0xffff;
	v26 =	vadd.f32 v28, v26;
	s9 =	smov.u32 s3  }
0x5a: {  	s2 =	sadd.s32 $0xFFFFFFF1, s3;
	s6 =	sadd.s32 $0xFFFFFFF2, s3;
	v18 =	vmul.f32 v25, v18;
	v28 =	vadd.s32 s4, v0;
	v32 =	vadd.s32 s5, v0;
	s4 =	sadd.s32 $0xFFFFFFFF, s3;
	v25 =	vld.idx.msk [tilespmem:v29+s13+$0x0], $0xffff  }
0x5b: {  	s0 =	sadd.s32 $0xFFFFFFF3, s3;
	s16 =	sadd.s32 $0xFFFFFFF7, s3;
	s18 =	sadd.s32 $0xFFFFFFFC, s3;
	v33 =	vadd.s32 s6, v0;
	v32 =	vand.u32 $0x7F, v32;
	v34 =	vadd.s32 s4, v0;
	v29 =	vld.idx.msk [tilespmem:v29+s14+$0x0], $0xffff  }
0x5c: {  	s6 =	sadd.s32 $0xFFFFFFF9, s3;
	s5 =	sadd.s32 $0xFFFFFFFB, s3;
	v35 =	vadd.s32 s18, v0;
	v33 =	vand.u32 $0x7F, v33;
	s4 =	sadd.s32 $0xFFFFFFFE, s3;
	v32 =	vor.u32 v3, v32;
	v36 =	vld.idx.msk [tilespmem:v27+s13+$0x0], $0xffff  }
0x5d: {  	p0 =	sne.s32 s3, $0x7F;
	v37 =	vadd.s32 s0, v0;
	s0 =	sadd.s32 $0xFFFFFFF4, s9;
	v31 =	vand.u32 $0x7F, v31;
	s3 =	sadd.s32 $0x10, s3;
	v33 =	vor.u32 v3, v33;
	v27 =	vld.idx.msk [tilespmem:v27+s14+$0x0], $0xffff  }
0x5e: {  	v38 =	vadd.s32 s0, v0;
	v28 =	vand.u32 $0x7F, v28;
	v35 =	vand.u32 $0x7F, v35;
	s0 =	sadd.s32 $0xFFFFFFFD, s9;
	v39 =	vld.idx.msk [tilespmem:v17+s13+$0x0], $0xffff  }
0x5f: {  	v37 =	vand.u32 $0x7F, v37;
	v31 =	vor.u32 v3, v31;
	v38 =	vand.u32 $0x7F, v38;
	v20 =	vld.idx.msk [tilespmem:v20+s14+$0x0], $0xffff  }
0x60: {  	v37 =	vor.u32 v3, v37;
	v35 =	vor.u32 v3, v35;
	v38 =	vor.u32 v3, v38;
	v17 =	vld.idx.msk [tilespmem:v17+s14+$0x0], $0xffff  }
0x61: {  	v40 =	vor.u32 s2, v6;
	v41 =	vadd.s32 s16, v0;
	v18 =	vadd.f32 v18, v23;
	v42 =	vld.idx.msk [tilespmem:v4+s13+$0x0], $0xffff;
	v4 =	vmovc v33  }
0x62: {  	v23 =	vadd.s32 s31, v0;
	v41 =	vand.u32 $0x7F, v41;
	v22 =	vmul.f32 v24, v22;
	v43 =	vld.idx.msk [tilespmem:v32+s13+$0x0], $0xffff  }
0x63: {  	v23 =	vand.u32 $0x7F, v23;
	v27 =	vmul.f32 v27, v36;
	v24 =	vld.idx.msk [tilespmem:v33+s14+$0x0], $0xffff;
	v33 =	vand.u32 $0x7F, v34  }
0x64: {  	v18 =	vadd.f32 v26, v18;
	v25 =	vmul.f32 v29, v25;
	v34 =	vor.u32 v3, v41;
	v36 =	vld.idx.msk [tilespmem:v31+s13+$0x0], $0xffff  }
0x65: {  	v26 =	vor.u32 v3, v28;
	v19 =	vmul.f32 v20, v19;
	v20 =	vmul.f32 v30, v21;
	v28 =	vld.idx.msk [tilespmem:v31+s14+$0x0], $0xffff  }
0x66: {  	v14 =	vmul.f32 v14, v16;
	v7 =	vadd.f32 v18, v7;
	v16 =	vmul.f32 v17, v39;
	v21 =	vld.idx.msk [tilespmem:v35+s14+$0x0], $0xffff  }
0x67: {  	v12 =	vadd.f32 v12, v27;
	v17 =	vadd.s32 s0, v0;
	v18 =	vadd.f32 v25, v19;
	v29 =	vld.idx.msk [tilespmem:v35+s13+$0x0], $0xffff  }
0x68: {  	v19 =	vor.u32 v3, v23;
	v25 =	vmul.f32 v5, v42;
	v20 =	vadd.f32 v20, v22;
	v23 =	vld.idx.msk [tilespmem:v32+s14+$0x0], $0xffff  }
0x69: {  	v27 =	vadd.s32 s6, v0;
	v30 =	vand.u32 $0x7F, v17;
	v11 =	vadd.f32 v11, v16;
	v5 =	vmovc v24;
	v22 =	vld.idx.msk [tilespmem:v40+s13+$0x0], $0xffff  }
0x6a: {  	v24 =	vand.u32 $0x7F, v27;
	v13 =	vadd.f32 v25, v13;
	v12 =	vadd.f32 v12, v20;
	v16 =	vld.idx.msk [tilespmem:v34+s14+$0x0], $0xffff  }
0x6b: {  	v14 =	vadd.f32 v14, v15;
	v17 =	vadd.s32 s4, v0;
	v11 =	vadd.f32 v11, v18;
	v20 =	vld.idx.msk [tilespmem:v34+s13+$0x0], $0xffff  }
0x6c: {  	v25 =	vadd.s32 s5, v0;
	v27 =	vand.u32 $0x7F, v17;
	v8 =	vadd.f32 v12, v8;
	v15 =	vld.idx.msk [tilespmem:v26+s13+$0x0], $0xffff  }
0x6d: {  	v12 =	vand.u32 $0x7F, v25;
	v13 =	vadd.f32 v14, v13;
	v9 =	vadd.f32 v11, v9;
	v18 =	vld.idx.msk [tilespmem:v19+s13+$0x0], $0xffff  }
0x6e: {  	v17 =	vor.u32 v3, v12;
	v12 =	vmul.f32 v28, v36;
	v11 =	vmul.f32 v21, v29;
	v31 =	vld.idx.msk [tilespmem:v40+s14+$0x0], $0xffff  }
0x6f: {  	v10 =	vadd.f32 v13, v10;
	v21 =	vld.idx.msk [tilespmem:v37+s14+$0x0], $0xffff  }
0x70: {  	v34 =	vor.u32 v3, v30;
	v32 =	vld.idx.msk [tilespmem:v26+s14+$0x0], $0xffff  }
0x71: {  	v26 =	vmul.f32 v16, v20;
	v25 =	vld.idx.msk [tilespmem:v19+s14+$0x0], $0xffff  }
0x72: {  	s0 =	sadd.s32 $0xFFFFFFFA, s9;
	v20 =	vor.u32 v3, v24;
	v35 =	vld.idx.msk [tilespmem:v37+s13+$0x0], $0xffff  }
0x73: {  	v30 =	vor.u32 v3, v27;
	v28 =	vmul.f32 v23, v43;
	v19 =	vadd.s32 s0, v0;
	v14 =	vld.idx.msk [tilespmem:v38+s14+$0x0], $0xffff  }
.Ltmp0:
0x74: {  	v19 =	vand.u32 $0x7F, v19;
	v13 =	vmul.f32 v31, v22;
	v16 =	vld.idx.msk [tilespmem:v38+s13+$0x0], $0xffff;
	(pc) =	sbr.rel @p0 .LBB2_4-.Ltmp0, $4  }
0x75: {  	v29 =	vor.u32 v3, v19;
	v22 =	vld.idx.msk [tilespmem:v34+s13+$0x0], $0xffff  }
0x76: {  	v23 =	vmul.f32 v32, v15;
	v24 =	vld.idx.msk [tilespmem:v34+s14+$0x0], $0xffff  }
0x77: {  	v27 =	vor.u32 v3, v33;
	v19 =	vld.idx.msk [tilespmem:v20+s13+$0x0], $0xffff  }
0x78: {  	v15 =	vmul.f32 v21, v35;
	v21 =	vld.idx.msk [tilespmem:v30+s13+$0x0], $0xffff  }
0x79: {  	_ =	sdelay $0x3  }
0x7a: {  	v3 =	vld.idx.msk [tilespmem:v30+s14+$0x0], $0xffff  }
0x7b: {  	v6 =	vld.idx.msk [tilespmem:v29+s13+$0x0], $0xffff  }
0x7c: {  	v53 =	vld.idx.msk [tilespmem:v29+s14+$0x0], $0xffff  }
0x7d: {  	v54 =	vld.idx.msk [tilespmem:v27+s13+$0x0], $0xffff  }
0x7e: {  	v55 =	vld.idx.msk [tilespmem:v27+s14+$0x0], $0xffff  }
0x7f: {  	v31 =	vld.idx.msk [tilespmem:v17+s13+$0x0], $0xffff  }
0x80: {  	v20 =	vld.idx.msk [tilespmem:v20+s14+$0x0], $0xffff  }
0x81: {  	v56 =	vld.idx.msk [tilespmem:v17+s14+$0x0], $0xffff  }
0x82: {  	v4 =	vld.idx.msk [tilespmem:v4+s13+$0x0], $0xffff  }
0x83: {  	v18 =	vmul.f32 v25, v18  }
0x84: {  	v58 =	vadd.f32 v28, v26;
	v14 =	vmul.f32 v14, v16;
	v22 =	vmul.f32 v24, v22  }
0x85: {  	v18 =	vadd.f32 v18, v23;
	v6 =	vmul.f32 v53, v6;
	v19 =	vmul.f32 v20, v19  }
0x86: {  	v61 =	vadd.f32 v14, v15;
	v57 =	vmul.f32 v55, v54;
	v3 =	vmul.f32 v3, v21  }
0x87: {  	v59 =	vmul.f32 v56, v31;
	v4 =	vmul.f32 v5, v4;
	v6 =	vadd.f32 v6, v19  }
0x88: {  	v12 =	vadd.f32 v12, v57;
	v3 =	vadd.f32 v3, v22  }
0x89: {  	v60 =	vadd.f32 v11, v59;
	v4 =	vadd.f32 v4, v13  }
0x8a: {  	v62 =	vadd.f32 v58, v18;
	v3 =	vadd.f32 v12, v3  }
0x8b: {  	v5 =	vadd.f32 v60, v6;
	v4 =	vadd.f32 v61, v4  }
0x8c: {  	v63 =	vadd.f32 v62, v7;
	v3 =	vadd.f32 v3, v8  }
0x8d: {  	v5 =	vadd.f32 v5, v9;
	v4 =	vadd.f32 v4, v10;
	_ =	sdelay $0x1  }
0x8e: {  	v4 =	vadd.f32 v63, v4;
	v3 =	vadd.f32 v3, v5;
	_ =	sdelay $0x1  }
0x8f: {  	v3 =	vadd.f32 v3, v4;
	_ =	sdelay $0x1  }
0x90: {  	v3 =	vsub.f32 $0.0e+00, v3;
	_ =	sdelay $0x1  }
0x91: {  	v3 =	vmul.f32 $1.442695020e+00, v3;
	_ =	sdelay $0x1  }
0x92: {  	(erf) = vpow2.f32 v3;
	_ =	sdelay $0x8  }
0x93: {  	v3 =	vpop (erf)  }
0x94: {  	v3 =	vadd.f32 $1.000000000e+00, v3;
	_ =	sdelay $0x1  }
0x95: {  	(erf) = vrcp.f32 v3;
	_ =	sdelay $0x3  }
0x96: {  	s12 =	sadd.s32 $0x1, s12  }
0x97: {  	p0 =	sne.s32 s12, $0x5  }
.Ltmp1:
0x98: {  	_ = 	snop;
	(pc) =	sbr.rel @p0 .LBB2_3-.Ltmp1, $3  }
0x99: {  	_ =	sdelay $0x1  }
0x9a: {  	v3 =	vpop (erf)  }
0x9b: {  	[tilespmem:v2+s7+$0x0 ss:$0x1] =	vst.idx.msk $0xffff, v3  }
0x9c: {  	p0 =	seq.s32 s8, $0x18  }
0x9d: {  	s12 =	smul.u32 @!p0 $0x190, s8;
	_ =	sdelay $0x1  }
0x9e: {  	s2 =	simm.s32 @!p0 $0x50;
	s3 =	simm.s32 @!p0 $0x4F00;
	s0 =	sadd.s32 @!p0 $0x190, s12  }
0x9f: {  	[tilespmem:s3], [sflag:$0x3] =	stream.indirect.gather @!p0 [hbm4b:s1+s2], $0x80, s0, s2, $0xb8;
	[tilespmem:$0x1E700] =	vst v63  }
0xa0: {  	s18 =	simm.s32 $0x4;
	s0 =	sadd.s32 @!p0 $0x2910, s12;
	s3 =	simm.s32 @!p0 $0x11700  }
0xa1: {  	[tilespmem:s3], [sflag:$0x8] =	stream.indirect.gather @!p0 [hbm4b:s1+s2], $0x80, s0, s2, $0xb8;
	[tilespmem:$0x1E700] =	vst v63  }
0xa2: {  	_ =	swait.ge [sflag:s18], $0x2800  }
0xa3: {  	[sflag:s18] =	ssyncset.done $0x0  }
0xa4: {  	s20 =	simm.s32 $0x9;
	[sflag:s18] =	ssyncadd.s32 $0xFFFFD800  }
0xa5: {  	_ =	swait.ge [sflag:s20], $0x2800  }
0xa6: {  	s31 =	sadd.s32 $0x1DF50, s11;
	[sflag:s20] =	ssyncset.done $0x0  }
0xa7: {  	s7 =	simm.s32 $0x0;
	v2 =	vmov s31;
	[sflag:s20] =	ssyncadd.s32 $0xFFFFD800  }
.LBB2_7:
0xa8: {  	s3 =	sshll.u32 s7, $0x4  }
0xa9: {  	s0 =	simm.s32 $0x7;
	v3 =	vmov s3  }
0xaa: {  	s2 =	simm.s32 $0x1;
	v4 =	vadd.s32 s0, v0;
	v3 =	vshll.u32 v3, $0x7  }
0xab: {  	v5 =	vadd.s32 s2, v0;
	v4 =	vand.u32 $0x7F, v4;
	v3 =	vor.u32 v1, v3  }
0xac: {  	s18 =	simm.s32 $0x6;
	v5 =	vand.u32 $0x7F, v5;
	v7 =	vor.u32 v3, v4  }
0xad: {  	s9 =	simm.s32 $0xF;
	s31 =	simm.s32 $0x4;
	v11 =	vadd.s32 s18, v0;
	v4 =	vor.u32 v3, v5  }
0xae: {  	s4 =	simm.s32 $0x5;
	v6 =	vadd.s32 s9, v0;
	v14 =	vadd.s32 s31, v0;
	v11 =	vand.u32 $0x7F, v11  }
0xaf: {  	s16 =	simm.s32 $0xB;
	v15 =	vadd.s32 s4, v0;
	v14 =	vand.u32 $0x7F, v14;
	v11 =	vor.u32 v3, v11  }
0xb0: {  	v15 =	vand.u32 $0x7F, v15;
	v5 =	vand.u32 $0x7F, v6;
	v6 =	vadd.s32 s16, v0  }
0xb1: {  	v14 =	vor.u32 v3, v14;
	v8 =	vor.u32 v3, v5;
	v5 =	vand.u32 $0x7F, v6;
	v10 =	vld.idx.msk [tilespmem:v7+s15+$0x0], $0xffff  }
0xb2: {  	v15 =	vor.u32 v3, v15;
	v9 =	vor.u32 v3, v5;
	v5 =	vld.idx.msk [tilespmem:v4+s17+$0x0], $0xffff  }
0xb3: {  	v19 =	vld.idx.msk [tilespmem:v7+s17+$0x0], $0xffff  }
0xb4: {  	v22 =	vld.idx.msk [tilespmem:v11+s17+$0x0], $0xffff  }
0xb5: {  	v23 =	vld.idx.msk [tilespmem:v11+s15+$0x0], $0xffff  }
0xb6: {  	s20 =	simm.s32 $0x0;
	v6 =	vor.u32 v0, v3;
	v27 =	vld.idx.msk [tilespmem:v14+s15+$0x0], $0xffff  }
0xb7: {  	v12 =	vor.u32 s20, v6;
	v18 =	vld.idx.msk [tilespmem:v15+s15+$0x0], $0xffff  }
0xb8: {  	s5 =	simm.s32 $0x2;
	v32 =	vld.idx.msk [tilespmem:v14+s17+$0x0], $0xffff  }
0xb9: {  	v17 =	vadd.s32 s5, v0;
	v13 =	vld.idx.msk [tilespmem:v8+s15+$0x0], $0xffff  }
0xba: {  	s4 =	simm.s32 $0xD;
	v7 =	vand.u32 $0x7F, v17;
	v8 =	vld.idx.msk [tilespmem:v8+s17+$0x0], $0xffff  }
0xbb: {  	s6 =	simm.s32 $0x3;
	v14 =	vadd.s32 s4, v0;
	v17 =	vor.u32 v3, v7;
	v16 =	vld.idx.msk [tilespmem:v9+s17+$0x0], $0xffff  }
0xbc: {  	v7 =	vadd.s32 s6, v0;
	v26 =	vand.u32 $0x7F, v14;
	v21 =	vld.idx.msk [tilespmem:v12+s15+$0x0], $0xffff  }
0xbd: {  	s9 =	simm.s32 $0xC;
	s16 =	simm.s32 $0x8;
	v7 =	vand.u32 $0x7F, v7;
	v29 =	vld.idx.msk [tilespmem:v12+s17+$0x0], $0xffff;
	v30 =	vor.u32 v3, v26  }
0xbe: {  	v9 =	vld.idx.msk [tilespmem:v9+s15+$0x0], $0xffff;
	v12 =	vadd.s32 s16, v0;
	v24 =	vor.u32 v3, v7;
	v7 =	vadd.s32 s9, v0  }
0xbf: {  	s18 =	simm.s32 $0xE;
	v25 =	vld.idx.msk [tilespmem:v15+s17+$0x0], $0xffff;
	v12 =	vand.u32 $0x7F, v12;
	v11 =	vand.u32 $0x7F, v7  }
0xc0: {  	s20 =	simm.s32 $0xA;
	v20 =	vor.u32 v3, v12;
	v33 =	vor.u32 v3, v11;
	v11 =	vadd.s32 s18, v0;
	v31 =	vld.idx.msk [tilespmem:v17+s17+$0x0], $0xffff  }
0xc1: {  	v15 =	vadd.s32 s20, v0;
	v34 =	vld.idx.msk [tilespmem:v17+s15+$0x0], $0xffff;
	v35 =	vand.u32 $0x7F, v11  }
0xc2: {  	s31 =	simm.s32 $0x9;
	v11 =	vand.u32 $0x7F, v15;
	v12 =	vmul.f32 v8, v13;
	v13 =	vmul.f32 v29, v21;
	v21 =	vld.idx.msk [tilespmem:v30+s15+$0x0], $0xffff  }
0xc3: {  	v17 =	vor.u32 v3, v11;
	v11 =	vmul.f32 v16, v9;
	v9 =	vadd.s32 s31, v0;
	v14 =	vld.idx.msk [tilespmem:v24+s17+$0x0], $0xffff  }
0xc4: {  	v7 =	vimm.f32 $0.0e+00;
	v16 =	vld.idx.msk [tilespmem:v24+s15+$0x0], $0xffff;
	v8 =	vand.u32 $0x7F, v9  }
0xc5: {  	v26 =	vmul.f32 v22, v23;
	v28 =	vmul.f32 v19, v10;
	v29 =	vor.u32 v3, v8;
	v19 =	vld.idx.msk [tilespmem:v20+s15+$0x0], $0xffff  }
0xc6: {  	v23 =	vmul.f32 v32, v27;
	v10 =	vimm.f32 $0.0e+00;
	v27 =	vor.u32 v3, v35;
	v22 =	vld.idx.msk [tilespmem:v33+s15+$0x0], $0xffff  }
0xc7: {  	s9 =	simm.s32 $0x1F;
	v9 =	vimm.f32 $0.0e+00;
	v8 =	vimm.f32 $0.0e+00;
	v24 =	vld.idx.msk [tilespmem:v33+s17+$0x0], $0xffff;
	v15 =	vmul.f32 v31, v34  }
.LBB2_8:
0xc8: {  	s0 =	sadd.s32 $0xFFFFFFF5, s9  }
0xc9: {  	s2 =	sadd.s32 $0xFFFFFFF6, s9;
	s4 =	sadd.s32 $0xFFFFFFF8, s9;
	v31 =	vadd.s32 s9, v0;
	v30 =	vld.idx.msk [tilespmem:v30+s17+$0x0], $0xffff;
	v26 =	vadd.f32 v28, v26;
	s5 =	smov.u32 s9  }
0xca: {  	s16 =	sadd.s32 $0xFFFFFFF1, s9;
	s6 =	sadd.s32 $0xFFFFFFF2, s9;
	v18 =	vmul.f32 v25, v18;
	v28 =	vadd.s32 s0, v0;
	v32 =	vadd.s32 s4, v0;
	s0 =	sadd.s32 $0xFFFFFFFF, s9;
	v25 =	vld.idx.msk [tilespmem:v29+s15+$0x0], $0xffff  }
0xcb: {  	s18 =	sadd.s32 $0xFFFFFFF3, s9;
	s20 =	sadd.s32 $0xFFFFFFF7, s9;
	v33 =	vadd.s32 s6, v0;
	s6 =	sadd.s32 $0xFFFFFFFC, s9;
	v32 =	vand.u32 $0x7F, v32;
	v34 =	vadd.s32 s0, v0;
	v29 =	vld.idx.msk [tilespmem:v29+s17+$0x0], $0xffff  }
0xcc: {  	s31 =	sadd.s32 $0xFFFFFFF9, s9;
	s4 =	sadd.s32 $0xFFFFFFFB, s9;
	v33 =	vand.u32 $0x7F, v33;
	v35 =	vadd.s32 s6, v0;
	s6 =	sadd.s32 $0xFFFFFFFE, s9;
	v32 =	vor.u32 v3, v32;
	v36 =	vld.idx.msk [tilespmem:v27+s15+$0x0], $0xffff  }
0xcd: {  	p1 =	sne.s32 s9, $0x7F;
	v37 =	vadd.s32 s18, v0;
	v31 =	vand.u32 $0x7F, v31;
	s0 =	sadd.s32 $0xFFFFFFF4, s5;
	s9 =	sadd.s32 $0x10, s9;
	v33 =	vor.u32 v3, v33;
	v27 =	vld.idx.msk [tilespmem:v27+s17+$0x0], $0xffff  }
0xce: {  	v28 =	vand.u32 $0x7F, v28;
	v38 =	vadd.s32 s0, v0;
	v35 =	vand.u32 $0x7F, v35;
	s0 =	sadd.s32 $0xFFFFFFFD, s5;
	v39 =	vld.idx.msk [tilespmem:v17+s15+$0x0], $0xffff  }
0xcf: {  	v37 =	vand.u32 $0x7F, v37;
	v31 =	vor.u32 v3, v31;
	v38 =	vand.u32 $0x7F, v38;
	v20 =	vld.idx.msk [tilespmem:v20+s17+$0x0], $0xffff  }
0xd0: {  	v37 =	vor.u32 v3, v37;
	v35 =	vor.u32 v3, v35;
	v38 =	vor.u32 v3, v38;
	v17 =	vld.idx.msk [tilespmem:v17+s17+$0x0], $0xffff  }
0xd1: {  	v40 =	vor.u32 s16, v6;
	v41 =	vadd.s32 s20, v0;
	v18 =	vadd.f32 v18, v23;
	v42 =	vld.idx.msk [tilespmem:v4+s15+$0x0], $0xffff;
	v4 =	vmovc v33  }
0xd2: {  	v23 =	vadd.s32 s2, v0;
	v41 =	vand.u32 $0x7F, v41;
	v22 =	vmul.f32 v24, v22;
	v43 =	vld.idx.msk [tilespmem:v32+s15+$0x0], $0xffff  }
0xd3: {  	v23 =	vand.u32 $0x7F, v23;
	v27 =	vmul.f32 v27, v36;
	v24 =	vld.idx.msk [tilespmem:v33+s17+$0x0], $0xffff;
	v33 =	vand.u32 $0x7F, v34  }
0xd4: {  	v18 =	vadd.f32 v26, v18;
	v25 =	vmul.f32 v29, v25;
	v34 =	vor.u32 v3, v41;
	v36 =	vld.idx.msk [tilespmem:v31+s15+$0x0], $0xffff  }
0xd5: {  	v26 =	vor.u32 v3, v28;
	v19 =	vmul.f32 v20, v19;
	v20 =	vmul.f32 v30, v21;
	v28 =	vld.idx.msk [tilespmem:v31+s17+$0x0], $0xffff  }
0xd6: {  	v14 =	vmul.f32 v14, v16;
	v7 =	vadd.f32 v18, v7;
	v16 =	vmul.f32 v17, v39;
	v21 =	vld.idx.msk [tilespmem:v35+s17+$0x0], $0xffff  }
0xd7: {  	v12 =	vadd.f32 v12, v27;
	v17 =	vadd.s32 s0, v0;
	v18 =	vadd.f32 v25, v19;
	v29 =	vld.idx.msk [tilespmem:v35+s15+$0x0], $0xffff  }
0xd8: {  	v19 =	vor.u32 v3, v23;
	v25 =	vmul.f32 v5, v42;
	v20 =	vadd.f32 v20, v22;
	v23 =	vld.idx.msk [tilespmem:v32+s17+$0x0], $0xffff  }
0xd9: {  	v27 =	vadd.s32 s31, v0;
	v30 =	vand.u32 $0x7F, v17;
	v11 =	vadd.f32 v11, v16;
	v5 =	vmovc v24;
	v22 =	vld.idx.msk [tilespmem:v40+s15+$0x0], $0xffff  }
0xda: {  	v24 =	vand.u32 $0x7F, v27;
	v13 =	vadd.f32 v25, v13;
	v12 =	vadd.f32 v12, v20;
	v16 =	vld.idx.msk [tilespmem:v34+s17+$0x0], $0xffff  }
0xdb: {  	v14 =	vadd.f32 v14, v15;
	v17 =	vadd.s32 s6, v0;
	v11 =	vadd.f32 v11, v18;
	v20 =	vld.idx.msk [tilespmem:v34+s15+$0x0], $0xffff  }
0xdc: {  	v25 =	vadd.s32 s4, v0;
	v27 =	vand.u32 $0x7F, v17;
	v8 =	vadd.f32 v12, v8;
	v15 =	vld.idx.msk [tilespmem:v26+s15+$0x0], $0xffff  }
0xdd: {  	v12 =	vand.u32 $0x7F, v25;
	v13 =	vadd.f32 v14, v13;
	v9 =	vadd.f32 v11, v9;
	v18 =	vld.idx.msk [tilespmem:v19+s15+$0x0], $0xffff  }
0xde: {  	v17 =	vor.u32 v3, v12;
	v12 =	vmul.f32 v28, v36;
	v11 =	vmul.f32 v21, v29;
	v31 =	vld.idx.msk [tilespmem:v40+s17+$0x0], $0xffff  }
0xdf: {  	v10 =	vadd.f32 v13, v10;
	v21 =	vld.idx.msk [tilespmem:v37+s17+$0x0], $0xffff  }
0xe0: {  	v34 =	vor.u32 v3, v30;
	v32 =	vld.idx.msk [tilespmem:v26+s17+$0x0], $0xffff  }
0xe1: {  	v26 =	vmul.f32 v16, v20;
	v25 =	vld.idx.msk [tilespmem:v19+s17+$0x0], $0xffff  }
0xe2: {  	s0 =	sadd.s32 $0xFFFFFFFA, s5;
	v20 =	vor.u32 v3, v24;
	v35 =	vld.idx.msk [tilespmem:v37+s15+$0x0], $0xffff  }
0xe3: {  	v30 =	vor.u32 v3, v27;
	v28 =	vmul.f32 v23, v43;
	v19 =	vadd.s32 s0, v0;
	v14 =	vld.idx.msk [tilespmem:v38+s17+$0x0], $0xffff  }
.Ltmp2:
0xe4: {  	v19 =	vand.u32 $0x7F, v19;
	v13 =	vmul.f32 v31, v22;
	v16 =	vld.idx.msk [tilespmem:v38+s15+$0x0], $0xffff;
	(pc) =	sbr.rel @p1 .LBB2_8-.Ltmp2, $4  }
0xe5: {  	v29 =	vor.u32 v3, v19;
	v22 =	vld.idx.msk [tilespmem:v34+s15+$0x0], $0xffff  }
0xe6: {  	v23 =	vmul.f32 v32, v15;
	v24 =	vld.idx.msk [tilespmem:v34+s17+$0x0], $0xffff  }
0xe7: {  	v27 =	vor.u32 v3, v33;
	v19 =	vld.idx.msk [tilespmem:v20+s15+$0x0], $0xffff  }
0xe8: {  	v15 =	vmul.f32 v21, v35;
	v21 =	vld.idx.msk [tilespmem:v30+s15+$0x0], $0xffff  }
0xe9: {  	_ =	sdelay $0x3  }
0xea: {  	v3 =	vld.idx.msk [tilespmem:v30+s17+$0x0], $0xffff  }
0xeb: {  	v6 =	vld.idx.msk [tilespmem:v29+s15+$0x0], $0xffff  }
0xec: {  	v53 =	vld.idx.msk [tilespmem:v29+s17+$0x0], $0xffff  }
0xed: {  	v54 =	vld.idx.msk [tilespmem:v27+s15+$0x0], $0xffff  }
0xee: {  	v55 =	vld.idx.msk [tilespmem:v27+s17+$0x0], $0xffff  }
0xef: {  	v31 =	vld.idx.msk [tilespmem:v17+s15+$0x0], $0xffff  }
0xf0: {  	v20 =	vld.idx.msk [tilespmem:v20+s17+$0x0], $0xffff  }
0xf1: {  	v56 =	vld.idx.msk [tilespmem:v17+s17+$0x0], $0xffff  }
0xf2: {  	v4 =	vld.idx.msk [tilespmem:v4+s15+$0x0], $0xffff  }
0xf3: {  	v18 =	vmul.f32 v25, v18  }
0xf4: {  	v58 =	vadd.f32 v28, v26;
	v14 =	vmul.f32 v14, v16;
	v22 =	vmul.f32 v24, v22  }
0xf5: {  	v18 =	vadd.f32 v18, v23;
	v6 =	vmul.f32 v53, v6;
	v19 =	vmul.f32 v20, v19  }
0xf6: {  	v61 =	vadd.f32 v14, v15;
	v57 =	vmul.f32 v55, v54;
	v3 =	vmul.f32 v3, v21  }
0xf7: {  	v59 =	vmul.f32 v56, v31;
	v4 =	vmul.f32 v5, v4;
	v6 =	vadd.f32 v6, v19  }
0xf8: {  	v12 =	vadd.f32 v12, v57;
	v3 =	vadd.f32 v3, v22  }
0xf9: {  	v60 =	vadd.f32 v11, v59;
	v4 =	vadd.f32 v4, v13  }
0xfa: {  	v62 =	vadd.f32 v58, v18;
	v3 =	vadd.f32 v12, v3  }
0xfb: {  	v5 =	vadd.f32 v60, v6;
	v4 =	vadd.f32 v61, v4  }
0xfc: {  	v63 =	vadd.f32 v62, v7;
	v3 =	vadd.f32 v3, v8  }
0xfd: {  	v5 =	vadd.f32 v5, v9;
	v4 =	vadd.f32 v4, v10;
	_ =	sdelay $0x1  }
0xfe: {  	v4 =	vadd.f32 v63, v4;
	v3 =	vadd.f32 v3, v5;
	_ =	sdelay $0x1  }
0xff: {  	v3 =	vadd.f32 v3, v4;
	_ =	sdelay $0x1  }
0x100: {  	v3 =	vsub.f32 $0.0e+00, v3;
	_ =	sdelay $0x1  }
0x101: {  	v3 =	vmul.f32 $1.442695020e+00, v3;
	_ =	sdelay $0x1  }
0x102: {  	(erf) = vpow2.f32 v3;
	_ =	sdelay $0x8  }
0x103: {  	v3 =	vpop (erf)  }
0x104: {  	v3 =	vadd.f32 $1.000000000e+00, v3;
	_ =	sdelay $0x1  }
0x105: {  	(erf) = vrcp.f32 v3;
	_ =	sdelay $0x3  }
0x106: {  	s7 =	sadd.s32 $0x1, s7  }
0x107: {  	p1 =	sne.s32 s7, $0x5  }
.Ltmp3:
0x108: {  	_ = 	snop;
	(pc) =	sbr.rel @p1 .LBB2_7-.Ltmp3, $3  }
0x109: {  	_ =	sdelay $0x1  }
0x10a: {  	v3 =	vpop (erf)  }
0x10b: {  	[tilespmem:v2+s3+$0x0 ss:$0x1] =	vst.idx.msk $0xffff, v3  }
0x10c: {  	s0 =	sadd.s32 @!p0 $0x1E0, s12;
	s2 =	simm.s32 @!p0 $0x50;
	s3 =	simm.s32 @!p0 $0x7700  }
0x10d: {  	[tilespmem:s3], [sflag:$0x4] =	stream.indirect.gather @!p0 [hbm4b:s1+s2], $0x80, s0, s2, $0xb8;
	[tilespmem:$0x1E700] =	vst v63  }
0x10e: {  	s18 =	simm.s32 $0x5;
	s0 =	sadd.s32 @!p0 $0x2960, s12;
	s3 =	simm.s32 @!p0 $0x13F00  }
0x10f: {  	[tilespmem:s3], [sflag:$0x9] =	stream.indirect.gather @!p0 [hbm4b:s1+s2], $0x80, s0, s2, $0xb8;
	[tilespmem:$0x1E700] =	vst v63  }
0x110: {  	_ =	swait.ge [sflag:s18], $0x2800  }
0x111: {  	[sflag:s18] =	ssyncset.done $0x0  }
0x112: {  	s20 =	simm.s32 $0xA;
	[sflag:s18] =	ssyncadd.s32 $0xFFFFD800  }
0x113: {  	_ =	swait.ge [sflag:s20], $0x2800  }
0x114: {  	s31 =	sadd.s32 $0x1DFA0, s11;
	[sflag:s20] =	ssyncset.done $0x0  }
0x115: {  	s7 =	simm.s32 $0x0;
	v2 =	vmov s31;
	[sflag:s20] =	ssyncadd.s32 $0xFFFFD800  }
.LBB2_11:
0x116: {  	s3 =	sshll.u32 s7, $0x4  }
0x117: {  	s0 =	simm.s32 $0x7;
	v3 =	vmov s3  }
0x118: {  	s2 =	simm.s32 $0x1;
	v4 =	vadd.s32 s0, v0;
	v3 =	vshll.u32 v3, $0x7  }
0x119: {  	v5 =	vadd.s32 s2, v0;
	v4 =	vand.u32 $0x7F, v4;
	v3 =	vor.u32 v1, v3  }
0x11a: {  	s18 =	simm.s32 $0x6;
	v5 =	vand.u32 $0x7F, v5;
	v7 =	vor.u32 v3, v4  }
0x11b: {  	s9 =	simm.s32 $0xF;
	s31 =	simm.s32 $0x4;
	v11 =	vadd.s32 s18, v0;
	v4 =	vor.u32 v3, v5  }
0x11c: {  	s4 =	simm.s32 $0x5;
	v6 =	vadd.s32 s9, v0;
	v14 =	vadd.s32 s31, v0;
	v11 =	vand.u32 $0x7F, v11  }
0x11d: {  	s16 =	simm.s32 $0xB;
	v15 =	vadd.s32 s4, v0;
	v14 =	vand.u32 $0x7F, v14;
	v11 =	vor.u32 v3, v11  }
0x11e: {  	v15 =	vand.u32 $0x7F, v15;
	v5 =	vand.u32 $0x7F, v6;
	v6 =	vadd.s32 s16, v0  }
0x11f: {  	v14 =	vor.u32 v3, v14;
	v8 =	vor.u32 v3, v5;
	v5 =	vand.u32 $0x7F, v6;
	v10 =	vld.idx.msk [tilespmem:v7+s19+$0x0], $0xffff  }
0x120: {  	v15 =	vor.u32 v3, v15;
	v9 =	vor.u32 v3, v5;
	v5 =	vld.idx.msk [tilespmem:v4+s21+$0x0], $0xffff  }
0x121: {  	v19 =	vld.idx.msk [tilespmem:v7+s21+$0x0], $0xffff  }
0x122: {  	v22 =	vld.idx.msk [tilespmem:v11+s21+$0x0], $0xffff  }
0x123: {  	v23 =	vld.idx.msk [tilespmem:v11+s19+$0x0], $0xffff  }
0x124: {  	s20 =	simm.s32 $0x0;
	v6 =	vor.u32 v0, v3;
	v27 =	vld.idx.msk [tilespmem:v14+s19+$0x0], $0xffff  }
0x125: {  	v12 =	vor.u32 s20, v6;
	v18 =	vld.idx.msk [tilespmem:v15+s19+$0x0], $0xffff  }
0x126: {  	s5 =	simm.s32 $0x2;
	v32 =	vld.idx.msk [tilespmem:v14+s21+$0x0], $0xffff  }
0x127: {  	v17 =	vadd.s32 s5, v0;
	v13 =	vld.idx.msk [tilespmem:v8+s19+$0x0], $0xffff  }
0x128: {  	s4 =	simm.s32 $0xD;
	v7 =	vand.u32 $0x7F, v17;
	v8 =	vld.idx.msk [tilespmem:v8+s21+$0x0], $0xffff  }
0x129: {  	s6 =	simm.s32 $0x3;
	v14 =	vadd.s32 s4, v0;
	v17 =	vor.u32 v3, v7;
	v16 =	vld.idx.msk [tilespmem:v9+s21+$0x0], $0xffff  }
0x12a: {  	v7 =	vadd.s32 s6, v0;
	v26 =	vand.u32 $0x7F, v14;
	v21 =	vld.idx.msk [tilespmem:v12+s19+$0x0], $0xffff  }
0x12b: {  	s9 =	simm.s32 $0xC;
	s16 =	simm.s32 $0x8;
	v7 =	vand.u32 $0x7F, v7;
	v29 =	vld.idx.msk [tilespmem:v12+s21+$0x0], $0xffff;
	v30 =	vor.u32 v3, v26  }
0x12c: {  	v9 =	vld.idx.msk [tilespmem:v9+s19+$0x0], $0xffff;
	v12 =	vadd.s32 s16, v0;
	v24 =	vor.u32 v3, v7;
	v7 =	vadd.s32 s9, v0  }
0x12d: {  	s18 =	simm.s32 $0xE;
	v25 =	vld.idx.msk [tilespmem:v15+s21+$0x0], $0xffff;
	v12 =	vand.u32 $0x7F, v12;
	v11 =	vand.u32 $0x7F, v7  }
0x12e: {  	s20 =	simm.s32 $0xA;
	v20 =	vor.u32 v3, v12;
	v33 =	vor.u32 v3, v11;
	v11 =	vadd.s32 s18, v0;
	v31 =	vld.idx.msk [tilespmem:v17+s21+$0x0], $0xffff  }
0x12f: {  	v15 =	vadd.s32 s20, v0;
	v34 =	vld.idx.msk [tilespmem:v17+s19+$0x0], $0xffff;
	v35 =	vand.u32 $0x7F, v11  }
0x130: {  	s31 =	simm.s32 $0x9;
	v11 =	vand.u32 $0x7F, v15;
	v12 =	vmul.f32 v8, v13;
	v13 =	vmul.f32 v29, v21;
	v21 =	vld.idx.msk [tilespmem:v30+s19+$0x0], $0xffff  }
0x131: {  	v17 =	vor.u32 v3, v11;
	v11 =	vmul.f32 v16, v9;
	v9 =	vadd.s32 s31, v0;
	v14 =	vld.idx.msk [tilespmem:v24+s21+$0x0], $0xffff  }
0x132: {  	v7 =	vimm.f32 $0.0e+00;
	v16 =	vld.idx.msk [tilespmem:v24+s19+$0x0], $0xffff;
	v8 =	vand.u32 $0x7F, v9  }
0x133: {  	v26 =	vmul.f32 v22, v23;
	v28 =	vmul.f32 v19, v10;
	v29 =	vor.u32 v3, v8;
	v19 =	vld.idx.msk [tilespmem:v20+s19+$0x0], $0xffff  }
0x134: {  	v23 =	vmul.f32 v32, v27;
	v10 =	vimm.f32 $0.0e+00;
	v27 =	vor.u32 v3, v35;
	v22 =	vld.idx.msk [tilespmem:v33+s19+$0x0], $0xffff  }
0x135: {  	s9 =	simm.s32 $0x1F;
	v9 =	vimm.f32 $0.0e+00;
	v8 =	vimm.f32 $0.0e+00;
	v24 =	vld.idx.msk [tilespmem:v33+s21+$0x0], $0xffff;
	v15 =	vmul.f32 v31, v34  }
.LBB2_12:
0x136: {  	s0 =	sadd.s32 $0xFFFFFFF5, s9  }
0x137: {  	s2 =	sadd.s32 $0xFFFFFFF6, s9;
	s4 =	sadd.s32 $0xFFFFFFF8, s9;
	v31 =	vadd.s32 s9, v0;
	v30 =	vld.idx.msk [tilespmem:v30+s21+$0x0], $0xffff;
	v26 =	vadd.f32 v28, v26;
	s5 =	smov.u32 s9  }
0x138: {  	s16 =	sadd.s32 $0xFFFFFFF1, s9;
	s6 =	sadd.s32 $0xFFFFFFF2, s9;
	v18 =	vmul.f32 v25, v18;
	v28 =	vadd.s32 s0, v0;
	v32 =	vadd.s32 s4, v0;
	s0 =	sadd.s32 $0xFFFFFFFF, s9;
	v25 =	vld.idx.msk [tilespmem:v29+s19+$0x0], $0xffff  }
0x139: {  	s18 =	sadd.s32 $0xFFFFFFF3, s9;
	s20 =	sadd.s32 $0xFFFFFFF7, s9;
	v33 =	vadd.s32 s6, v0;
	s6 =	sadd.s32 $0xFFFFFFFC, s9;
	v32 =	vand.u32 $0x7F, v32;
	v34 =	vadd.s32 s0, v0;
	v29 =	vld.idx.msk [tilespmem:v29+s21+$0x0], $0xffff  }
0x13a: {  	s31 =	sadd.s32 $0xFFFFFFF9, s9;
	s4 =	sadd.s32 $0xFFFFFFFB, s9;
	v33 =	vand.u32 $0x7F, v33;
	v35 =	vadd.s32 s6, v0;
	s6 =	sadd.s32 $0xFFFFFFFE, s9;
	v32 =	vor.u32 v3, v32;
	v36 =	vld.idx.msk [tilespmem:v27+s19+$0x0], $0xffff  }
0x13b: {  	p1 =	sne.s32 s9, $0x7F;
	v37 =	vadd.s32 s18, v0;
	v31 =	vand.u32 $0x7F, v31;
	s0 =	sadd.s32 $0xFFFFFFF4, s5;
	s9 =	sadd.s32 $0x10, s9;
	v33 =	vor.u32 v3, v33;
	v27 =	vld.idx.msk [tilespmem:v27+s21+$0x0], $0xffff  }
0x13c: {  	v28 =	vand.u32 $0x7F, v28;
	v38 =	vadd.s32 s0, v0;
	v35 =	vand.u32 $0x7F, v35;
	s0 =	sadd.s32 $0xFFFFFFFD, s5;
	v39 =	vld.idx.msk [tilespmem:v17+s19+$0x0], $0xffff  }
0x13d: {  	v37 =	vand.u32 $0x7F, v37;
	v31 =	vor.u32 v3, v31;
	v38 =	vand.u32 $0x7F, v38;
	v20 =	vld.idx.msk [tilespmem:v20+s21+$0x0], $0xffff  }
0x13e: {  	v37 =	vor.u32 v3, v37;
	v35 =	vor.u32 v3, v35;
	v38 =	vor.u32 v3, v38;
	v17 =	vld.idx.msk [tilespmem:v17+s21+$0x0], $0xffff  }
0x13f: {  	v40 =	vor.u32 s16, v6;
	v41 =	vadd.s32 s20, v0;
	v18 =	vadd.f32 v18, v23;
	v42 =	vld.idx.msk [tilespmem:v4+s19+$0x0], $0xffff;
	v4 =	vmovc v33  }
0x140: {  	v23 =	vadd.s32 s2, v0;
	v41 =	vand.u32 $0x7F, v41;
	v22 =	vmul.f32 v24, v22;
	v43 =	vld.idx.msk [tilespmem:v32+s19+$0x0], $0xffff  }
0x141: {  	v23 =	vand.u32 $0x7F, v23;
	v27 =	vmul.f32 v27, v36;
	v24 =	vld.idx.msk [tilespmem:v33+s21+$0x0], $0xffff;
	v33 =	vand.u32 $0x7F, v34  }
0x142: {  	v18 =	vadd.f32 v26, v18;
	v25 =	vmul.f32 v29, v25;
	v34 =	vor.u32 v3, v41;
	v36 =	vld.idx.msk [tilespmem:v31+s19+$0x0], $0xffff  }
0x143: {  	v26 =	vor.u32 v3, v28;
	v19 =	vmul.f32 v20, v19;
	v20 =	vmul.f32 v30, v21;
	v28 =	vld.idx.msk [tilespmem:v31+s21+$0x0], $0xffff  }
0x144: {  	v14 =	vmul.f32 v14, v16;
	v7 =	vadd.f32 v18, v7;
	v16 =	vmul.f32 v17, v39;
	v21 =	vld.idx.msk [tilespmem:v35+s21+$0x0], $0xffff  }
0x145: {  	v12 =	vadd.f32 v12, v27;
	v17 =	vadd.s32 s0, v0;
	v18 =	vadd.f32 v25, v19;
	v29 =	vld.idx.msk [tilespmem:v35+s19+$0x0], $0xffff  }
0x146: {  	v19 =	vor.u32 v3, v23;
	v25 =	vmul.f32 v5, v42;
	v20 =	vadd.f32 v20, v22;
	v23 =	vld.idx.msk [tilespmem:v32+s21+$0x0], $0xffff  }
0x147: {  	v27 =	vadd.s32 s31, v0;
	v30 =	vand.u32 $0x7F, v17;
	v11 =	vadd.f32 v11, v16;
	v5 =	vmovc v24;
	v22 =	vld.idx.msk [tilespmem:v40+s19+$0x0], $0xffff  }
0x148: {  	v24 =	vand.u32 $0x7F, v27;
	v13 =	vadd.f32 v25, v13;
	v12 =	vadd.f32 v12, v20;
	v16 =	vld.idx.msk [tilespmem:v34+s21+$0x0], $0xffff  }
0x149: {  	v14 =	vadd.f32 v14, v15;
	v17 =	vadd.s32 s6, v0;
	v11 =	vadd.f32 v11, v18;
	v20 =	vld.idx.msk [tilespmem:v34+s19+$0x0], $0xffff  }
0x14a: {  	v25 =	vadd.s32 s4, v0;
	v27 =	vand.u32 $0x7F, v17;
	v8 =	vadd.f32 v12, v8;
	v15 =	vld.idx.msk [tilespmem:v26+s19+$0x0], $0xffff  }
0x14b: {  	v12 =	vand.u32 $0x7F, v25;
	v13 =	vadd.f32 v14, v13;
	v9 =	vadd.f32 v11, v9;
	v18 =	vld.idx.msk [tilespmem:v19+s19+$0x0], $0xffff  }
0x14c: {  	v17 =	vor.u32 v3, v12;
	v12 =	vmul.f32 v28, v36;
	v11 =	vmul.f32 v21, v29;
	v31 =	vld.idx.msk [tilespmem:v40+s21+$0x0], $0xffff  }
0x14d: {  	v10 =	vadd.f32 v13, v10;
	v21 =	vld.idx.msk [tilespmem:v37+s21+$0x0], $0xffff  }
0x14e: {  	v34 =	vor.u32 v3, v30;
	v32 =	vld.idx.msk [tilespmem:v26+s21+$0x0], $0xffff  }
0x14f: {  	v26 =	vmul.f32 v16, v20;
	v25 =	vld.idx.msk [tilespmem:v19+s21+$0x0], $0xffff  }
0x150: {  	s0 =	sadd.s32 $0xFFFFFFFA, s5;
	v20 =	vor.u32 v3, v24;
	v35 =	vld.idx.msk [tilespmem:v37+s19+$0x0], $0xffff  }
0x151: {  	v30 =	vor.u32 v3, v27;
	v28 =	vmul.f32 v23, v43;
	v19 =	vadd.s32 s0, v0;
	v14 =	vld.idx.msk [tilespmem:v38+s21+$0x0], $0xffff  }
.Ltmp4:
0x152: {  	v19 =	vand.u32 $0x7F, v19;
	v13 =	vmul.f32 v31, v22;
	v16 =	vld.idx.msk [tilespmem:v38+s19+$0x0], $0xffff;
	(pc) =	sbr.rel @p1 .LBB2_12-.Ltmp4, $4  }
0x153: {  	v29 =	vor.u32 v3, v19;
	v22 =	vld.idx.msk [tilespmem:v34+s19+$0x0], $0xffff  }
0x154: {  	v23 =	vmul.f32 v32, v15;
	v24 =	vld.idx.msk [tilespmem:v34+s21+$0x0], $0xffff  }
0x155: {  	v27 =	vor.u32 v3, v33;
	v19 =	vld.idx.msk [tilespmem:v20+s19+$0x0], $0xffff  }
0x156: {  	v15 =	vmul.f32 v21, v35;
	v21 =	vld.idx.msk [tilespmem:v30+s19+$0x0], $0xffff  }
0x157: {  	_ =	sdelay $0x3  }
0x158: {  	v3 =	vld.idx.msk [tilespmem:v30+s21+$0x0], $0xffff  }
0x159: {  	v6 =	vld.idx.msk [tilespmem:v29+s19+$0x0], $0xffff  }
0x15a: {  	v53 =	vld.idx.msk [tilespmem:v29+s21+$0x0], $0xffff  }
0x15b: {  	v54 =	vld.idx.msk [tilespmem:v27+s19+$0x0], $0xffff  }
0x15c: {  	v55 =	vld.idx.msk [tilespmem:v27+s21+$0x0], $0xffff  }
0x15d: {  	v31 =	vld.idx.msk [tilespmem:v17+s19+$0x0], $0xffff  }
0x15e: {  	v20 =	vld.idx.msk [tilespmem:v20+s21+$0x0], $0xffff  }
0x15f: {  	v56 =	vld.idx.msk [tilespmem:v17+s21+$0x0], $0xffff  }
0x160: {  	v4 =	vld.idx.msk [tilespmem:v4+s19+$0x0], $0xffff  }
0x161: {  	v18 =	vmul.f32 v25, v18  }
0x162: {  	v58 =	vadd.f32 v28, v26;
	v14 =	vmul.f32 v14, v16;
	v22 =	vmul.f32 v24, v22  }
0x163: {  	v18 =	vadd.f32 v18, v23;
	v6 =	vmul.f32 v53, v6;
	v19 =	vmul.f32 v20, v19  }
0x164: {  	v61 =	vadd.f32 v14, v15;
	v57 =	vmul.f32 v55, v54;
	v3 =	vmul.f32 v3, v21  }
0x165: {  	v59 =	vmul.f32 v56, v31;
	v4 =	vmul.f32 v5, v4;
	v6 =	vadd.f32 v6, v19  }
0x166: {  	v12 =	vadd.f32 v12, v57;
	v3 =	vadd.f32 v3, v22  }
0x167: {  	v60 =	vadd.f32 v11, v59;
	v4 =	vadd.f32 v4, v13  }
0x168: {  	v62 =	vadd.f32 v58, v18;
	v3 =	vadd.f32 v12, v3  }
0x169: {  	v5 =	vadd.f32 v60, v6;
	v4 =	vadd.f32 v61, v4  }
0x16a: {  	v63 =	vadd.f32 v62, v7;
	v3 =	vadd.f32 v3, v8  }
0x16b: {  	v5 =	vadd.f32 v5, v9;
	v4 =	vadd.f32 v4, v10;
	_ =	sdelay $0x1  }
0x16c: {  	v4 =	vadd.f32 v63, v4;
	v3 =	vadd.f32 v3, v5;
	_ =	sdelay $0x1  }
0x16d: {  	v3 =	vadd.f32 v3, v4;
	_ =	sdelay $0x1  }
0x16e: {  	v3 =	vsub.f32 $0.0e+00, v3;
	_ =	sdelay $0x1  }
0x16f: {  	v3 =	vmul.f32 $1.442695020e+00, v3;
	_ =	sdelay $0x1  }
0x170: {  	(erf) = vpow2.f32 v3;
	_ =	sdelay $0x8  }
0x171: {  	v3 =	vpop (erf)  }
0x172: {  	v3 =	vadd.f32 $1.000000000e+00, v3;
	_ =	sdelay $0x1  }
0x173: {  	(erf) = vrcp.f32 v3;
	_ =	sdelay $0x3  }
0x174: {  	s7 =	sadd.s32 $0x1, s7  }
0x175: {  	p1 =	sne.s32 s7, $0x5  }
.Ltmp5:
0x176: {  	_ = 	snop;
	(pc) =	sbr.rel @p1 .LBB2_11-.Ltmp5, $3  }
0x177: {  	_ =	sdelay $0x1  }
0x178: {  	v3 =	vpop (erf)  }
0x179: {  	[tilespmem:v2+s3+$0x0 ss:$0x1] =	vst.idx.msk $0xffff, v3  }
0x17a: {  	s0 =	sadd.s32 @!p0 $0x230, s12;
	s2 =	simm.s32 @!p0 $0x50;
	s3 =	simm.s32 @!p0 $0x9F00  }
0x17b: {  	[tilespmem:s3], [sflag:$0x5] =	stream.indirect.gather @!p0 [hbm4b:s1+s2], $0x80, s0, s2, $0xb8;
	[tilespmem:$0x1E700] =	vst v63  }
0x17c: {  	s0 =	sadd.s32 @!p0 $0x29B0, s12;
	s3 =	simm.s32 @!p0 $0x16700  }
0x17d: {  	[tilespmem:s3], [sflag:$0xA] =	stream.indirect.gather @!p0 [hbm4b:s1+s2], $0x80, s0, s2, $0xb8;
	[tilespmem:$0x1E700] =	vst v63  }
0x17e: {  	_ =	swait.ge [sflag:s22], $0x2800  }
0x17f: {  	[sflag:s22] =	ssyncset.done $0x0  }
0x180: {  	[sflag:s22] =	ssyncadd.s32 $0xFFFFD800  }
0x181: {  	_ =	swait.ge [sflag:s24], $0x2800  }
0x182: {  	s31 =	sadd.s32 $0x1DFF0, s11;
	[sflag:s24] =	ssyncset.done $0x0  }
0x183: {  	s7 =	simm.s32 $0x0;
	v2 =	vmov s31;
	[sflag:s24] =	ssyncadd.s32 $0xFFFFD800  }
.LBB2_15:
0x184: {  	s3 =	sshll.u32 s7, $0x4  }
0x185: {  	s0 =	simm.s32 $0x7;
	v3 =	vmov s3  }
0x186: {  	s2 =	simm.s32 $0x1;
	v4 =	vadd.s32 s0, v0;
	v3 =	vshll.u32 v3, $0x7  }
0x187: {  	v5 =	vadd.s32 s2, v0;
	v4 =	vand.u32 $0x7F, v4;
	v3 =	vor.u32 v1, v3  }
0x188: {  	s18 =	simm.s32 $0x6;
	v5 =	vand.u32 $0x7F, v5;
	v7 =	vor.u32 v3, v4  }
0x189: {  	s9 =	simm.s32 $0xF;
	s31 =	simm.s32 $0x4;
	v11 =	vadd.s32 s18, v0;
	v4 =	vor.u32 v3, v5  }
0x18a: {  	s4 =	simm.s32 $0x5;
	v6 =	vadd.s32 s9, v0;
	v14 =	vadd.s32 s31, v0;
	v11 =	vand.u32 $0x7F, v11  }
0x18b: {  	s16 =	simm.s32 $0xB;
	v15 =	vadd.s32 s4, v0;
	v14 =	vand.u32 $0x7F, v14;
	v11 =	vor.u32 v3, v11  }
0x18c: {  	v15 =	vand.u32 $0x7F, v15;
	v5 =	vand.u32 $0x7F, v6;
	v6 =	vadd.s32 s16, v0  }
0x18d: {  	v14 =	vor.u32 v3, v14;
	v8 =	vor.u32 v3, v5;
	v5 =	vand.u32 $0x7F, v6;
	v10 =	vld.idx.msk [tilespmem:v7+s23+$0x0], $0xffff  }
0x18e: {  	v15 =	vor.u32 v3, v15;
	v9 =	vor.u32 v3, v5;
	v5 =	vld.idx.msk [tilespmem:v4+s25+$0x0], $0xffff  }
0x18f: {  	v19 =	vld.idx.msk [tilespmem:v7+s25+$0x0], $0xffff  }
0x190: {  	v22 =	vld.idx.msk [tilespmem:v11+s25+$0x0], $0xffff  }
0x191: {  	v23 =	vld.idx.msk [tilespmem:v11+s23+$0x0], $0xffff  }
0x192: {  	s20 =	simm.s32 $0x0;
	v6 =	vor.u32 v0, v3;
	v27 =	vld.idx.msk [tilespmem:v14+s23+$0x0], $0xffff  }
0x193: {  	v12 =	vor.u32 s20, v6;
	v18 =	vld.idx.msk [tilespmem:v15+s23+$0x0], $0xffff  }
0x194: {  	s5 =	simm.s32 $0x2;
	v32 =	vld.idx.msk [tilespmem:v14+s25+$0x0], $0xffff  }
0x195: {  	v17 =	vadd.s32 s5, v0;
	v13 =	vld.idx.msk [tilespmem:v8+s23+$0x0], $0xffff  }
0x196: {  	s4 =	simm.s32 $0xD;
	v7 =	vand.u32 $0x7F, v17;
	v8 =	vld.idx.msk [tilespmem:v8+s25+$0x0], $0xffff  }
0x197: {  	s6 =	simm.s32 $0x3;
	v14 =	vadd.s32 s4, v0;
	v17 =	vor.u32 v3, v7;
	v16 =	vld.idx.msk [tilespmem:v9+s25+$0x0], $0xffff  }
0x198: {  	v7 =	vadd.s32 s6, v0;
	v26 =	vand.u32 $0x7F, v14;
	v21 =	vld.idx.msk [tilespmem:v12+s23+$0x0], $0xffff  }
0x199: {  	s9 =	simm.s32 $0xC;
	s16 =	simm.s32 $0x8;
	v7 =	vand.u32 $0x7F, v7;
	v29 =	vld.idx.msk [tilespmem:v12+s25+$0x0], $0xffff;
	v30 =	vor.u32 v3, v26  }
0x19a: {  	v9 =	vld.idx.msk [tilespmem:v9+s23+$0x0], $0xffff;
	v12 =	vadd.s32 s16, v0;
	v24 =	vor.u32 v3, v7;
	v7 =	vadd.s32 s9, v0  }
0x19b: {  	s18 =	simm.s32 $0xE;
	v25 =	vld.idx.msk [tilespmem:v15+s25+$0x0], $0xffff;
	v12 =	vand.u32 $0x7F, v12;
	v11 =	vand.u32 $0x7F, v7  }
0x19c: {  	s20 =	simm.s32 $0xA;
	v20 =	vor.u32 v3, v12;
	v33 =	vor.u32 v3, v11;
	v11 =	vadd.s32 s18, v0;
	v31 =	vld.idx.msk [tilespmem:v17+s25+$0x0], $0xffff  }
0x19d: {  	v15 =	vadd.s32 s20, v0;
	v34 =	vld.idx.msk [tilespmem:v17+s23+$0x0], $0xffff;
	v35 =	vand.u32 $0x7F, v11  }
0x19e: {  	s31 =	simm.s32 $0x9;
	v11 =	vand.u32 $0x7F, v15;
	v12 =	vmul.f32 v8, v13;
	v13 =	vmul.f32 v29, v21;
	v21 =	vld.idx.msk [tilespmem:v30+s23+$0x0], $0xffff  }
0x19f: {  	v17 =	vor.u32 v3, v11;
	v11 =	vmul.f32 v16, v9;
	v9 =	vadd.s32 s31, v0;
	v14 =	vld.idx.msk [tilespmem:v24+s25+$0x0], $0xffff  }
0x1a0: {  	v7 =	vimm.f32 $0.0e+00;
	v16 =	vld.idx.msk [tilespmem:v24+s23+$0x0], $0xffff;
	v8 =	vand.u32 $0x7F, v9  }
0x1a1: {  	v26 =	vmul.f32 v22, v23;
	v28 =	vmul.f32 v19, v10;
	v29 =	vor.u32 v3, v8;
	v19 =	vld.idx.msk [tilespmem:v20+s23+$0x0], $0xffff  }
0x1a2: {  	v23 =	vmul.f32 v32, v27;
	v10 =	vimm.f32 $0.0e+00;
	v27 =	vor.u32 v3, v35;
	v22 =	vld.idx.msk [tilespmem:v33+s23+$0x0], $0xffff  }
0x1a3: {  	s9 =	simm.s32 $0x1F;
	v9 =	vimm.f32 $0.0e+00;
	v8 =	vimm.f32 $0.0e+00;
	v24 =	vld.idx.msk [tilespmem:v33+s25+$0x0], $0xffff;
	v15 =	vmul.f32 v31, v34  }
.LBB2_16:
0x1a4: {  	s0 =	sadd.s32 $0xFFFFFFF5, s9  }
0x1a5: {  	s2 =	sadd.s32 $0xFFFFFFF6, s9;
	s4 =	sadd.s32 $0xFFFFFFF8, s9;
	v31 =	vadd.s32 s9, v0;
	v30 =	vld.idx.msk [tilespmem:v30+s25+$0x0], $0xffff;
	v26 =	vadd.f32 v28, v26;
	s5 =	smov.u32 s9  }
0x1a6: {  	s16 =	sadd.s32 $0xFFFFFFF1, s9;
	s6 =	sadd.s32 $0xFFFFFFF2, s9;
	v18 =	vmul.f32 v25, v18;
	v28 =	vadd.s32 s0, v0;
	v32 =	vadd.s32 s4, v0;
	s0 =	sadd.s32 $0xFFFFFFFF, s9;
	v25 =	vld.idx.msk [tilespmem:v29+s23+$0x0], $0xffff  }
0x1a7: {  	s18 =	sadd.s32 $0xFFFFFFF3, s9;
	s20 =	sadd.s32 $0xFFFFFFF7, s9;
	v33 =	vadd.s32 s6, v0;
	s6 =	sadd.s32 $0xFFFFFFFC, s9;
	v32 =	vand.u32 $0x7F, v32;
	v34 =	vadd.s32 s0, v0;
	v29 =	vld.idx.msk [tilespmem:v29+s25+$0x0], $0xffff  }
0x1a8: {  	s31 =	sadd.s32 $0xFFFFFFF9, s9;
	s4 =	sadd.s32 $0xFFFFFFFB, s9;
	v33 =	vand.u32 $0x7F, v33;
	v35 =	vadd.s32 s6, v0;
	s6 =	sadd.s32 $0xFFFFFFFE, s9;
	v32 =	vor.u32 v3, v32;
	v36 =	vld.idx.msk [tilespmem:v27+s23+$0x0], $0xffff  }
0x1a9: {  	p1 =	sne.s32 s9, $0x7F;
	v37 =	vadd.s32 s18, v0;
	v31 =	vand.u32 $0x7F, v31;
	s0 =	sadd.s32 $0xFFFFFFF4, s5;
	s9 =	sadd.s32 $0x10, s9;
	v33 =	vor.u32 v3, v33;
	v27 =	vld.idx.msk [tilespmem:v27+s25+$0x0], $0xffff  }
0x1aa: {  	v28 =	vand.u32 $0x7F, v28;
	v38 =	vadd.s32 s0, v0;
	v35 =	vand.u32 $0x7F, v35;
	s0 =	sadd.s32 $0xFFFFFFFD, s5;
	v39 =	vld.idx.msk [tilespmem:v17+s23+$0x0], $0xffff  }
0x1ab: {  	v37 =	vand.u32 $0x7F, v37;
	v31 =	vor.u32 v3, v31;
	v38 =	vand.u32 $0x7F, v38;
	v20 =	vld.idx.msk [tilespmem:v20+s25+$0x0], $0xffff  }
0x1ac: {  	v37 =	vor.u32 v3, v37;
	v35 =	vor.u32 v3, v35;
	v38 =	vor.u32 v3, v38;
	v17 =	vld.idx.msk [tilespmem:v17+s25+$0x0], $0xffff  }
0x1ad: {  	v40 =	vor.u32 s16, v6;
	v41 =	vadd.s32 s20, v0;
	v18 =	vadd.f32 v18, v23;
	v42 =	vld.idx.msk [tilespmem:v4+s23+$0x0], $0xffff;
	v4 =	vmovc v33  }
0x1ae: {  	v23 =	vadd.s32 s2, v0;
	v41 =	vand.u32 $0x7F, v41;
	v22 =	vmul.f32 v24, v22;
	v43 =	vld.idx.msk [tilespmem:v32+s23+$0x0], $0xffff  }
0x1af: {  	v23 =	vand.u32 $0x7F, v23;
	v27 =	vmul.f32 v27, v36;
	v24 =	vld.idx.msk [tilespmem:v33+s25+$0x0], $0xffff;
	v33 =	vand.u32 $0x7F, v34  }
0x1b0: {  	v18 =	vadd.f32 v26, v18;
	v25 =	vmul.f32 v29, v25;
	v34 =	vor.u32 v3, v41;
	v36 =	vld.idx.msk [tilespmem:v31+s23+$0x0], $0xffff  }
0x1b1: {  	v26 =	vor.u32 v3, v28;
	v19 =	vmul.f32 v20, v19;
	v20 =	vmul.f32 v30, v21;
	v28 =	vld.idx.msk [tilespmem:v31+s25+$0x0], $0xffff  }
0x1b2: {  	v14 =	vmul.f32 v14, v16;
	v7 =	vadd.f32 v18, v7;
	v16 =	vmul.f32 v17, v39;
	v21 =	vld.idx.msk [tilespmem:v35+s25+$0x0], $0xffff  }
0x1b3: {  	v12 =	vadd.f32 v12, v27;
	v17 =	vadd.s32 s0, v0;
	v18 =	vadd.f32 v25, v19;
	v29 =	vld.idx.msk [tilespmem:v35+s23+$0x0], $0xffff  }
0x1b4: {  	v19 =	vor.u32 v3, v23;
	v25 =	vmul.f32 v5, v42;
	v20 =	vadd.f32 v20, v22;
	v23 =	vld.idx.msk [tilespmem:v32+s25+$0x0], $0xffff  }
0x1b5: {  	v27 =	vadd.s32 s31, v0;
	v30 =	vand.u32 $0x7F, v17;
	v11 =	vadd.f32 v11, v16;
	v5 =	vmovc v24;
	v22 =	vld.idx.msk [tilespmem:v40+s23+$0x0], $0xffff  }
0x1b6: {  	v24 =	vand.u32 $0x7F, v27;
	v13 =	vadd.f32 v25, v13;
	v12 =	vadd.f32 v12, v20;
	v16 =	vld.idx.msk [tilespmem:v34+s25+$0x0], $0xffff  }
0x1b7: {  	v14 =	vadd.f32 v14, v15;
	v17 =	vadd.s32 s6, v0;
	v11 =	vadd.f32 v11, v18;
	v20 =	vld.idx.msk [tilespmem:v34+s23+$0x0], $0xffff  }
0x1b8: {  	v25 =	vadd.s32 s4, v0;
	v27 =	vand.u32 $0x7F, v17;
	v8 =	vadd.f32 v12, v8;
	v15 =	vld.idx.msk [tilespmem:v26+s23+$0x0], $0xffff  }
0x1b9: {  	v12 =	vand.u32 $0x7F, v25;
	v13 =	vadd.f32 v14, v13;
	v9 =	vadd.f32 v11, v9;
	v18 =	vld.idx.msk [tilespmem:v19+s23+$0x0], $0xffff  }
0x1ba: {  	v17 =	vor.u32 v3, v12;
	v12 =	vmul.f32 v28, v36;
	v11 =	vmul.f32 v21, v29;
	v31 =	vld.idx.msk [tilespmem:v40+s25+$0x0], $0xffff  }
0x1bb: {  	v10 =	vadd.f32 v13, v10;
	v21 =	vld.idx.msk [tilespmem:v37+s25+$0x0], $0xffff  }
0x1bc: {  	v34 =	vor.u32 v3, v30;
	v32 =	vld.idx.msk [tilespmem:v26+s25+$0x0], $0xffff  }
0x1bd: {  	v26 =	vmul.f32 v16, v20;
	v25 =	vld.idx.msk [tilespmem:v19+s25+$0x0], $0xffff  }
0x1be: {  	s0 =	sadd.s32 $0xFFFFFFFA, s5;
	v20 =	vor.u32 v3, v24;
	v35 =	vld.idx.msk [tilespmem:v37+s23+$0x0], $0xffff  }
0x1bf: {  	v30 =	vor.u32 v3, v27;
	v28 =	vmul.f32 v23, v43;
	v19 =	vadd.s32 s0, v0;
	v14 =	vld.idx.msk [tilespmem:v38+s25+$0x0], $0xffff  }
.Ltmp6:
0x1c0: {  	v19 =	vand.u32 $0x7F, v19;
	v13 =	vmul.f32 v31, v22;
	v16 =	vld.idx.msk [tilespmem:v38+s23+$0x0], $0xffff;
	(pc) =	sbr.rel @p1 .LBB2_16-.Ltmp6, $4  }
0x1c1: {  	v29 =	vor.u32 v3, v19;
	v22 =	vld.idx.msk [tilespmem:v34+s23+$0x0], $0xffff  }
0x1c2: {  	v23 =	vmul.f32 v32, v15;
	v24 =	vld.idx.msk [tilespmem:v34+s25+$0x0], $0xffff  }
0x1c3: {  	v27 =	vor.u32 v3, v33;
	v19 =	vld.idx.msk [tilespmem:v20+s23+$0x0], $0xffff  }
0x1c4: {  	v15 =	vmul.f32 v21, v35;
	v21 =	vld.idx.msk [tilespmem:v30+s23+$0x0], $0xffff  }
0x1c5: {  	_ =	sdelay $0x3  }
0x1c6: {  	v3 =	vld.idx.msk [tilespmem:v30+s25+$0x0], $0xffff  }
0x1c7: {  	v6 =	vld.idx.msk [tilespmem:v29+s23+$0x0], $0xffff  }
0x1c8: {  	v53 =	vld.idx.msk [tilespmem:v29+s25+$0x0], $0xffff  }
0x1c9: {  	v54 =	vld.idx.msk [tilespmem:v27+s23+$0x0], $0xffff  }
0x1ca: {  	v55 =	vld.idx.msk [tilespmem:v27+s25+$0x0], $0xffff  }
0x1cb: {  	v31 =	vld.idx.msk [tilespmem:v17+s23+$0x0], $0xffff  }
0x1cc: {  	v20 =	vld.idx.msk [tilespmem:v20+s25+$0x0], $0xffff  }
0x1cd: {  	v56 =	vld.idx.msk [tilespmem:v17+s25+$0x0], $0xffff  }
0x1ce: {  	v4 =	vld.idx.msk [tilespmem:v4+s23+$0x0], $0xffff  }
0x1cf: {  	v18 =	vmul.f32 v25, v18  }
0x1d0: {  	v58 =	vadd.f32 v28, v26;
	v14 =	vmul.f32 v14, v16;
	v22 =	vmul.f32 v24, v22  }
0x1d1: {  	v18 =	vadd.f32 v18, v23;
	v6 =	vmul.f32 v53, v6;
	v19 =	vmul.f32 v20, v19  }
0x1d2: {  	v61 =	vadd.f32 v14, v15;
	v57 =	vmul.f32 v55, v54;
	v3 =	vmul.f32 v3, v21  }
0x1d3: {  	v59 =	vmul.f32 v56, v31;
	v4 =	vmul.f32 v5, v4;
	v6 =	vadd.f32 v6, v19  }
0x1d4: {  	v12 =	vadd.f32 v12, v57;
	v3 =	vadd.f32 v3, v22  }
0x1d5: {  	v60 =	vadd.f32 v11, v59;
	v4 =	vadd.f32 v4, v13  }
0x1d6: {  	v62 =	vadd.f32 v58, v18;
	v3 =	vadd.f32 v12, v3  }
0x1d7: {  	v5 =	vadd.f32 v60, v6;
	v4 =	vadd.f32 v61, v4  }
0x1d8: {  	v63 =	vadd.f32 v62, v7;
	v3 =	vadd.f32 v3, v8  }
0x1d9: {  	v5 =	vadd.f32 v5, v9;
	v4 =	vadd.f32 v4, v10;
	_ =	sdelay $0x1  }
0x1da: {  	v4 =	vadd.f32 v63, v4;
	v3 =	vadd.f32 v3, v5;
	_ =	sdelay $0x1  }
0x1db: {  	v3 =	vadd.f32 v3, v4;
	_ =	sdelay $0x1  }
0x1dc: {  	v3 =	vsub.f32 $0.0e+00, v3;
	_ =	sdelay $0x1  }
0x1dd: {  	v3 =	vmul.f32 $1.442695020e+00, v3;
	_ =	sdelay $0x1  }
0x1de: {  	(erf) = vpow2.f32 v3;
	_ =	sdelay $0x8  }
0x1df: {  	v3 =	vpop (erf)  }
0x1e0: {  	v3 =	vadd.f32 $1.000000000e+00, v3;
	_ =	sdelay $0x1  }
0x1e1: {  	(erf) = vrcp.f32 v3;
	_ =	sdelay $0x3  }
0x1e2: {  	s7 =	sadd.s32 $0x1, s7  }
0x1e3: {  	p1 =	sne.s32 s7, $0x5  }
.Ltmp7:
0x1e4: {  	_ = 	snop;
	(pc) =	sbr.rel @p1 .LBB2_15-.Ltmp7, $3  }
0x1e5: {  	_ =	sdelay $0x1  }
0x1e6: {  	v3 =	vpop (erf)  }
0x1e7: {  	[tilespmem:v2+s3+$0x0 ss:$0x1] =	vst.idx.msk $0xffff, v3  }
0x1e8: {  	s0 =	sadd.s32 @!p0 $0x280, s12;
	s2 =	simm.s32 @!p0 $0x50;
	s3 =	simm.s32 @!p0 $0xC700  }
0x1e9: {  	[tilespmem:s3], [sflag:$0x6] =	stream.indirect.gather @!p0 [hbm4b:s1+s2], $0x80, s0, s2, $0xb8;
	[tilespmem:$0x1E700] =	vst v63  }
0x1ea: {  	s0 =	sadd.s32 @!p0 $0x2A00, s12;
	s3 =	simm.s32 @!p0 $0x18F00  }
0x1eb: {  	[tilespmem:s3], [sflag:$0xB] =	stream.indirect.gather @!p0 [hbm4b:s1+s2], $0x80, s0, s2, $0xb8;
	[tilespmem:$0x1E700] =	vst v63  }
0x1ec: {  	_ =	swait.ge [sflag:s26], $0x2800  }
0x1ed: {  	[sflag:s26] =	ssyncset.done $0x0  }
0x1ee: {  	[sflag:s26] =	ssyncadd.s32 $0xFFFFD800  }
0x1ef: {  	_ =	swait.ge [sflag:s29], $0x2800  }
0x1f0: {  	s31 =	sadd.s32 $0x1E040, s11;
	[sflag:s29] =	ssyncset.done $0x0  }
0x1f1: {  	s7 =	simm.s32 $0x0;
	v2 =	vmov s31;
	[sflag:s29] =	ssyncadd.s32 $0xFFFFD800  }
.LBB2_19:
0x1f2: {  	s3 =	sshll.u32 s7, $0x4  }
0x1f3: {  	s0 =	simm.s32 $0x7;
	v3 =	vmov s3  }
0x1f4: {  	s2 =	simm.s32 $0x1;
	v4 =	vadd.s32 s0, v0;
	v3 =	vshll.u32 v3, $0x7  }
0x1f5: {  	v5 =	vadd.s32 s2, v0;
	v4 =	vand.u32 $0x7F, v4;
	v3 =	vor.u32 v1, v3  }
0x1f6: {  	s2 =	simm.s32 $0x6;
	v5 =	vand.u32 $0x7F, v5;
	v7 =	vor.u32 v3, v4  }
0x1f7: {  	s20 =	simm.s32 $0xF;
	s5 =	simm.s32 $0x4;
	v11 =	vadd.s32 s2, v0;
	v4 =	vor.u32 v3, v5  }
0x1f8: {  	s6 =	simm.s32 $0x5;
	v6 =	vadd.s32 s20, v0;
	v14 =	vadd.s32 s5, v0;
	v11 =	vand.u32 $0x7F, v11  }
0x1f9: {  	s31 =	simm.s32 $0xB;
	v15 =	vadd.s32 s6, v0;
	v14 =	vand.u32 $0x7F, v14;
	v11 =	vor.u32 v3, v11  }
0x1fa: {  	v15 =	vand.u32 $0x7F, v15;
	v5 =	vand.u32 $0x7F, v6;
	v6 =	vadd.s32 s31, v0  }
0x1fb: {  	v14 =	vor.u32 v3, v14;
	v8 =	vor.u32 v3, v5;
	v5 =	vand.u32 $0x7F, v6;
	v10 =	vld.idx.msk [tilespmem:v7+s28+$0x0], $0xffff  }
0x1fc: {  	v15 =	vor.u32 v3, v15;
	v9 =	vor.u32 v3, v5;
	v5 =	vld.idx.msk [tilespmem:v4+s30+$0x0], $0xffff  }
0x1fd: {  	v19 =	vld.idx.msk [tilespmem:v7+s30+$0x0], $0xffff  }
0x1fe: {  	v22 =	vld.idx.msk [tilespmem:v11+s30+$0x0], $0xffff  }
0x1ff: {  	v23 =	vld.idx.msk [tilespmem:v11+s28+$0x0], $0xffff  }
0x200: {  	s4 =	simm.s32 $0x0;
	v6 =	vor.u32 v0, v3;
	v27 =	vld.idx.msk [tilespmem:v14+s28+$0x0], $0xffff  }
0x201: {  	v12 =	vor.u32 s4, v6;
	v18 =	vld.idx.msk [tilespmem:v15+s28+$0x0], $0xffff  }
0x202: {  	s9 =	simm.s32 $0x2;
	v32 =	vld.idx.msk [tilespmem:v14+s30+$0x0], $0xffff  }
0x203: {  	v17 =	vadd.s32 s9, v0;
	v13 =	vld.idx.msk [tilespmem:v8+s28+$0x0], $0xffff  }
0x204: {  	s4 =	simm.s32 $0xD;
	v7 =	vand.u32 $0x7F, v17;
	v8 =	vld.idx.msk [tilespmem:v8+s30+$0x0], $0xffff  }
0x205: {  	s11 =	simm.s32 $0x3;
	v14 =	vadd.s32 s4, v0;
	v17 =	vor.u32 v3, v7;
	v16 =	vld.idx.msk [tilespmem:v9+s30+$0x0], $0xffff  }
0x206: {  	v7 =	vadd.s32 s11, v0;
	v26 =	vand.u32 $0x7F, v14;
	v21 =	vld.idx.msk [tilespmem:v12+s28+$0x0], $0xffff  }
0x207: {  	s12 =	simm.s32 $0xC;
	s16 =	simm.s32 $0x8;
	v7 =	vand.u32 $0x7F, v7;
	v29 =	vld.idx.msk [tilespmem:v12+s30+$0x0], $0xffff;
	v30 =	vor.u32 v3, v26  }
0x208: {  	v9 =	vld.idx.msk [tilespmem:v9+s28+$0x0], $0xffff;
	v12 =	vadd.s32 s16, v0;
	v24 =	vor.u32 v3, v7;
	v7 =	vadd.s32 s12, v0  }
0x209: {  	s18 =	simm.s32 $0xE;
	v25 =	vld.idx.msk [tilespmem:v15+s30+$0x0], $0xffff;
	v12 =	vand.u32 $0x7F, v12;
	v11 =	vand.u32 $0x7F, v7  }
0x20a: {  	s20 =	simm.s32 $0xA;
	v20 =	vor.u32 v3, v12;
	v33 =	vor.u32 v3, v11;
	v11 =	vadd.s32 s18, v0;
	v31 =	vld.idx.msk [tilespmem:v17+s30+$0x0], $0xffff  }
0x20b: {  	v15 =	vadd.s32 s20, v0;
	v34 =	vld.idx.msk [tilespmem:v17+s28+$0x0], $0xffff;
	v35 =	vand.u32 $0x7F, v11  }
0x20c: {  	s31 =	simm.s32 $0x9;
	v11 =	vand.u32 $0x7F, v15;
	v12 =	vmul.f32 v8, v13;
	v13 =	vmul.f32 v29, v21;
	v21 =	vld.idx.msk [tilespmem:v30+s28+$0x0], $0xffff  }
0x20d: {  	v17 =	vor.u32 v3, v11;
	v11 =	vmul.f32 v16, v9;
	v9 =	vadd.s32 s31, v0;
	v14 =	vld.idx.msk [tilespmem:v24+s30+$0x0], $0xffff  }
0x20e: {  	v7 =	vimm.f32 $0.0e+00;
	v16 =	vld.idx.msk [tilespmem:v24+s28+$0x0], $0xffff;
	v8 =	vand.u32 $0x7F, v9  }
0x20f: {  	v26 =	vmul.f32 v22, v23;
	v28 =	vmul.f32 v19, v10;
	v29 =	vor.u32 v3, v8;
	v19 =	vld.idx.msk [tilespmem:v20+s28+$0x0], $0xffff  }
0x210: {  	v23 =	vmul.f32 v32, v27;
	v10 =	vimm.f32 $0.0e+00;
	v27 =	vor.u32 v3, v35;
	v22 =	vld.idx.msk [tilespmem:v33+s28+$0x0], $0xffff  }
0x211: {  	s9 =	simm.s32 $0x1F;
	v9 =	vimm.f32 $0.0e+00;
	v8 =	vimm.f32 $0.0e+00;
	v24 =	vld.idx.msk [tilespmem:v33+s30+$0x0], $0xffff;
	v15 =	vmul.f32 v31, v34  }
.LBB2_20:
0x212: {  	s0 =	sadd.s32 $0xFFFFFFF5, s9  }
0x213: {  	s2 =	sadd.s32 $0xFFFFFFF6, s9;
	s4 =	sadd.s32 $0xFFFFFFF8, s9;
	v31 =	vadd.s32 s9, v0;
	v30 =	vld.idx.msk [tilespmem:v30+s30+$0x0], $0xffff;
	v26 =	vadd.f32 v28, v26;
	s5 =	smov.u32 s9  }
0x214: {  	s12 =	sadd.s32 $0xFFFFFFF1, s9;
	s6 =	sadd.s32 $0xFFFFFFF2, s9;
	v18 =	vmul.f32 v25, v18;
	v28 =	vadd.s32 s0, v0;
	v32 =	vadd.s32 s4, v0;
	s0 =	sadd.s32 $0xFFFFFFFF, s9;
	v25 =	vld.idx.msk [tilespmem:v29+s28+$0x0], $0xffff  }
0x215: {  	s16 =	sadd.s32 $0xFFFFFFF3, s9;
	s18 =	sadd.s32 $0xFFFFFFF7, s9;
	v33 =	vadd.s32 s6, v0;
	s6 =	sadd.s32 $0xFFFFFFFC, s9;
	v32 =	vand.u32 $0x7F, v32;
	v34 =	vadd.s32 s0, v0;
	v29 =	vld.idx.msk [tilespmem:v29+s30+$0x0], $0xffff  }
0x216: {  	s11 =	sadd.s32 $0xFFFFFFF9, s9;
	s4 =	sadd.s32 $0xFFFFFFFB, s9;
	v33 =	vand.u32 $0x7F, v33;
	v35 =	vadd.s32 s6, v0;
	s6 =	sadd.s32 $0xFFFFFFFE, s9;
	v32 =	vor.u32 v3, v32;
	v36 =	vld.idx.msk [tilespmem:v27+s28+$0x0], $0xffff  }
0x217: {  	p0 =	sne.s32 s9, $0x7F;
	v37 =	vadd.s32 s16, v0;
	v31 =	vand.u32 $0x7F, v31;
	s0 =	sadd.s32 $0xFFFFFFF4, s5;
	s9 =	sadd.s32 $0x10, s9;
	v33 =	vor.u32 v3, v33;
	v27 =	vld.idx.msk [tilespmem:v27+s30+$0x0], $0xffff  }
0x218: {  	v28 =	vand.u32 $0x7F, v28;
	v38 =	vadd.s32 s0, v0;
	v35 =	vand.u32 $0x7F, v35;
	s0 =	sadd.s32 $0xFFFFFFFD, s5;
	v39 =	vld.idx.msk [tilespmem:v17+s28+$0x0], $0xffff  }
0x219: {  	v37 =	vand.u32 $0x7F, v37;
	v31 =	vor.u32 v3, v31;
	v38 =	vand.u32 $0x7F, v38;
	v20 =	vld.idx.msk [tilespmem:v20+s30+$0x0], $0xffff  }
0x21a: {  	v37 =	vor.u32 v3, v37;
	v35 =	vor.u32 v3, v35;
	v38 =	vor.u32 v3, v38;
	v17 =	vld.idx.msk [tilespmem:v17+s30+$0x0], $0xffff  }
0x21b: {  	v40 =	vor.u32 s12, v6;
	v41 =	vadd.s32 s18, v0;
	v18 =	vadd.f32 v18, v23;
	v42 =	vld.idx.msk [tilespmem:v4+s28+$0x0], $0xffff;
	v4 =	vmovc v33  }
0x21c: {  	v23 =	vadd.s32 s2, v0;
	v41 =	vand.u32 $0x7F, v41;
	v22 =	vmul.f32 v24, v22;
	v43 =	vld.idx.msk [tilespmem:v32+s28+$0x0], $0xffff  }
0x21d: {  	v23 =	vand.u32 $0x7F, v23;
	v27 =	vmul.f32 v27, v36;
	v24 =	vld.idx.msk [tilespmem:v33+s30+$0x0], $0xffff;
	v33 =	vand.u32 $0x7F, v34  }
0x21e: {  	v18 =	vadd.f32 v26, v18;
	v25 =	vmul.f32 v29, v25;
	v34 =	vor.u32 v3, v41;
	v36 =	vld.idx.msk [tilespmem:v31+s28+$0x0], $0xffff  }
0x21f: {  	v26 =	vor.u32 v3, v28;
	v19 =	vmul.f32 v20, v19;
	v20 =	vmul.f32 v30, v21;
	v28 =	vld.idx.msk [tilespmem:v31+s30+$0x0], $0xffff  }
0x220: {  	v14 =	vmul.f32 v14, v16;
	v7 =	vadd.f32 v18, v7;
	v16 =	vmul.f32 v17, v39;
	v21 =	vld.idx.msk [tilespmem:v35+s30+$0x0], $0xffff  }
0x221: {  	v12 =	vadd.f32 v12, v27;
	v17 =	vadd.s32 s0, v0;
	v18 =	vadd.f32 v25, v19;
	v29 =	vld.idx.msk [tilespmem:v35+s28+$0x0], $0xffff  }
0x222: {  	v19 =	vor.u32 v3, v23;
	v25 =	vmul.f32 v5, v42;
	v20 =	vadd.f32 v20, v22;
	v23 =	vld.idx.msk [tilespmem:v32+s30+$0x0], $0xffff  }
0x223: {  	v27 =	vadd.s32 s11, v0;
	v30 =	vand.u32 $0x7F, v17;
	v11 =	vadd.f32 v11, v16;
	v5 =	vmovc v24;
	v22 =	vld.idx.msk [tilespmem:v40+s28+$0x0], $0xffff  }
0x224: {  	v24 =	vand.u32 $0x7F, v27;
	v13 =	vadd.f32 v25, v13;
	v12 =	vadd.f32 v12, v20;
	v16 =	vld.idx.msk [tilespmem:v34+s30+$0x0], $0xffff  }
0x225: {  	v14 =	vadd.f32 v14, v15;
	v17 =	vadd.s32 s6, v0;
	v11 =	vadd.f32 v11, v18;
	v20 =	vld.idx.msk [tilespmem:v34+s28+$0x0], $0xffff  }
0x226: {  	v25 =	vadd.s32 s4, v0;
	v27 =	vand.u32 $0x7F, v17;
	v8 =	vadd.f32 v12, v8;
	v15 =	vld.idx.msk [tilespmem:v26+s28+$0x0], $0xffff  }
0x227: {  	v12 =	vand.u32 $0x7F, v25;
	v13 =	vadd.f32 v14, v13;
	v9 =	vadd.f32 v11, v9;
	v18 =	vld.idx.msk [tilespmem:v19+s28+$0x0], $0xffff  }
0x228: {  	v17 =	vor.u32 v3, v12;
	v12 =	vmul.f32 v28, v36;
	v11 =	vmul.f32 v21, v29;
	v31 =	vld.idx.msk [tilespmem:v40+s30+$0x0], $0xffff  }
0x229: {  	v10 =	vadd.f32 v13, v10;
	v21 =	vld.idx.msk [tilespmem:v37+s30+$0x0], $0xffff  }
0x22a: {  	v34 =	vor.u32 v3, v30;
	v32 =	vld.idx.msk [tilespmem:v26+s30+$0x0], $0xffff  }
0x22b: {  	v26 =	vmul.f32 v16, v20;
	v25 =	vld.idx.msk [tilespmem:v19+s30+$0x0], $0xffff  }
0x22c: {  	s0 =	sadd.s32 $0xFFFFFFFA, s5;
	v20 =	vor.u32 v3, v24;
	v35 =	vld.idx.msk [tilespmem:v37+s28+$0x0], $0xffff  }
0x22d: {  	v30 =	vor.u32 v3, v27;
	v28 =	vmul.f32 v23, v43;
	v19 =	vadd.s32 s0, v0;
	v14 =	vld.idx.msk [tilespmem:v38+s30+$0x0], $0xffff  }
.Ltmp8:
0x22e: {  	v19 =	vand.u32 $0x7F, v19;
	v13 =	vmul.f32 v31, v22;
	v16 =	vld.idx.msk [tilespmem:v38+s28+$0x0], $0xffff;
	(pc) =	sbr.rel @p0 .LBB2_20-.Ltmp8, $4  }
0x22f: {  	v29 =	vor.u32 v3, v19;
	v22 =	vld.idx.msk [tilespmem:v34+s28+$0x0], $0xffff  }
0x230: {  	v23 =	vmul.f32 v32, v15;
	v24 =	vld.idx.msk [tilespmem:v34+s30+$0x0], $0xffff  }
0x231: {  	v27 =	vor.u32 v3, v33;
	v19 =	vld.idx.msk [tilespmem:v20+s28+$0x0], $0xffff  }
0x232: {  	v15 =	vmul.f32 v21, v35;
	v21 =	vld.idx.msk [tilespmem:v30+s28+$0x0], $0xffff  }
0x233: {  	_ =	sdelay $0x3  }
0x234: {  	v3 =	vld.idx.msk [tilespmem:v30+s30+$0x0], $0xffff  }
0x235: {  	v6 =	vld.idx.msk [tilespmem:v29+s28+$0x0], $0xffff  }
0x236: {  	v53 =	vld.idx.msk [tilespmem:v29+s30+$0x0], $0xffff  }
0x237: {  	v54 =	vld.idx.msk [tilespmem:v27+s28+$0x0], $0xffff  }
0x238: {  	v55 =	vld.idx.msk [tilespmem:v27+s30+$0x0], $0xffff  }
0x239: {  	v31 =	vld.idx.msk [tilespmem:v17+s28+$0x0], $0xffff  }
0x23a: {  	v20 =	vld.idx.msk [tilespmem:v20+s30+$0x0], $0xffff  }
0x23b: {  	v56 =	vld.idx.msk [tilespmem:v17+s30+$0x0], $0xffff  }
0x23c: {  	v4 =	vld.idx.msk [tilespmem:v4+s28+$0x0], $0xffff  }
0x23d: {  	v18 =	vmul.f32 v25, v18  }
0x23e: {  	v58 =	vadd.f32 v28, v26;
	v14 =	vmul.f32 v14, v16;
	v22 =	vmul.f32 v24, v22  }
0x23f: {  	v18 =	vadd.f32 v18, v23;
	v6 =	vmul.f32 v53, v6;
	v19 =	vmul.f32 v20, v19  }
0x240: {  	v61 =	vadd.f32 v14, v15;
	v57 =	vmul.f32 v55, v54;
	v3 =	vmul.f32 v3, v21  }
0x241: {  	v59 =	vmul.f32 v56, v31;
	v4 =	vmul.f32 v5, v4;
	v6 =	vadd.f32 v6, v19  }
0x242: {  	v12 =	vadd.f32 v12, v57;
	v3 =	vadd.f32 v3, v22  }
0x243: {  	v60 =	vadd.f32 v11, v59;
	v4 =	vadd.f32 v4, v13  }
0x244: {  	v62 =	vadd.f32 v58, v18;
	v3 =	vadd.f32 v12, v3  }
0x245: {  	v5 =	vadd.f32 v60, v6;
	v4 =	vadd.f32 v61, v4  }
0x246: {  	v63 =	vadd.f32 v62, v7;
	v3 =	vadd.f32 v3, v8  }
0x247: {  	v5 =	vadd.f32 v5, v9;
	v4 =	vadd.f32 v4, v10;
	_ =	sdelay $0x1  }
0x248: {  	v4 =	vadd.f32 v63, v4;
	v3 =	vadd.f32 v3, v5;
	_ =	sdelay $0x1  }
0x249: {  	v3 =	vadd.f32 v3, v4;
	_ =	sdelay $0x1  }
0x24a: {  	v3 =	vsub.f32 $0.0e+00, v3;
	_ =	sdelay $0x1  }
0x24b: {  	v3 =	vmul.f32 $1.442695020e+00, v3;
	_ =	sdelay $0x1  }
0x24c: {  	(erf) = vpow2.f32 v3;
	_ =	sdelay $0x8  }
0x24d: {  	v3 =	vpop (erf)  }
0x24e: {  	v3 =	vadd.f32 $1.000000000e+00, v3;
	_ =	sdelay $0x1  }
0x24f: {  	(erf) = vrcp.f32 v3;
	_ =	sdelay $0x3  }
0x250: {  	s7 =	sadd.s32 $0x1, s7  }
0x251: {  	p0 =	sne.s32 s7, $0x5  }
.Ltmp9:
0x252: {  	_ = 	snop;
	(pc) =	sbr.rel @p0 .LBB2_19-.Ltmp9, $3  }
0x253: {  	_ =	sdelay $0x1  }
0x254: {  	v3 =	vpop (erf)  }
0x255: {  	[tilespmem:v2+s3+$0x0 ss:$0x1] =	vst.idx.msk $0xffff, v3  }
0x256: {  	p0 =	sne.s32 s8, $0x18  }
0x257: {  	s0 =	smul.u32 @p0 $0x190, s8;
	_ =	sdelay $0x1  }
0x258: {  	s3 =	simm.s32 @p0 $0x50;
	s4 =	simm.s32 @p0 $0xEF00;
	s2 =	sadd.s32 @p0 $0x2D0, s0  }
0x259: {  	[tilespmem:s4], [sflag:$0x7] =	stream.indirect.gather @p0 [hbm4b:s1+s3], $0x80, s2, s3, $0xb8;
	[tilespmem:$0x1E700] =	vst v63  }
0x25a: {  	s0 =	sadd.s32 @p0 $0x2A50, s0;
	s2 =	simm.s32 @p0 $0x1B700  }
0x25b: {  	[tilespmem:s2], [sflag:$0xC] =	stream.indirect.gather @p0 [hbm4b:s1+s3], $0x80, s0, s3, $0xb8;
	[tilespmem:$0x1E700] =	vst v63  }
0x25c: {  	s0 =	sand.u32 @p0 $0xFF, s10  }
0x25d: {  	p1 =	sne.s32 @p0 s0, $0x4  }
0x25e: {  	p0 =	por !p0, !p1  }
0x25f: {  	s0 =	smulhi.u32 @p0 $0xCCCCCCCD, s8;
	_ =	sdelay $0x1  }
0x260: {  	s0 =	sshrl.u32 @p0 s0, $0x2  }
0x261: {  	s0 =	smul.u32 @p0 $0x7D0, s0  }
0x262: {  	s2 =	rddreg @p0 [dreg:$0x5]  }
0x263: {  	s0 =	sadd.s32 @p0 s2, s0  }
0x264: {  	s2 =	rddreg @p0 [dreg:$0x3];
	s0 =	sshrl.u32 @p0 s0, $0x3  }
0x265: {  	s3 =	simm.s32 @p0 $0x1DF00;
	s0 =	sadd.s32 @p0 s2, s0;
	s2 =	simm.s32 @p0 $0x0  }
0x266: {  	[hbm4b:s0+s2] =	stream.linear.scatter @p0 [tilespmem:s3], [sflag:$0xD], $0x7D0, $0x38;
	[tilespmem:$0x1E700] =	vst v63  }
0x267: {  	s0 =	simm.s32 @p0 $0xD  }
0x268: {  	_ =	swait.ge @p0 [sflag:s0], $0x7D0  }
0x269: {  	s8 =	sadd.s32 $0x1, s8;
	[sflag:s0] =	ssyncset.done @p0 $0x0  }
0x26a: {  	[sflag:s0] =	ssyncadd.s32 @p0 $0xFFFFF830;
	p0 =	sne.s32 s8, $0x19  }
.Ltmp10:
0x26b: {  	_ = 	snop;
	(pc) =	sbr.rel @p0 .LBB2_2-.Ltmp10, $1  }
0x26c: {  	_ =	sdelay $0x3  }
0x26d: {  	s2 =	rddreg [dreg:$0x9]  }
0x26e: {  	s0 =	rddreg [dreg:$0x8];
	s2 =	sadd.s32 $0x1, s2  }
0x26f: {  	p0 =	sne.s32 s2, s0  }
.Ltmp11:
0x270: {  	_ = 	snop;
	(pc) =	sbr.rel @p0 .LBB2_1-.Ltmp11, $1  }
0x271: {  	_ =	sdelay $0x3  }
0x272: {  	_ =	sfence.sel $0x180000  }
0x273: {  	[bflag:$0x0] =	sbarrier.arrive $0xFFFF  }
0x274: {  	_ =	strace $0x90000047  }
0x275: {  	s0 =	stileid.u32;
	[bflag:$0x2] =	sbarrier.arrive $0xFFFF  }
0x276: {  	p0 =	sne.s32 s0, $0x0;
	s0 =	rddreg [dreg:$0x4]  }
0x277: {  	s0 =	sadd.s32 @!p0 $0x100000, s0  }
0x278: {  	[sflag:s0] =	ssyncadd.tile.s32 @!p0 $0x1;
	_ =	shalt  }
.Lfunc_end2:
_tile_overlayer_lowered:
.L_overlay_start_2:
0x279: {  	(tag) =	ssettag $0x2  }
0x27a: {  	s0 =	rddreg [dreg:$0x0];
	s2 =	stileid.u32  }
0x27b: {  	s1 =	rddreg [dreg:$0x1];
	p0 =	sne.s32 s2, $0x0  }
0x27c: {  	s3 =	rddreg [dreg:$0x2];
	[bflag:$0x3] =	sbarrier.arrive $0xFFFF;
	s2 =	simm.s32 @!p0 $0x1C0D  }
0x27d: {  	[timem:s3], [sflag:s2] =	dma.local @!p0 [hbm:s0], s1  }
0x27e: {  	s0 =	simm.s32 @!p0 $0xD  }
0x27f: {  	_ =	swait.ge @!p0 [sflag:s0], s1  }
0x280: {  	s1 =	ssub.s32 @!p0 $0x0, s1;
	[sflag:s0] =	ssyncset.done @!p0 $0x0  }
0x281: {  	[sflag:s0] =	ssyncadd.s32 @!p0 s1  }
0x282: {  	[bflag:$0x3] =	sbarrier.arrive $0xFFFF  }
0x283: {  	_ =	shalt  }

</sc_bundles>
